<compile_context>
chip_gen: v7x
topology: tpu7x:2x2x1
jax: 0.10.2.dev20260603
libtpu: 0.0.44.dev20260713+nightly
codegen_flags: <defaults>
</compile_context>

<pallas_src>
import functools

import jax
import jax.numpy as jnp
from jax import lax
from jax.experimental import pallas as pl
from jax.experimental.pallas import tpu as pltpu
from jax.experimental.pallas import tpu_sc as plsc

B = 128
N = 8192
M = 8192
L = 16
NSUB = 16
R = B // NSUB

_mesh = plsc.VectorSubcoreMesh(core_axis_name="c", subcore_axis_name="s",
                               num_cores=2, num_subcores=NSUB)
_params = pltpu.CompilerParams(needs_layout_passes=False)


def _tc_argmax_body(rec_ref, sub_ref, ri_ref, si_ref):
    def row_argmax(x):
        m = jnp.max(x, axis=1, keepdims=True)
        iota = lax.broadcasted_iota(jnp.int32, x.shape, 1)
        return jnp.min(jnp.where(x == m, iota, jnp.int32(2**30)), axis=1)

    ri_ref[...] = row_argmax(rec_ref[...])
    si_ref[...] = row_argmax(sub_ref[...])


_tc_argmax = pl.pallas_call(
    _tc_argmax_body,
    out_shape=(
        jax.ShapeDtypeStruct((B,), jnp.int32),
        jax.ShapeDtypeStruct((B,), jnp.int32),
    ),
)


def _gather_social_body(ri_hbm, si_hbm, vid_hbm, pref_hbm, struct_hbm,
                        tp_hbm, ts_hbm, th_hbm,
                        rb, siv, piv, idxb, vidall, prefrows, rowpv,
                        thw, pib, tpb, thb, tsb, pi_sh,
                        sem0, sem1, sem2, sem3):
    c = lax.axis_index("c")
    s = lax.axis_index("s")
    lane = lax.iota(jnp.int32, L)
    base = s * R
    m8 = lane < R

    @pl.when(c == 0)
    def _():
        cp_r = pltpu.async_copy(ri_hbm.at[pl.ds(base, R)],
                                rb.at[pl.ds(0, R)], sem0)
        cp_s = pltpu.async_copy(si_hbm, siv.at[pl.ds(0, B)], sem1)
        cp_vd = pltpu.async_copy(vid_hbm, vidall, sem2)
        cp_r.wait()
        cp_s.wait()
        myri = rb[...]
        mysi = siv[pl.ds(base, L)]
        cp_pi = pltpu.async_copy(pref_hbm.at[siv.at[pl.ds(base, R)]],
                                 prefrows.at[pl.ds(0, R)], sem1)
        th_copies = []
        for j in range(R):
            col0 = (myri[j] // L) * L
            cp = pltpu.async_copy(
                struct_hbm.at[mysi[j], pl.ds(col0, L)], thw.at[j], sem3)
            th_copies.append(cp)
        cp_vd.wait()
        vid16 = plsc.load_gather(vidall, [jnp.where(m8, myri + 100, 0)])
        idxb[...] = jnp.where(m8, vid16, 0)
        cp_pv = pltpu.async_copy(pref_hbm.at[idxb.at[pl.ds(0, R)]],
                                 rowpv.at[pl.ds(0, R)], sem2)
        cp_pi.wait()
        rowidx = jnp.where(m8, lane, 0)
        colidx = jnp.where(m8, base + lane, 0)
        pi16 = plsc.load_gather(prefrows, [rowidx, colidx])
        pib[...] = pi16
        pltpu.sync_copy(pib.at[pl.ds(0, R)], pi_sh.at[pl.ds(base, R)])
        cp_pv.wait()
        for cp in th_copies:
            cp.wait()
        pv16 = plsc.load_gather(rowpv, [rowidx, colidx])
        th16 = plsc.load_gather(thw, [rowidx, jnp.where(m8, myri % L, 0)])
        tpb[...] = pi16 - pv16
        thb[...] = th16
        pltpu.sync_copy(tpb.at[pl.ds(0, R)], tp_hbm.at[pl.ds(base, R)])
        pltpu.sync_copy(thb.at[pl.ds(0, R)], th_hbm.at[pl.ds(base, R)])

    plsc.subcore_barrier()

    @pl.when(c == 0)
    def _():
        pltpu.sync_copy(pi_sh, piv.at[pl.ds(0, B)])
        ts_vec = jnp.zeros((L,), jnp.float32)
        for j in range(R):
            i = base + j
            ivec = jnp.full((L,), i, jnp.int32)
            s_ib = plsc.load_gather(siv, [ivec])
            p_ib = plsc.load_gather(piv, [ivec])
            acc = jnp.zeros((L,), jnp.float32)
            for cc in range(B // L):
                sl = pl.ds(cc * L, L)
                sik = siv[sl]
                pik = piv[sl]
                idxv = lane + cc * L
                msk = jnp.logical_and(sik == s_ib, idxv != i)
                acc = acc + jnp.where(msk, jnp.minimum(pik, p_ib), 0.0)
            ts_j = jnp.sum(acc)
            ts_vec = jnp.where(lane == j, jnp.full((L,), ts_j, jnp.float32),
                               ts_vec)
        tsb[...] = ts_vec
        pltpu.sync_copy(tsb.at[pl.ds(0, R)], ts_hbm.at[pl.ds(base, R)])


_gather_social_call = functools.partial(
    pl.kernel,
    out_type=(
        jax.ShapeDtypeStruct((B,), jnp.float32),
        jax.ShapeDtypeStruct((B,), jnp.float32),
        jax.ShapeDtypeStruct((B,), jnp.float32),
    ),
    mesh=_mesh,
    scratch_types=[
        pltpu.VMEM((L,), jnp.int32),
        pltpu.VMEM((B + L,), jnp.int32),
        pltpu.VMEM((B + L,), jnp.float32),
        pltpu.VMEM((L,), jnp.int32),
        pltpu.VMEM((100 + N,), jnp.int32),
        pltpu.VMEM((R, B), jnp.float32),
        pltpu.VMEM((R, B), jnp.float32),
        pltpu.VMEM((R, L), jnp.float32),
        pltpu.VMEM((L,), jnp.float32),
        pltpu.VMEM((L,), jnp.float32),
        pltpu.VMEM((L,), jnp.float32),
        pltpu.VMEM((L,), jnp.float32),
        pltpu.VMEM_SHARED((B,), jnp.float32),
        pltpu.SemaphoreType.DMA,
        pltpu.SemaphoreType.DMA,
        pltpu.SemaphoreType.DMA,
        pltpu.SemaphoreType.DMA,
    ],
    compiler_params=_params,
)(_gather_social_body)


def kernel(Recommended_m, Substitute_m, ItemGroups_m, Vid, VUU, KUU, Vscore,
           Kscore, preference, structure):
    del ItemGroups_m, VUU, KUU, Vscore, Kscore
    ri, si = _tc_argmax(Recommended_m, Substitute_m)
    tp, ts, th = _gather_social_call(ri, si, Vid, preference, structure)
    return tp[:, None], ts[:, None], th[:, None]

# --- scband reference (transcript-rebuilt; emitter-appended) ---
"""Pipeline reference for scband-predict-loss-test-22299470201301 (READ-ONLY COPY).

The authoritative reference and input builder live on the scoring server;
editing this copy changes nothing except your own understanding.
"""

import jax, jax.numpy as jnp
import numpy as np

MAX_GROUP_MEMBER = 100


def setup_inputs(seed: int = 0) -> dict:
    key = jax.random.key(seed)
    ks = jax.random.split(key, 10)
    B, N, M = 128, 8192, 8192
    return {
        "Recommended_m": jax.random.normal(ks[0], (B, N), dtype=jnp.float32),
        "Substitute_m": jax.random.normal(ks[1], (B, M), dtype=jnp.float32),
        "ItemGroups_m": jax.random.normal(ks[2], (B, 64), dtype=jnp.float32),
        "Vid": jax.random.randint(ks[3], (MAX_GROUP_MEMBER + N,), 0, M, dtype=jnp.int32),
        "VUU": jax.random.normal(ks[4], (B, 64), dtype=jnp.float32),
        "KUU": jax.random.normal(ks[5], (B, 64), dtype=jnp.float32),
        "Vscore": jax.random.normal(ks[6], (B, 64), dtype=jnp.float32),
        "Kscore": jax.random.normal(ks[7], (B, 64), dtype=jnp.float32),
        "preference": jax.random.normal(ks[8], (M, B), dtype=jnp.float32),
        "structure": jax.random.normal(ks[9], (M, N), dtype=jnp.float32),
    }


def reference(Recommended_m, Substitute_m, ItemGroups_m, Vid, VUU, KUU, Vscore, Kscore, preference, structure):
    # topk(k=1, largest, sorted) along dim=1 -> indices of per-row max
    _, Recommended_i = jax.lax.top_k(Recommended_m, 1)
    _, Substitute_i = jax.lax.top_k(Substitute_m, 1)
    Vid_s = Vid[MAX_GROUP_MEMBER:]
    B = Recommended_m.shape[0]
    si = Substitute_i[:, 0]
    ri = Recommended_i[:, 0]
    rows = jnp.arange(B)
    # Thaptic[i,0] = structure[Substitute_i[i,0], Recommended_i[i,0]]
    Thaptic = structure[si, ri][:, None]
    # Tprefer[i,0] = preference[Substitute_i[i,0], i] - preference[Vid[Recommended_i[i,0]], i]
    pi = preference[si, rows]
    pv = preference[Vid_s[ri], rows]
    Tprefer = (pi - pv)[:, None]
    # Tsocial[i,0] = sum_{k != i, si[k]==si[i]} min(preference[si[k],k], preference[si[i],i])
    same = (si[None, :] == si[:, None]) & (~jnp.eye(B, dtype=bool))
    pair_min = jnp.minimum(pi[None, :], pi[:, None])
    Tsocial = jnp.sum(jnp.where(same, pair_min, 0.0), axis=1)[:, None]
    return (Tprefer, Tsocial, Thaptic)

if __name__ == "__main__":
    import jax
    _d = setup_inputs()
    print(jax.jit(kernel)(*tuple(_d.values())))

</pallas_src>

<mosaic_0001>
#map = affine_map<(d0, d1) -> (0)>
#map1 = affine_map<(d0, d1) -> (0, 0)>
module attributes {stable_mosaic.version = 14 : i64} {
  func.func @_gather_social_body(%arg0: i32, %arg1: i32, %arg2: memref<128xi32, #tpu.memory_space<hbm>>, %arg3: memref<128xi32, #tpu.memory_space<hbm>>, %arg4: memref<8292xi32, #tpu.memory_space<hbm>>, %arg5: memref<8192x128xf32, #tpu.memory_space<hbm>>, %arg6: memref<8192x8192xf32, #tpu.memory_space<hbm>>, %arg7: memref<128xf32, #tpu.memory_space<hbm>>, %arg8: memref<128xf32, #tpu.memory_space<hbm>>, %arg9: memref<128xf32, #tpu.memory_space<hbm>>, %arg10: memref<16xi32, #tpu.memory_space<vmem>>, %arg11: memref<144xi32, #tpu.memory_space<vmem>>, %arg12: memref<144xf32, #tpu.memory_space<vmem>>, %arg13: memref<16xi32, #tpu.memory_space<vmem>>, %arg14: memref<8292xi32, #tpu.memory_space<vmem>>, %arg15: memref<8x128xf32, #tpu.memory_space<vmem>>, %arg16: memref<8x128xf32, #tpu.memory_space<vmem>>, %arg17: memref<8x16xf32, #tpu.memory_space<vmem>>, %arg18: memref<16xf32, #tpu.memory_space<vmem>>, %arg19: memref<16xf32, #tpu.memory_space<vmem>>, %arg20: memref<16xf32, #tpu.memory_space<vmem>>, %arg21: memref<16xf32, #tpu.memory_space<vmem>>, %arg22: memref<128xf32, #tpu.memory_space<vmem_shared>>, %arg23: memref<!tpu.dma_semaphore, #tpu.memory_space<semaphore_mem>>, %arg24: memref<!tpu.dma_semaphore, #tpu.memory_space<semaphore_mem>>, %arg25: memref<!tpu.dma_semaphore, #tpu.memory_space<semaphore_mem>>, %arg26: memref<!tpu.dma_semaphore, #tpu.memory_space<semaphore_mem>>) attributes {dimension_semantics = [#tpu.dimension_semantics<core_parallel>, #tpu.dimension_semantics<subcore_parallel>], iteration_bounds = array<i64: 2, 16>, scalar_prefetch = 0 : i64, scratch_operands = 17 : i64, tpu.core_type = #tpu.core_type<sc_vector_subcore>, window_params = [{transform_indices = #map}, {transform_indices = #map}, {transform_indices = #map}, {transform_indices = #map1}, {transform_indices = #map1}, {transform_indices = #map}, {transform_indices = #map}, {transform_indices = #map}]} {
    %iota3A = tpu.iota {dimensions = array<i32: 0>} : vector<16xi32>
    %mul3A = arith.constant 8 : i32
    %mul3A_0 = arith.muli %arg1, %mul3A : i32
    %lt3A = arith.constant 8 : i32
    %lt3A_1 = vector.broadcast %lt3A : i32 to vector<16xi32>
    %lt3A_2 = arith.cmpi slt, %iota3A, %lt3A_1 : vector<16xi32>
    %eq3A = arith.constant 0 : i32
    %eq3A_3 = arith.cmpi eq, %arg0, %eq3A : i32
    %convert_element_type3A = arith.extui %eq3A_3 : i1 to i32
    %cond3A = arith.constant 0 : i32
    %cond3A_4 = arith.cmpi ne, %convert_element_type3A, %cond3A : i32
    scf.if %cond3A_4 {
      %dma_start3A = arith.constant 0 : i32
      %dma_start3A_10 = tpu.memref_slice %arg10[%dma_start3A] : memref<16xi32, #tpu.memory_space<vmem>> -> memref<8xi32, #tpu.memory_space<vmem>>
      %dma_start3A_11 = tpu.memref_slice %arg2[%mul3A_0] : memref<128xi32, #tpu.memory_space<hbm>> -> memref<8xi32, #tpu.memory_space<hbm>>
      %dma_start3A_12 = arith.constant 0 : i32
      %dma_start3A_13 = tpu.memref_slice %arg10[%dma_start3A_12] : memref<16xi32, #tpu.memory_space<vmem>> -> memref<8xi32, #tpu.memory_space<vmem>>
      %dma_start3A_14 = tpu.memref_slice %arg2[%mul3A_0] : memref<128xi32, #tpu.memory_space<hbm>> -> memref<8xi32, #tpu.memory_space<hbm>>
      tpu.enqueue_dma source(%dma_start3A_14 : memref<8xi32, #tpu.memory_space<hbm>>) target(%dma_start3A_13 : memref<8xi32, #tpu.memory_space<vmem>>) target_semaphore(%arg23 : memref<!tpu.dma_semaphore, #tpu.memory_space<semaphore_mem>>)
      %dma_start3A_15 = arith.constant 0 : i32
      %dma_start3A_16 = tpu.memref_slice %arg11[%dma_start3A_15] : memref<144xi32, #tpu.memory_space<vmem>> -> memref<128xi32, #tpu.memory_space<vmem>>
      %dma_start3A_17 = arith.constant 0 : i32
      %dma_start3A_18 = tpu.memref_slice %arg11[%dma_start3A_17] : memref<144xi32, #tpu.memory_space<vmem>> -> memref<128xi32, #tpu.memory_space<vmem>>
      tpu.enqueue_dma source(%arg3 : memref<128xi32, #tpu.memory_space<hbm>>) target(%dma_start3A_18 : memref<128xi32, #tpu.memory_space<vmem>>) target_semaphore(%arg24 : memref<!tpu.dma_semaphore, #tpu.memory_space<semaphore_mem>>)
      tpu.enqueue_dma source(%arg4 : memref<8292xi32, #tpu.memory_space<hbm>>) target(%arg14 : memref<8292xi32, #tpu.memory_space<vmem>>) target_semaphore(%arg25 : memref<!tpu.dma_semaphore, #tpu.memory_space<semaphore_mem>>)
      %dma_wait3A = arith.constant 0 : i32
      %dma_wait3A_19 = tpu.memref_slice %arg10[%dma_wait3A] : memref<16xi32, #tpu.memory_space<vmem>> -> memref<8xi32, #tpu.memory_space<vmem>>
      %dma_wait3A_20 = tpu.memref_slice %arg2[%mul3A_0] : memref<128xi32, #tpu.memory_space<hbm>> -> memref<8xi32, #tpu.memory_space<hbm>>
      %dma_wait3A_21 = arith.constant 0 : i32
      %dma_wait3A_22 = tpu.memref_slice %arg10[%dma_wait3A_21] : memref<16xi32, #tpu.memory_space<vmem>> -> memref<8xi32, #tpu.memory_space<vmem>>
      %dma_wait3A_23 = tpu.memref_slice %arg2[%mul3A_0] : memref<128xi32, #tpu.memory_space<hbm>> -> memref<8xi32, #tpu.memory_space<hbm>>
      tpu.wait_dma2 semaphore(%arg23 : memref<!tpu.dma_semaphore, #tpu.memory_space<semaphore_mem>>) src(%dma_wait3A_23 : memref<8xi32, #tpu.memory_space<hbm>>) dst(%dma_wait3A_22 : memref<8xi32, #tpu.memory_space<vmem>>)
      %dma_wait3A_24 = arith.constant 0 : i32
      %dma_wait3A_25 = tpu.memref_slice %arg11[%dma_wait3A_24] : memref<144xi32, #tpu.memory_space<vmem>> -> memref<128xi32, #tpu.memory_space<vmem>>
      %dma_wait3A_26 = arith.constant 0 : i32
      %dma_wait3A_27 = tpu.memref_slice %arg11[%dma_wait3A_26] : memref<144xi32, #tpu.memory_space<vmem>> -> memref<128xi32, #tpu.memory_space<vmem>>
      tpu.wait_dma2 semaphore(%arg24 : memref<!tpu.dma_semaphore, #tpu.memory_space<semaphore_mem>>) src(%arg3 : memref<128xi32, #tpu.memory_space<hbm>>) dst(%dma_wait3A_27 : memref<128xi32, #tpu.memory_space<vmem>>)
      %get3A = arith.constant 0 : index
      %get3A_28 = tpu.vector_load %arg10[%get3A] {strides = array<i32>} : memref<16xi32, #tpu.memory_space<vmem>>, vector<16xi32>,
      %get3A_29 = arith.index_cast %mul3A_0 : i32 to index
      %get3A_30 = tpu.vector_load %arg11[%get3A_29] {strides = array<i32>} : memref<144xi32, #tpu.memory_space<vmem>>, vector<16xi32>,
      %dma_start3A_31 = arith.constant 0 : i32
      %dma_start3A_32 = arith.constant 0 : i32
      %dma_start3A_33 = tpu.memref_slice %arg15[%dma_start3A_31, %dma_start3A_32] : memref<8x128xf32, #tpu.memory_space<vmem>> -> memref<8x128xf32, #tpu.memory_space<vmem>>
      %dma_start3A_34 = tpu.memref_slice %arg11[%mul3A_0] : memref<144xi32, #tpu.memory_space<vmem>> -> memref<8xi32, #tpu.memory_space<vmem>>
      %dma_start3A_35 = arith.constant 0 : i32
      %dma_start3A_36 = arith.constant 0 : i32
      %dma_start3A_37 = tpu.memref_slice %arg5[%dma_start3A_35, %dma_start3A_36] : memref<8192x128xf32, #tpu.memory_space<hbm>> -> memref<8192x128xf32, #tpu.memory_space<hbm>>
      tpu.enqueue_indirect_dma source(%dma_start3A_37 : memref<8192x128xf32, #tpu.memory_space<hbm>>) target(%dma_start3A_33 : memref<8x128xf32, #tpu.memory_space<vmem>>) offsets(%dma_start3A_34 : memref<8xi32, #tpu.memory_space<vmem>>) semaphore(%arg24 : memref<!tpu.dma_semaphore, #tpu.memory_space<semaphore_mem>>)
      %slice3A = vector.extract_strided_slice %get3A_28 {offsets = [0], sizes = [1], strides = [1]} : vector<16xi32> to vector<1xi32>
      %squeeze3A = vector.extract %slice3A[0] : i32 from vector<1xi32>
      %jit3A = arith.constant 16 : i32
      %div3A = arith.divsi %squeeze3A, %jit3A : i32
      %sign3A = arith.constant 0 : i32
      %sign3A_38 = arith.cmpi sgt, %squeeze3A, %sign3A : i32
      %sign3A_39 = arith.extui %sign3A_38 : i1 to i32
      %sign3A_40 = arith.constant 0 : i32
      %sign3A_41 = arith.cmpi slt, %squeeze3A, %sign3A_40 : i32
      %sign3A_42 = arith.extui %sign3A_41 : i1 to i32
      %sign3A_43 = arith.subi %sign3A_39, %sign3A_42 : i32
      %sign3A_44 = arith.constant 0 : i32
      %sign3A_45 = arith.cmpi sgt, %jit3A, %sign3A_44 : i32
      %sign3A_46 = arith.extui %sign3A_45 : i1 to i32
      %sign3A_47 = arith.constant 0 : i32
      %sign3A_48 = arith.cmpi slt, %jit3A, %sign3A_47 : i32
      %sign3A_49 = arith.extui %sign3A_48 : i1 to i32
      %sign3A_50 = arith.subi %sign3A_46, %sign3A_49 : i32
      %ne3A = arith.cmpi ne, %sign3A_43, %sign3A_50 : i32
      %rem3A = arith.remsi %squeeze3A, %jit3A : i32
      %ne3A_51 = arith.constant 0 : i32
      %ne3A_52 = arith.cmpi ne, %rem3A, %ne3A_51 : i32
      %and3A = arith.andi %ne3A, %ne3A_52 : i1
      %sub3A = arith.constant 1 : i32
      %sub3A_53 = arith.subi %div3A, %sub3A : i32
      %select_n3A = arith.select %and3A, %sub3A_53, %div3A : i32
      %mul3A_54 = arith.constant 16 : i32
      %mul3A_55 = arith.muli %select_n3A, %mul3A_54 : i32
      %slice3A_56 = vector.extract_strided_slice %get3A_30 {offsets = [0], sizes = [1], strides = [1]} : vector<16xi32> to vector<1xi32>
      %squeeze3A_57 = vector.extract %slice3A_56[0] : i32 from vector<1xi32>
      %dma_start3A_58 = arith.constant 0 : i32
      %dma_start3A_59 = arith.constant 0 : i32
      %dma_start3A_60 = tpu.memref_slice %arg17[%dma_start3A_58, %dma_start3A_59] : memref<8x16xf32, #tpu.memory_space<vmem>> -> memref<1x16xf32, #tpu.memory_space<vmem>>
      %dma_start3A_61 = tpu.memref_squeeze %dma_start3A_60 : memref<1x16xf32, #tpu.memory_space<vmem>> -> memref<16xf32, #tpu.memory_space<vmem>>
      %dma_start3A_62 = tpu.memref_slice %arg6[%squeeze3A_57, %mul3A_55] : memref<8192x8192xf32, #tpu.memory_space<hbm>> -> memref<1x16xf32, #tpu.memory_space<hbm>>
      %dma_start3A_63 = tpu.memref_squeeze %dma_start3A_62 : memref<1x16xf32, #tpu.memory_space<hbm>> -> memref<16xf32, #tpu.memory_space<hbm>>
      %dma_start3A_64 = arith.constant 0 : i32
      %dma_start3A_65 = tpu.memref_slice %arg17[%dma_start3A_58, %dma_start3A_64] : memref<8x16xf32, #tpu.memory_space<vmem>> -> memref<1x16xf32, #tpu.memory_space<vmem>>
      %dma_start3A_66 = tpu.memref_squeeze %dma_start3A_65 : memref<1x16xf32, #tpu.memory_space<vmem>> -> memref<16xf32, #tpu.memory_space<vmem>>
      %dma_start3A_67 = tpu.memref_slice %arg6[%squeeze3A_57, %mul3A_55] : memref<8192x8192xf32, #tpu.memory_space<hbm>> -> memref<1x16xf32, #tpu.memory_space<hbm>>
      %dma_start3A_68 = tpu.memref_squeeze %dma_start3A_67 : memref<1x16xf32, #tpu.memory_space<hbm>> -> memref<16xf32, #tpu.memory_space<hbm>>
      tpu.enqueue_dma source(%dma_start3A_68 : memref<16xf32, #tpu.memory_space<hbm>>) target(%dma_start3A_66 : memref<16xf32, #tpu.memory_space<vmem>>) target_semaphore(%arg26 : memref<!tpu.dma_semaphore, #tpu.memory_space<semaphore_mem>>)
      %slice3A_69 = vector.extract_strided_slice %get3A_28 {offsets = [1], sizes = [1], strides = [1]} : vector<16xi32> to vector<1xi32>
      %squeeze3A_70 = vector.extract %slice3A_69[0] : i32 from vector<1xi32>
      %jit3A_71 = arith.constant 16 : i32
      %div3A_72 = arith.divsi %squeeze3A_70, %jit3A_71 : i32
      %sign3A_73 = arith.constant 0 : i32
      %sign3A_74 = arith.cmpi sgt, %squeeze3A_70, %sign3A_73 : i32
      %sign3A_75 = arith.extui %sign3A_74 : i1 to i32
      %sign3A_76 = arith.constant 0 : i32
      %sign3A_77 = arith.cmpi slt, %squeeze3A_70, %sign3A_76 : i32
      %sign3A_78 = arith.extui %sign3A_77 : i1 to i32
      %sign3A_79 = arith.subi %sign3A_75, %sign3A_78 : i32
      %sign3A_80 = arith.constant 0 : i32
      %sign3A_81 = arith.cmpi sgt, %jit3A_71, %sign3A_80 : i32
      %sign3A_82 = arith.extui %sign3A_81 : i1 to i32
      %sign3A_83 = arith.constant 0 : i32
      %sign3A_84 = arith.cmpi slt, %jit3A_71, %sign3A_83 : i32
      %sign3A_85 = arith.extui %sign3A_84 : i1 to i32
      %sign3A_86 = arith.subi %sign3A_82, %sign3A_85 : i32
      %ne3A_87 = arith.cmpi ne, %sign3A_79, %sign3A_86 : i32
      %rem3A_88 = arith.remsi %squeeze3A_70, %jit3A_71 : i32
      %ne3A_89 = arith.constant 0 : i32
      %ne3A_90 = arith.cmpi ne, %rem3A_88, %ne3A_89 : i32
      %and3A_91 = arith.andi %ne3A_87, %ne3A_90 : i1
      %sub3A_92 = arith.constant 1 : i32
      %sub3A_93 = arith.subi %div3A_72, %sub3A_92 : i32
      %select_n3A_94 = arith.select %and3A_91, %sub3A_93, %div3A_72 : i32
      %mul3A_95 = arith.constant 16 : i32
      %mul3A_96 = arith.muli %select_n3A_94, %mul3A_95 : i32
      %slice3A_97 = vector.extract_strided_slice %get3A_30 {offsets = [1], sizes = [1], strides = [1]} : vector<16xi32> to vector<1xi32>
      %squeeze3A_98 = vector.extract %slice3A_97[0] : i32 from vector<1xi32>
      %dma_start3A_99 = arith.constant 1 : i32
      %dma_start3A_100 = arith.constant 0 : i32
      %dma_start3A_101 = tpu.memref_slice %arg17[%dma_start3A_99, %dma_start3A_100] : memref<8x16xf32, #tpu.memory_space<vmem>> -> memref<1x16xf32, #tpu.memory_space<vmem>>
      %dma_start3A_102 = tpu.memref_squeeze %dma_start3A_101 : memref<1x16xf32, #tpu.memory_space<vmem>> -> memref<16xf32, #tpu.memory_space<vmem>>
      %dma_start3A_103 = tpu.memref_slice %arg6[%squeeze3A_98, %mul3A_96] : memref<8192x8192xf32, #tpu.memory_space<hbm>> -> memref<1x16xf32, #tpu.memory_space<hbm>>
      %dma_start3A_104 = tpu.memref_squeeze %dma_start3A_103 : memref<1x16xf32, #tpu.memory_space<hbm>> -> memref<16xf32, #tpu.memory_space<hbm>>
      %dma_start3A_105 = arith.constant 0 : i32
      %dma_start3A_106 = tpu.memref_slice %arg17[%dma_start3A_99, %dma_start3A_105] : memref<8x16xf32, #tpu.memory_space<vmem>> -> memref<1x16xf32, #tpu.memory_space<vmem>>
      %dma_start3A_107 = tpu.memref_squeeze %dma_start3A_106 : memref<1x16xf32, #tpu.memory_space<vmem>> -> memref<16xf32, #tpu.memory_space<vmem>>
      %dma_start3A_108 = tpu.memref_slice %arg6[%squeeze3A_98, %mul3A_96] : memref<8192x8192xf32, #tpu.memory_space<hbm>> -> memref<1x16xf32, #tpu.memory_space<hbm>>
      %dma_start3A_109 = tpu.memref_squeeze %dma_start3A_108 : memref<1x16xf32, #tpu.memory_space<hbm>> -> memref<16xf32, #tpu.memory_space<hbm>>
      tpu.enqueue_dma source(%dma_start3A_109 : memref<16xf32, #tpu.memory_space<hbm>>) target(%dma_start3A_107 : memref<16xf32, #tpu.memory_space<vmem>>) target_semaphore(%arg26 : memref<!tpu.dma_semaphore, #tpu.memory_space<semaphore_mem>>)
      %slice3A_110 = vector.extract_strided_slice %get3A_28 {offsets = [2], sizes = [1], strides = [1]} : vector<16xi32> to vector<1xi32>
      %squeeze3A_111 = vector.extract %slice3A_110[0] : i32 from vector<1xi32>
      %jit3A_112 = arith.constant 16 : i32
      %div3A_113 = arith.divsi %squeeze3A_111, %jit3A_112 : i32
      %sign3A_114 = arith.constant 0 : i32
      %sign3A_115 = arith.cmpi sgt, %squeeze3A_111, %sign3A_114 : i32
      %sign3A_116 = arith.extui %sign3A_115 : i1 to i32
      %sign3A_117 = arith.constant 0 : i32
      %sign3A_118 = arith.cmpi slt, %squeeze3A_111, %sign3A_117 : i32
      %sign3A_119 = arith.extui %sign3A_118 : i1 to i32
      %sign3A_120 = arith.subi %sign3A_116, %sign3A_119 : i32
      %sign3A_121 = arith.constant 0 : i32
      %sign3A_122 = arith.cmpi sgt, %jit3A_112, %sign3A_121 : i32
      %sign3A_123 = arith.extui %sign3A_122 : i1 to i32
      %sign3A_124 = arith.constant 0 : i32
      %sign3A_125 = arith.cmpi slt, %jit3A_112, %sign3A_124 : i32
      %sign3A_126 = arith.extui %sign3A_125 : i1 to i32
      %sign3A_127 = arith.subi %sign3A_123, %sign3A_126 : i32
      %ne3A_128 = arith.cmpi ne, %sign3A_120, %sign3A_127 : i32
      %rem3A_129 = arith.remsi %squeeze3A_111, %jit3A_112 : i32
      %ne3A_130 = arith.constant 0 : i32
      %ne3A_131 = arith.cmpi ne, %rem3A_129, %ne3A_130 : i32
      %and3A_132 = arith.andi %ne3A_128, %ne3A_131 : i1
      %sub3A_133 = arith.constant 1 : i32
      %sub3A_134 = arith.subi %div3A_113, %sub3A_133 : i32
      %select_n3A_135 = arith.select %and3A_132, %sub3A_134, %div3A_113 : i32
      %mul3A_136 = arith.constant 16 : i32
      %mul3A_137 = arith.muli %select_n3A_135, %mul3A_136 : i32
      %slice3A_138 = vector.extract_strided_slice %get3A_30 {offsets = [2], sizes = [1], strides = [1]} : vector<16xi32> to vector<1xi32>
      %squeeze3A_139 = vector.extract %slice3A_138[0] : i32 from vector<1xi32>
      %dma_start3A_140 = arith.constant 2 : i32
      %dma_start3A_141 = arith.constant 0 : i32
      %dma_start3A_142 = tpu.memref_slice %arg17[%dma_start3A_140, %dma_start3A_141] : memref<8x16xf32, #tpu.memory_space<vmem>> -> memref<1x16xf32, #tpu.memory_space<vmem>>
      %dma_start3A_143 = tpu.memref_squeeze %dma_start3A_142 : memref<1x16xf32, #tpu.memory_space<vmem>> -> memref<16xf32, #tpu.memory_space<vmem>>
      %dma_start3A_144 = tpu.memref_slice %arg6[%squeeze3A_139, %mul3A_137] : memref<8192x8192xf32, #tpu.memory_space<hbm>> -> memref<1x16xf32, #tpu.memory_space<hbm>>
      %dma_start3A_145 = tpu.memref_squeeze %dma_start3A_144 : memref<1x16xf32, #tpu.memory_space<hbm>> -> memref<16xf32, #tpu.memory_space<hbm>>
      %dma_start3A_146 = arith.constant 0 : i32
      %dma_start3A_147 = tpu.memref_slice %arg17[%dma_start3A_140, %dma_start3A_146] : memref<8x16xf32, #tpu.memory_space<vmem>> -> memref<1x16xf32, #tpu.memory_space<vmem>>
      %dma_start3A_148 = tpu.memref_squeeze %dma_start3A_147 : memref<1x16xf32, #tpu.memory_space<vmem>> -> memref<16xf32, #tpu.memory_space<vmem>>
      %dma_start3A_149 = tpu.memref_slice %arg6[%squeeze3A_139, %mul3A_137] : memref<8192x8192xf32, #tpu.memory_space<hbm>> -> memref<1x16xf32, #tpu.memory_space<hbm>>
      %dma_start3A_150 = tpu.memref_squeeze %dma_start3A_149 : memref<1x16xf32, #tpu.memory_space<hbm>> -> memref<16xf32, #tpu.memory_space<hbm>>
      tpu.enqueue_dma source(%dma_start3A_150 : memref<16xf32, #tpu.memory_space<hbm>>) target(%dma_start3A_148 : memref<16xf32, #tpu.memory_space<vmem>>) target_semaphore(%arg26 : memref<!tpu.dma_semaphore, #tpu.memory_space<semaphore_mem>>)
      %slice3A_151 = vector.extract_strided_slice %get3A_28 {offsets = [3], sizes = [1], strides = [1]} : vector<16xi32> to vector<1xi32>
      %squeeze3A_152 = vector.extract %slice3A_151[0] : i32 from vector<1xi32>
      %jit3A_153 = arith.constant 16 : i32
      %div3A_154 = arith.divsi %squeeze3A_152, %jit3A_153 : i32
      %sign3A_155 = arith.constant 0 : i32
      %sign3A_156 = arith.cmpi sgt, %squeeze3A_152, %sign3A_155 : i32
      %sign3A_157 = arith.extui %sign3A_156 : i1 to i32
      %sign3A_158 = arith.constant 0 : i32
      %sign3A_159 = arith.cmpi slt, %squeeze3A_152, %sign3A_158 : i32
      %sign3A_160 = arith.extui %sign3A_159 : i1 to i32
      %sign3A_161 = arith.subi %sign3A_157, %sign3A_160 : i32
      %sign3A_162 = arith.constant 0 : i32
      %sign3A_163 = arith.cmpi sgt, %jit3A_153, %sign3A_162 : i32
      %sign3A_164 = arith.extui %sign3A_163 : i1 to i32
      %sign3A_165 = arith.constant 0 : i32
      %sign3A_166 = arith.cmpi slt, %jit3A_153, %sign3A_165 : i32
      %sign3A_167 = arith.extui %sign3A_166 : i1 to i32
      %sign3A_168 = arith.subi %sign3A_164, %sign3A_167 : i32
      %ne3A_169 = arith.cmpi ne, %sign3A_161, %sign3A_168 : i32
      %rem3A_170 = arith.remsi %squeeze3A_152, %jit3A_153 : i32
      %ne3A_171 = arith.constant 0 : i32
      %ne3A_172 = arith.cmpi ne, %rem3A_170, %ne3A_171 : i32
      %and3A_173 = arith.andi %ne3A_169, %ne3A_172 : i1
      %sub3A_174 = arith.constant 1 : i32
      %sub3A_175 = arith.subi %div3A_154, %sub3A_174 : i32
      %select_n3A_176 = arith.select %and3A_173, %sub3A_175, %div3A_154 : i32
      %mul3A_177 = arith.constant 16 : i32
      %mul3A_178 = arith.muli %select_n3A_176, %mul3A_177 : i32
      %slice3A_179 = vector.extract_strided_slice %get3A_30 {offsets = [3], sizes = [1], strides = [1]} : vector<16xi32> to vector<1xi32>
      %squeeze3A_180 = vector.extract %slice3A_179[0] : i32 from vector<1xi32>
      %dma_start3A_181 = arith.constant 3 : i32
      %dma_start3A_182 = arith.constant 0 : i32
      %dma_start3A_183 = tpu.memref_slice %arg17[%dma_start3A_181, %dma_start3A_182] : memref<8x16xf32, #tpu.memory_space<vmem>> -> memref<1x16xf32, #tpu.memory_space<vmem>>
      %dma_start3A_184 = tpu.memref_squeeze %dma_start3A_183 : memref<1x16xf32, #tpu.memory_space<vmem>> -> memref<16xf32, #tpu.memory_space<vmem>>
      %dma_start3A_185 = tpu.memref_slice %arg6[%squeeze3A_180, %mul3A_178] : memref<8192x8192xf32, #tpu.memory_space<hbm>> -> memref<1x16xf32, #tpu.memory_space<hbm>>
      %dma_start3A_186 = tpu.memref_squeeze %dma_start3A_185 : memref<1x16xf32, #tpu.memory_space<hbm>> -> memref<16xf32, #tpu.memory_space<hbm>>
      %dma_start3A_187 = arith.constant 0 : i32
      %dma_start3A_188 = tpu.memref_slice %arg17[%dma_start3A_181, %dma_start3A_187] : memref<8x16xf32, #tpu.memory_space<vmem>> -> memref<1x16xf32, #tpu.memory_space<vmem>>
      %dma_start3A_189 = tpu.memref_squeeze %dma_start3A_188 : memref<1x16xf32, #tpu.memory_space<vmem>> -> memref<16xf32, #tpu.memory_space<vmem>>
      %dma_start3A_190 = tpu.memref_slice %arg6[%squeeze3A_180, %mul3A_178] : memref<8192x8192xf32, #tpu.memory_space<hbm>> -> memref<1x16xf32, #tpu.memory_space<hbm>>
      %dma_start3A_191 = tpu.memref_squeeze %dma_start3A_190 : memref<1x16xf32, #tpu.memory_space<hbm>> -> memref<16xf32, #tpu.memory_space<hbm>>
      tpu.enqueue_dma source(%dma_start3A_191 : memref<16xf32, #tpu.memory_space<hbm>>) target(%dma_start3A_189 : memref<16xf32, #tpu.memory_space<vmem>>) target_semaphore(%arg26 : memref<!tpu.dma_semaphore, #tpu.memory_space<semaphore_mem>>)
      %slice3A_192 = vector.extract_strided_slice %get3A_28 {offsets = [4], sizes = [1], strides = [1]} : vector<16xi32> to vector<1xi32>
      %squeeze3A_193 = vector.extract %slice3A_192[0] : i32 from vector<1xi32>
      %jit3A_194 = arith.constant 16 : i32
      %div3A_195 = arith.divsi %squeeze3A_193, %jit3A_194 : i32
      %sign3A_196 = arith.constant 0 : i32
      %sign3A_197 = arith.cmpi sgt, %squeeze3A_193, %sign3A_196 : i32
      %sign3A_198 = arith.extui %sign3A_197 : i1 to i32
      %sign3A_199 = arith.constant 0 : i32
      %sign3A_200 = arith.cmpi slt, %squeeze3A_193, %sign3A_199 : i32
      %sign3A_201 = arith.extui %sign3A_200 : i1 to i32
      %sign3A_202 = arith.subi %sign3A_198, %sign3A_201 : i32
      %sign3A_203 = arith.constant 0 : i32
      %sign3A_204 = arith.cmpi sgt, %jit3A_194, %sign3A_203 : i32
      %sign3A_205 = arith.extui %sign3A_204 : i1 to i32
      %sign3A_206 = arith.constant 0 : i32
      %sign3A_207 = arith.cmpi slt, %jit3A_194, %sign3A_206 : i32
      %sign3A_208 = arith.extui %sign3A_207 : i1 to i32
      %sign3A_209 = arith.subi %sign3A_205, %sign3A_208 : i32
      %ne3A_210 = arith.cmpi ne, %sign3A_202, %sign3A_209 : i32
      %rem3A_211 = arith.remsi %squeeze3A_193, %jit3A_194 : i32
      %ne3A_212 = arith.constant 0 : i32
      %ne3A_213 = arith.cmpi ne, %rem3A_211, %ne3A_212 : i32
      %and3A_214 = arith.andi %ne3A_210, %ne3A_213 : i1
      %sub3A_215 = arith.constant 1 : i32
      %sub3A_216 = arith.subi %div3A_195, %sub3A_215 : i32
      %select_n3A_217 = arith.select %and3A_214, %sub3A_216, %div3A_195 : i32
      %mul3A_218 = arith.constant 16 : i32
      %mul3A_219 = arith.muli %select_n3A_217, %mul3A_218 : i32
      %slice3A_220 = vector.extract_strided_slice %get3A_30 {offsets = [4], sizes = [1], strides = [1]} : vector<16xi32> to vector<1xi32>
      %squeeze3A_221 = vector.extract %slice3A_220[0] : i32 from vector<1xi32>
      %dma_start3A_222 = arith.constant 4 : i32
      %dma_start3A_223 = arith.constant 0 : i32
      %dma_start3A_224 = tpu.memref_slice %arg17[%dma_start3A_222, %dma_start3A_223] : memref<8x16xf32, #tpu.memory_space<vmem>> -> memref<1x16xf32, #tpu.memory_space<vmem>>
      %dma_start3A_225 = tpu.memref_squeeze %dma_start3A_224 : memref<1x16xf32, #tpu.memory_space<vmem>> -> memref<16xf32, #tpu.memory_space<vmem>>
      %dma_start3A_226 = tpu.memref_slice %arg6[%squeeze3A_221, %mul3A_219] : memref<8192x8192xf32, #tpu.memory_space<hbm>> -> memref<1x16xf32, #tpu.memory_space<hbm>>
      %dma_start3A_227 = tpu.memref_squeeze %dma_start3A_226 : memref<1x16xf32, #tpu.memory_space<hbm>> -> memref<16xf32, #tpu.memory_space<hbm>>
      %dma_start3A_228 = arith.constant 0 : i32
      %dma_start3A_229 = tpu.memref_slice %arg17[%dma_start3A_222, %dma_start3A_228] : memref<8x16xf32, #tpu.memory_space<vmem>> -> memref<1x16xf32, #tpu.memory_space<vmem>>
      %dma_start3A_230 = tpu.memref_squeeze %dma_start3A_229 : memref<1x16xf32, #tpu.memory_space<vmem>> -> memref<16xf32, #tpu.memory_space<vmem>>
      %dma_start3A_231 = tpu.memref_slice %arg6[%squeeze3A_221, %mul3A_219] : memref<8192x8192xf32, #tpu.memory_space<hbm>> -> memref<1x16xf32, #tpu.memory_space<hbm>>
      %dma_start3A_232 = tpu.memref_squeeze %dma_start3A_231 : memref<1x16xf32, #tpu.memory_space<hbm>> -> memref<16xf32, #tpu.memory_space<hbm>>
      tpu.enqueue_dma source(%dma_start3A_232 : memref<16xf32, #tpu.memory_space<hbm>>) target(%dma_start3A_230 : memref<16xf32, #tpu.memory_space<vmem>>) target_semaphore(%arg26 : memref<!tpu.dma_semaphore, #tpu.memory_space<semaphore_mem>>)
      %slice3A_233 = vector.extract_strided_slice %get3A_28 {offsets = [5], sizes = [1], strides = [1]} : vector<16xi32> to vector<1xi32>
      %squeeze3A_234 = vector.extract %slice3A_233[0] : i32 from vector<1xi32>
      %jit3A_235 = arith.constant 16 : i32
      %div3A_236 = arith.divsi %squeeze3A_234, %jit3A_235 : i32
      %sign3A_237 = arith.constant 0 : i32
      %sign3A_238 = arith.cmpi sgt, %squeeze3A_234, %sign3A_237 : i32
      %sign3A_239 = arith.extui %sign3A_238 : i1 to i32
      %sign3A_240 = arith.constant 0 : i32
      %sign3A_241 = arith.cmpi slt, %squeeze3A_234, %sign3A_240 : i32
      %sign3A_242 = arith.extui %sign3A_241 : i1 to i32
      %sign3A_243 = arith.subi %sign3A_239, %sign3A_242 : i32
      %sign3A_244 = arith.constant 0 : i32
      %sign3A_245 = arith.cmpi sgt, %jit3A_235, %sign3A_244 : i32
      %sign3A_246 = arith.extui %sign3A_245 : i1 to i32
      %sign3A_247 = arith.constant 0 : i32
      %sign3A_248 = arith.cmpi slt, %jit3A_235, %sign3A_247 : i32
      %sign3A_249 = arith.extui %sign3A_248 : i1 to i32
      %sign3A_250 = arith.subi %sign3A_246, %sign3A_249 : i32
      %ne3A_251 = arith.cmpi ne, %sign3A_243, %sign3A_250 : i32
      %rem3A_252 = arith.remsi %squeeze3A_234, %jit3A_235 : i32
      %ne3A_253 = arith.constant 0 : i32
      %ne3A_254 = arith.cmpi ne, %rem3A_252, %ne3A_253 : i32
      %and3A_255 = arith.andi %ne3A_251, %ne3A_254 : i1
      %sub3A_256 = arith.constant 1 : i32
      %sub3A_257 = arith.subi %div3A_236, %sub3A_256 : i32
      %select_n3A_258 = arith.select %and3A_255, %sub3A_257, %div3A_236 : i32
      %mul3A_259 = arith.constant 16 : i32
      %mul3A_260 = arith.muli %select_n3A_258, %mul3A_259 : i32
      %slice3A_261 = vector.extract_strided_slice %get3A_30 {offsets = [5], sizes = [1], strides = [1]} : vector<16xi32> to vector<1xi32>
      %squeeze3A_262 = vector.extract %slice3A_261[0] : i32 from vector<1xi32>
      %dma_start3A_263 = arith.constant 5 : i32
      %dma_start3A_264 = arith.constant 0 : i32
      %dma_start3A_265 = tpu.memref_slice %arg17[%dma_start3A_263, %dma_start3A_264] : memref<8x16xf32, #tpu.memory_space<vmem>> -> memref<1x16xf32, #tpu.memory_space<vmem>>
      %dma_start3A_266 = tpu.memref_squeeze %dma_start3A_265 : memref<1x16xf32, #tpu.memory_space<vmem>> -> memref<16xf32, #tpu.memory_space<vmem>>
      %dma_start3A_267 = tpu.memref_slice %arg6[%squeeze3A_262, %mul3A_260] : memref<8192x8192xf32, #tpu.memory_space<hbm>> -> memref<1x16xf32, #tpu.memory_space<hbm>>
      %dma_start3A_268 = tpu.memref_squeeze %dma_start3A_267 : memref<1x16xf32, #tpu.memory_space<hbm>> -> memref<16xf32, #tpu.memory_space<hbm>>
      %dma_start3A_269 = arith.constant 0 : i32
      %dma_start3A_270 = tpu.memref_slice %arg17[%dma_start3A_263, %dma_start3A_269] : memref<8x16xf32, #tpu.memory_space<vmem>> -> memref<1x16xf32, #tpu.memory_space<vmem>>
      %dma_start3A_271 = tpu.memref_squeeze %dma_start3A_270 : memref<1x16xf32, #tpu.memory_space<vmem>> -> memref<16xf32, #tpu.memory_space<vmem>>
      %dma_start3A_272 = tpu.memref_slice %arg6[%squeeze3A_262, %mul3A_260] : memref<8192x8192xf32, #tpu.memory_space<hbm>> -> memref<1x16xf32, #tpu.memory_space<hbm>>
      %dma_start3A_273 = tpu.memref_squeeze %dma_start3A_272 : memref<1x16xf32, #tpu.memory_space<hbm>> -> memref<16xf32, #tpu.memory_space<hbm>>
      tpu.enqueue_dma source(%dma_start3A_273 : memref<16xf32, #tpu.memory_space<hbm>>) target(%dma_start3A_271 : memref<16xf32, #tpu.memory_space<vmem>>) target_semaphore(%arg26 : memref<!tpu.dma_semaphore, #tpu.memory_space<semaphore_mem>>)
      %slice3A_274 = vector.extract_strided_slice %get3A_28 {offsets = [6], sizes = [1], strides = [1]} : vector<16xi32> to vector<1xi32>
      %squeeze3A_275 = vector.extract %slice3A_274[0] : i32 from vector<1xi32>
      %jit3A_276 = arith.constant 16 : i32
      %div3A_277 = arith.divsi %squeeze3A_275, %jit3A_276 : i32
      %sign3A_278 = arith.constant 0 : i32
      %sign3A_279 = arith.cmpi sgt, %squeeze3A_275, %sign3A_278 : i32
      %sign3A_280 = arith.extui %sign3A_279 : i1 to i32
      %sign3A_281 = arith.constant 0 : i32
      %sign3A_282 = arith.cmpi slt, %squeeze3A_275, %sign3A_281 : i32
      %sign3A_283 = arith.extui %sign3A_282 : i1 to i32
      %sign3A_284 = arith.subi %sign3A_280, %sign3A_283 : i32
      %sign3A_285 = arith.constant 0 : i32
      %sign3A_286 = arith.cmpi sgt, %jit3A_276, %sign3A_285 : i32
      %sign3A_287 = arith.extui %sign3A_286 : i1 to i32
      %sign3A_288 = arith.constant 0 : i32
      %sign3A_289 = arith.cmpi slt, %jit3A_276, %sign3A_288 : i32
      %sign3A_290 = arith.extui %sign3A_289 : i1 to i32
      %sign3A_291 = arith.subi %sign3A_287, %sign3A_290 : i32
      %ne3A_292 = arith.cmpi ne, %sign3A_284, %sign3A_291 : i32
      %rem3A_293 = arith.remsi %squeeze3A_275, %jit3A_276 : i32
      %ne3A_294 = arith.constant 0 : i32
      %ne3A_295 = arith.cmpi ne, %rem3A_293, %ne3A_294 : i32
      %and3A_296 = arith.andi %ne3A_292, %ne3A_295 : i1
      %sub3A_297 = arith.constant 1 : i32
      %sub3A_298 = arith.subi %div3A_277, %sub3A_297 : i32
      %select_n3A_299 = arith.select %and3A_296, %sub3A_298, %div3A_277 : i32
      %mul3A_300 = arith.constant 16 : i32
      %mul3A_301 = arith.muli %select_n3A_299, %mul3A_300 : i32
      %slice3A_302 = vector.extract_strided_slice %get3A_30 {offsets = [6], sizes = [1], strides = [1]} : vector<16xi32> to vector<1xi32>
      %squeeze3A_303 = vector.extract %slice3A_302[0] : i32 from vector<1xi32>
      %dma_start3A_304 = arith.constant 6 : i32
      %dma_start3A_305 = arith.constant 0 : i32
      %dma_start3A_306 = tpu.memref_slice %arg17[%dma_start3A_304, %dma_start3A_305] : memref<8x16xf32, #tpu.memory_space<vmem>> -> memref<1x16xf32, #tpu.memory_space<vmem>>
      %dma_start3A_307 = tpu.memref_squeeze %dma_start3A_306 : memref<1x16xf32, #tpu.memory_space<vmem>> -> memref<16xf32, #tpu.memory_space<vmem>>
      %dma_start3A_308 = tpu.memref_slice %arg6[%squeeze3A_303, %mul3A_301] : memref<8192x8192xf32, #tpu.memory_space<hbm>> -> memref<1x16xf32, #tpu.memory_space<hbm>>
      %dma_start3A_309 = tpu.memref_squeeze %dma_start3A_308 : memref<1x16xf32, #tpu.memory_space<hbm>> -> memref<16xf32, #tpu.memory_space<hbm>>
      %dma_start3A_310 = arith.constant 0 : i32
      %dma_start3A_311 = tpu.memref_slice %arg17[%dma_start3A_304, %dma_start3A_310] : memref<8x16xf32, #tpu.memory_space<vmem>> -> memref<1x16xf32, #tpu.memory_space<vmem>>
      %dma_start3A_312 = tpu.memref_squeeze %dma_start3A_311 : memref<1x16xf32, #tpu.memory_space<vmem>> -> memref<16xf32, #tpu.memory_space<vmem>>
      %dma_start3A_313 = tpu.memref_slice %arg6[%squeeze3A_303, %mul3A_301] : memref<8192x8192xf32, #tpu.memory_space<hbm>> -> memref<1x16xf32, #tpu.memory_space<hbm>>
      %dma_start3A_314 = tpu.memref_squeeze %dma_start3A_313 : memref<1x16xf32, #tpu.memory_space<hbm>> -> memref<16xf32, #tpu.memory_space<hbm>>
      tpu.enqueue_dma source(%dma_start3A_314 : memref<16xf32, #tpu.memory_space<hbm>>) target(%dma_start3A_312 : memref<16xf32, #tpu.memory_space<vmem>>) target_semaphore(%arg26 : memref<!tpu.dma_semaphore, #tpu.memory_space<semaphore_mem>>)
      %slice3A_315 = vector.extract_strided_slice %get3A_28 {offsets = [7], sizes = [1], strides = [1]} : vector<16xi32> to vector<1xi32>
      %squeeze3A_316 = vector.extract %slice3A_315[0] : i32 from vector<1xi32>
      %jit3A_317 = arith.constant 16 : i32
      %div3A_318 = arith.divsi %squeeze3A_316, %jit3A_317 : i32
      %sign3A_319 = arith.constant 0 : i32
      %sign3A_320 = arith.cmpi sgt, %squeeze3A_316, %sign3A_319 : i32
      %sign3A_321 = arith.extui %sign3A_320 : i1 to i32
      %sign3A_322 = arith.constant 0 : i32
      %sign3A_323 = arith.cmpi slt, %squeeze3A_316, %sign3A_322 : i32
      %sign3A_324 = arith.extui %sign3A_323 : i1 to i32
      %sign3A_325 = arith.subi %sign3A_321, %sign3A_324 : i32
      %sign3A_326 = arith.constant 0 : i32
      %sign3A_327 = arith.cmpi sgt, %jit3A_317, %sign3A_326 : i32
      %sign3A_328 = arith.extui %sign3A_327 : i1 to i32
      %sign3A_329 = arith.constant 0 : i32
      %sign3A_330 = arith.cmpi slt, %jit3A_317, %sign3A_329 : i32
      %sign3A_331 = arith.extui %sign3A_330 : i1 to i32
      %sign3A_332 = arith.subi %sign3A_328, %sign3A_331 : i32
      %ne3A_333 = arith.cmpi ne, %sign3A_325, %sign3A_332 : i32
      %rem3A_334 = arith.remsi %squeeze3A_316, %jit3A_317 : i32
      %ne3A_335 = arith.constant 0 : i32
      %ne3A_336 = arith.cmpi ne, %rem3A_334, %ne3A_335 : i32
      %and3A_337 = arith.andi %ne3A_333, %ne3A_336 : i1
      %sub3A_338 = arith.constant 1 : i32
      %sub3A_339 = arith.subi %div3A_318, %sub3A_338 : i32
      %select_n3A_340 = arith.select %and3A_337, %sub3A_339, %div3A_318 : i32
      %mul3A_341 = arith.constant 16 : i32
      %mul3A_342 = arith.muli %select_n3A_340, %mul3A_341 : i32
      %slice3A_343 = vector.extract_strided_slice %get3A_30 {offsets = [7], sizes = [1], strides = [1]} : vector<16xi32> to vector<1xi32>
      %squeeze3A_344 = vector.extract %slice3A_343[0] : i32 from vector<1xi32>
      %dma_start3A_345 = arith.constant 7 : i32
      %dma_start3A_346 = arith.constant 0 : i32
      %dma_start3A_347 = tpu.memref_slice %arg17[%dma_start3A_345, %dma_start3A_346] : memref<8x16xf32, #tpu.memory_space<vmem>> -> memref<1x16xf32, #tpu.memory_space<vmem>>
      %dma_start3A_348 = tpu.memref_squeeze %dma_start3A_347 : memref<1x16xf32, #tpu.memory_space<vmem>> -> memref<16xf32, #tpu.memory_space<vmem>>
      %dma_start3A_349 = tpu.memref_slice %arg6[%squeeze3A_344, %mul3A_342] : memref<8192x8192xf32, #tpu.memory_space<hbm>> -> memref<1x16xf32, #tpu.memory_space<hbm>>
      %dma_start3A_350 = tpu.memref_squeeze %dma_start3A_349 : memref<1x16xf32, #tpu.memory_space<hbm>> -> memref<16xf32, #tpu.memory_space<hbm>>
      %dma_start3A_351 = arith.constant 0 : i32
      %dma_start3A_352 = tpu.memref_slice %arg17[%dma_start3A_345, %dma_start3A_351] : memref<8x16xf32, #tpu.memory_space<vmem>> -> memref<1x16xf32, #tpu.memory_space<vmem>>
      %dma_start3A_353 = tpu.memref_squeeze %dma_start3A_352 : memref<1x16xf32, #tpu.memory_space<vmem>> -> memref<16xf32, #tpu.memory_space<vmem>>
      %dma_start3A_354 = tpu.memref_slice %arg6[%squeeze3A_344, %mul3A_342] : memref<8192x8192xf32, #tpu.memory_space<hbm>> -> memref<1x16xf32, #tpu.memory_space<hbm>>
      %dma_start3A_355 = tpu.memref_squeeze %dma_start3A_354 : memref<1x16xf32, #tpu.memory_space<hbm>> -> memref<16xf32, #tpu.memory_space<hbm>>
      tpu.enqueue_dma source(%dma_start3A_355 : memref<16xf32, #tpu.memory_space<hbm>>) target(%dma_start3A_353 : memref<16xf32, #tpu.memory_space<vmem>>) target_semaphore(%arg26 : memref<!tpu.dma_semaphore, #tpu.memory_space<semaphore_mem>>)
      tpu.wait_dma2 semaphore(%arg25 : memref<!tpu.dma_semaphore, #tpu.memory_space<semaphore_mem>>) src(%arg4 : memref<8292xi32, #tpu.memory_space<hbm>>) dst(%arg14 : memref<8292xi32, #tpu.memory_space<vmem>>)
      %add3A = arith.constant 100 : i32
      %add3A_356 = vector.broadcast %add3A : i32 to vector<16xi32>
      %add3A_357 = arith.addi %get3A_28, %add3A_356 : vector<16xi32>
      %jit3A_358 = arith.constant 0 : i32
      %broadcast_in_dim3A = vector.broadcast %jit3A_358 : i32 to vector<16xi32>
      %select_n3A_359 = arith.select %lt3A_2, %add3A_357, %broadcast_in_dim3A : vector<16xi1>, vector<16xi32>
      %gather3A = tpu.vector_load_idx %arg14[%select_n3A_359] : memref<8292xi32, #tpu.memory_space<vmem>>[vector<16xi32>], vector<16xi32>,
      %jit3A_360 = arith.constant 0 : i32
      %broadcast_in_dim3A_361 = vector.broadcast %jit3A_360 : i32 to vector<16xi32>
      %select_n3A_362 = arith.select %lt3A_2, %gather3A, %broadcast_in_dim3A_361 : vector<16xi1>, vector<16xi32>
      %swap3A = arith.constant 0 : index
      %swap3A_363 = tpu.vector_load %arg13[%swap3A] {strides = array<i32>} : memref<16xi32, #tpu.memory_space<vmem>>, vector<16xi32>,
      tpu.vector_store %arg13[%swap3A], %select_n3A_362 {strides = array<i32>} : memref<16xi32, #tpu.memory_space<vmem>>, vector<16xi32>,
      %dma_start3A_364 = arith.constant 0 : i32
      %dma_start3A_365 = arith.constant 0 : i32
      %dma_start3A_366 = tpu.memref_slice %arg16[%dma_start3A_364, %dma_start3A_365] : memref<8x128xf32, #tpu.memory_space<vmem>> -> memref<8x128xf32, #tpu.memory_space<vmem>>
      %dma_start3A_367 = arith.constant 0 : i32
      %dma_start3A_368 = tpu.memref_slice %arg13[%dma_start3A_367] : memref<16xi32, #tpu.memory_space<vmem>> -> memref<8xi32, #tpu.memory_space<vmem>>
      %dma_start3A_369 = arith.constant 0 : i32
      %dma_start3A_370 = arith.constant 0 : i32
      %dma_start3A_371 = tpu.memref_slice %arg5[%dma_start3A_369, %dma_start3A_370] : memref<8192x128xf32, #tpu.memory_space<hbm>> -> memref<8192x128xf32, #tpu.memory_space<hbm>>
      tpu.enqueue_indirect_dma source(%dma_start3A_371 : memref<8192x128xf32, #tpu.memory_space<hbm>>) target(%dma_start3A_366 : memref<8x128xf32, #tpu.memory_space<vmem>>) offsets(%dma_start3A_368 : memref<8xi32, #tpu.memory_space<vmem>>) semaphore(%arg25 : memref<!tpu.dma_semaphore, #tpu.memory_space<semaphore_mem>>)
      %dma_wait3A_372 = arith.constant 0 : i32
      %dma_wait3A_373 = arith.constant 0 : i32
      %dma_wait3A_374 = tpu.memref_slice %arg15[%dma_wait3A_372, %dma_wait3A_373] : memref<8x128xf32, #tpu.memory_space<vmem>> -> memref<8x128xf32, #tpu.memory_space<vmem>>
      %dma_wait3A_375 = tpu.memref_slice %arg11[%mul3A_0] : memref<144xi32, #tpu.memory_space<vmem>> -> memref<8xi32, #tpu.memory_space<vmem>>
      %dma_wait3A_376 = arith.constant 0 : i32
      %dma_wait3A_377 = arith.constant 0 : i32
      %dma_wait3A_378 = tpu.memref_slice %arg5[%dma_wait3A_376, %dma_wait3A_377] : memref<8192x128xf32, #tpu.memory_space<hbm>> -> memref<8192x128xf32, #tpu.memory_space<hbm>>
      tpu.wait_indirect_dma semaphore(%arg24 : memref<!tpu.dma_semaphore, #tpu.memory_space<semaphore_mem>>) src(%dma_wait3A_378 : memref<8192x128xf32, #tpu.memory_space<hbm>>) dst(%dma_wait3A_374 : memref<8x128xf32, #tpu.memory_space<vmem>>)
      %jit3A_379 = arith.constant 0 : i32
      %broadcast_in_dim3A_380 = vector.broadcast %jit3A_379 : i32 to vector<16xi32>
      %select_n3A_381 = arith.select %lt3A_2, %iota3A, %broadcast_in_dim3A_380 : vector<16xi1>, vector<16xi32>
      %add3A_382 = vector.broadcast %mul3A_0 : i32 to vector<16xi32>
      %add3A_383 = arith.addi %add3A_382, %iota3A : vector<16xi32>
      %jit3A_384 = arith.constant 0 : i32
      %broadcast_in_dim3A_385 = vector.broadcast %jit3A_384 : i32 to vector<16xi32>
      %select_n3A_386 = arith.select %lt3A_2, %add3A_383, %broadcast_in_dim3A_385 : vector<16xi1>, vector<16xi32>
      %gather3A_387 = tpu.vector_load_idx %arg15[%select_n3A_381, %select_n3A_386] : memref<8x128xf32, #tpu.memory_space<vmem>>[vector<16xi32>, vector<16xi32>], vector<16xf32>,
      %swap3A_388 = arith.constant 0 : index
      %swap3A_389 = tpu.vector_load %arg18[%swap3A_388] {strides = array<i32>} : memref<16xf32, #tpu.memory_space<vmem>>, vector<16xf32>,
      tpu.vector_store %arg18[%swap3A_388], %gather3A_387 {strides = array<i32>} : memref<16xf32, #tpu.memory_space<vmem>>, vector<16xf32>,
      "tpu.region"() ({
        %run_scoped3A = tpu.sem_alloc : memref<!tpu.dma_semaphore, #tpu.memory_space<semaphore_mem>>
        %dma_start3A_518 = arith.constant 0 : i32
        %dma_start3A_519 = tpu.memref_slice %arg18[%dma_start3A_518] : memref<16xf32, #tpu.memory_space<vmem>> -> memref<8xf32, #tpu.memory_space<vmem>>
        %dma_start3A_520 = tpu.memref_slice %arg22[%mul3A_0] : memref<128xf32, #tpu.memory_space<vmem_shared>> -> memref<8xf32, #tpu.memory_space<vmem_shared>>
        %dma_start3A_521 = tpu.memref_slice %arg22[%mul3A_0] : memref<128xf32, #tpu.memory_space<vmem_shared>> -> memref<8xf32, #tpu.memory_space<vmem_shared>>
        %dma_start3A_522 = arith.constant 0 : i32
        %dma_start3A_523 = tpu.memref_slice %arg18[%dma_start3A_522] : memref<16xf32, #tpu.memory_space<vmem>> -> memref<8xf32, #tpu.memory_space<vmem>>
        tpu.enqueue_dma source(%dma_start3A_523 : memref<8xf32, #tpu.memory_space<vmem>>) target(%dma_start3A_521 : memref<8xf32, #tpu.memory_space<vmem_shared>>) target_semaphore(%run_scoped3A : memref<!tpu.dma_semaphore, #tpu.memory_space<semaphore_mem>>)
        %dma_wait3A_524 = arith.constant 0 : i32
        %dma_wait3A_525 = tpu.memref_slice %arg18[%dma_wait3A_524] : memref<16xf32, #tpu.memory_space<vmem>> -> memref<8xf32, #tpu.memory_space<vmem>>
        %dma_wait3A_526 = tpu.memref_slice %arg22[%mul3A_0] : memref<128xf32, #tpu.memory_space<vmem_shared>> -> memref<8xf32, #tpu.memory_space<vmem_shared>>
        %dma_wait3A_527 = tpu.memref_slice %arg22[%mul3A_0] : memref<128xf32, #tpu.memory_space<vmem_shared>> -> memref<8xf32, #tpu.memory_space<vmem_shared>>
        %dma_wait3A_528 = arith.constant 0 : i32
        %dma_wait3A_529 = tpu.memref_slice %arg18[%dma_wait3A_528] : memref<16xf32, #tpu.memory_space<vmem>> -> memref<8xf32, #tpu.memory_space<vmem>>
        tpu.wait_dma2 semaphore(%run_scoped3A : memref<!tpu.dma_semaphore, #tpu.memory_space<semaphore_mem>>) src(%dma_wait3A_529 : memref<8xf32, #tpu.memory_space<vmem>>) dst(%dma_wait3A_527 : memref<8xf32, #tpu.memory_space<vmem_shared>>)
        tpu.yield
      }) : () -> ()
      %dma_wait3A_390 = arith.constant 0 : i32
      %dma_wait3A_391 = arith.constant 0 : i32
      %dma_wait3A_392 = tpu.memref_slice %arg16[%dma_wait3A_390, %dma_wait3A_391] : memref<8x128xf32, #tpu.memory_space<vmem>> -> memref<8x128xf32, #tpu.memory_space<vmem>>
      %dma_wait3A_393 = arith.constant 0 : i32
      %dma_wait3A_394 = tpu.memref_slice %arg13[%dma_wait3A_393] : memref<16xi32, #tpu.memory_space<vmem>> -> memref<8xi32, #tpu.memory_space<vmem>>
      %dma_wait3A_395 = arith.constant 0 : i32
      %dma_wait3A_396 = arith.constant 0 : i32
      %dma_wait3A_397 = tpu.memref_slice %arg5[%dma_wait3A_395, %dma_wait3A_396] : memref<8192x128xf32, #tpu.memory_space<hbm>> -> memref<8192x128xf32, #tpu.memory_space<hbm>>
      tpu.wait_indirect_dma semaphore(%arg25 : memref<!tpu.dma_semaphore, #tpu.memory_space<semaphore_mem>>) src(%dma_wait3A_397 : memref<8192x128xf32, #tpu.memory_space<hbm>>) dst(%dma_wait3A_392 : memref<8x128xf32, #tpu.memory_space<vmem>>)
      %dma_wait3A_398 = arith.constant 0 : i32
      %dma_wait3A_399 = arith.constant 0 : i32
      %dma_wait3A_400 = tpu.memref_slice %arg17[%dma_wait3A_398, %dma_wait3A_399] : memref<8x16xf32, #tpu.memory_space<vmem>> -> memref<1x16xf32, #tpu.memory_space<vmem>>
      %dma_wait3A_401 = tpu.memref_squeeze %dma_wait3A_400 : memref<1x16xf32, #tpu.memory_space<vmem>> -> memref<16xf32, #tpu.memory_space<vmem>>
      %dma_wait3A_402 = tpu.memref_slice %arg6[%squeeze3A_57, %mul3A_55] : memref<8192x8192xf32, #tpu.memory_space<hbm>> -> memref<1x16xf32, #tpu.memory_space<hbm>>
      %dma_wait3A_403 = tpu.memref_squeeze %dma_wait3A_402 : memref<1x16xf32, #tpu.memory_space<hbm>> -> memref<16xf32, #tpu.memory_space<hbm>>
      %dma_wait3A_404 = arith.constant 0 : i32
      %dma_wait3A_405 = tpu.memref_slice %arg17[%dma_wait3A_398, %dma_wait3A_404] : memref<8x16xf32, #tpu.memory_space<vmem>> -> memref<1x16xf32, #tpu.memory_space<vmem>>
      %dma_wait3A_406 = tpu.memref_squeeze %dma_wait3A_405 : memref<1x16xf32, #tpu.memory_space<vmem>> -> memref<16xf32, #tpu.memory_space<vmem>>
      %dma_wait3A_407 = tpu.memref_slice %arg6[%squeeze3A_57, %mul3A_55] : memref<8192x8192xf32, #tpu.memory_space<hbm>> -> memref<1x16xf32, #tpu.memory_space<hbm>>
      %dma_wait3A_408 = tpu.memref_squeeze %dma_wait3A_407 : memref<1x16xf32, #tpu.memory_space<hbm>> -> memref<16xf32, #tpu.memory_space<hbm>>
      tpu.wait_dma2 semaphore(%arg26 : memref<!tpu.dma_semaphore, #tpu.memory_space<semaphore_mem>>) src(%dma_wait3A_408 : memref<16xf32, #tpu.memory_space<hbm>>) dst(%dma_wait3A_406 : memref<16xf32, #tpu.memory_space<vmem>>)
      %dma_wait3A_409 = arith.constant 1 : i32
      %dma_wait3A_410 = arith.constant 0 : i32
      %dma_wait3A_411 = tpu.memref_slice %arg17[%dma_wait3A_409, %dma_wait3A_410] : memref<8x16xf32, #tpu.memory_space<vmem>> -> memref<1x16xf32, #tpu.memory_space<vmem>>
      %dma_wait3A_412 = tpu.memref_squeeze %dma_wait3A_411 : memref<1x16xf32, #tpu.memory_space<vmem>> -> memref<16xf32, #tpu.memory_space<vmem>>
      %dma_wait3A_413 = tpu.memref_slice %arg6[%squeeze3A_98, %mul3A_96] : memref<8192x8192xf32, #tpu.memory_space<hbm>> -> memref<1x16xf32, #tpu.memory_space<hbm>>
      %dma_wait3A_414 = tpu.memref_squeeze %dma_wait3A_413 : memref<1x16xf32, #tpu.memory_space<hbm>> -> memref<16xf32, #tpu.memory_space<hbm>>
      %dma_wait3A_415 = arith.constant 0 : i32
      %dma_wait3A_416 = tpu.memref_slice %arg17[%dma_wait3A_409, %dma_wait3A_415] : memref<8x16xf32, #tpu.memory_space<vmem>> -> memref<1x16xf32, #tpu.memory_space<vmem>>
      %dma_wait3A_417 = tpu.memref_squeeze %dma_wait3A_416 : memref<1x16xf32, #tpu.memory_space<vmem>> -> memref<16xf32, #tpu.memory_space<vmem>>
      %dma_wait3A_418 = tpu.memref_slice %arg6[%squeeze3A_98, %mul3A_96] : memref<8192x8192xf32, #tpu.memory_space<hbm>> -> memref<1x16xf32, #tpu.memory_space<hbm>>
      %dma_wait3A_419 = tpu.memref_squeeze %dma_wait3A_418 : memref<1x16xf32, #tpu.memory_space<hbm>> -> memref<16xf32, #tpu.memory_space<hbm>>
      tpu.wait_dma2 semaphore(%arg26 : memref<!tpu.dma_semaphore, #tpu.memory_space<semaphore_mem>>) src(%dma_wait3A_419 : memref<16xf32, #tpu.memory_space<hbm>>) dst(%dma_wait3A_417 : memref<16xf32, #tpu.memory_space<vmem>>)
      %dma_wait3A_420 = arith.constant 2 : i32
      %dma_wait3A_421 = arith.constant 0 : i32
      %dma_wait3A_422 = tpu.memref_slice %arg17[%dma_wait3A_420, %dma_wait3A_421] : memref<8x16xf32, #tpu.memory_space<vmem>> -> memref<1x16xf32, #tpu.memory_space<vmem>>
      %dma_wait3A_423 = tpu.memref_squeeze %dma_wait3A_422 : memref<1x16xf32, #tpu.memory_space<vmem>> -> memref<16xf32, #tpu.memory_space<vmem>>
      %dma_wait3A_424 = tpu.memref_slice %arg6[%squeeze3A_139, %mul3A_137] : memref<8192x8192xf32, #tpu.memory_space<hbm>> -> memref<1x16xf32, #tpu.memory_space<hbm>>
      %dma_wait3A_425 = tpu.memref_squeeze %dma_wait3A_424 : memref<1x16xf32, #tpu.memory_space<hbm>> -> memref<16xf32, #tpu.memory_space<hbm>>
      %dma_wait3A_426 = arith.constant 0 : i32
      %dma_wait3A_427 = tpu.memref_slice %arg17[%dma_wait3A_420, %dma_wait3A_426] : memref<8x16xf32, #tpu.memory_space<vmem>> -> memref<1x16xf32, #tpu.memory_space<vmem>>
      %dma_wait3A_428 = tpu.memref_squeeze %dma_wait3A_427 : memref<1x16xf32, #tpu.memory_space<vmem>> -> memref<16xf32, #tpu.memory_space<vmem>>
      %dma_wait3A_429 = tpu.memref_slice %arg6[%squeeze3A_139, %mul3A_137] : memref<8192x8192xf32, #tpu.memory_space<hbm>> -> memref<1x16xf32, #tpu.memory_space<hbm>>
      %dma_wait3A_430 = tpu.memref_squeeze %dma_wait3A_429 : memref<1x16xf32, #tpu.memory_space<hbm>> -> memref<16xf32, #tpu.memory_space<hbm>>
      tpu.wait_dma2 semaphore(%arg26 : memref<!tpu.dma_semaphore, #tpu.memory_space<semaphore_mem>>) src(%dma_wait3A_430 : memref<16xf32, #tpu.memory_space<hbm>>) dst(%dma_wait3A_428 : memref<16xf32, #tpu.memory_space<vmem>>)
      %dma_wait3A_431 = arith.constant 3 : i32
      %dma_wait3A_432 = arith.constant 0 : i32
      %dma_wait3A_433 = tpu.memref_slice %arg17[%dma_wait3A_431, %dma_wait3A_432] : memref<8x16xf32, #tpu.memory_space<vmem>> -> memref<1x16xf32, #tpu.memory_space<vmem>>
      %dma_wait3A_434 = tpu.memref_squeeze %dma_wait3A_433 : memref<1x16xf32, #tpu.memory_space<vmem>> -> memref<16xf32, #tpu.memory_space<vmem>>
      %dma_wait3A_435 = tpu.memref_slice %arg6[%squeeze3A_180, %mul3A_178] : memref<8192x8192xf32, #tpu.memory_space<hbm>> -> memref<1x16xf32, #tpu.memory_space<hbm>>
      %dma_wait3A_436 = tpu.memref_squeeze %dma_wait3A_435 : memref<1x16xf32, #tpu.memory_space<hbm>> -> memref<16xf32, #tpu.memory_space<hbm>>
      %dma_wait3A_437 = arith.constant 0 : i32
      %dma_wait3A_438 = tpu.memref_slice %arg17[%dma_wait3A_431, %dma_wait3A_437] : memref<8x16xf32, #tpu.memory_space<vmem>> -> memref<1x16xf32, #tpu.memory_space<vmem>>
      %dma_wait3A_439 = tpu.memref_squeeze %dma_wait3A_438 : memref<1x16xf32, #tpu.memory_space<vmem>> -> memref<16xf32, #tpu.memory_space<vmem>>
      %dma_wait3A_440 = tpu.memref_slice %arg6[%squeeze3A_180, %mul3A_178] : memref<8192x8192xf32, #tpu.memory_space<hbm>> -> memref<1x16xf32, #tpu.memory_space<hbm>>
      %dma_wait3A_441 = tpu.memref_squeeze %dma_wait3A_440 : memref<1x16xf32, #tpu.memory_space<hbm>> -> memref<16xf32, #tpu.memory_space<hbm>>
      tpu.wait_dma2 semaphore(%arg26 : memref<!tpu.dma_semaphore, #tpu.memory_space<semaphore_mem>>) src(%dma_wait3A_441 : memref<16xf32, #tpu.memory_space<hbm>>) dst(%dma_wait3A_439 : memref<16xf32, #tpu.memory_space<vmem>>)
      %dma_wait3A_442 = arith.constant 4 : i32
      %dma_wait3A_443 = arith.constant 0 : i32
      %dma_wait3A_444 = tpu.memref_slice %arg17[%dma_wait3A_442, %dma_wait3A_443] : memref<8x16xf32, #tpu.memory_space<vmem>> -> memref<1x16xf32, #tpu.memory_space<vmem>>
      %dma_wait3A_445 = tpu.memref_squeeze %dma_wait3A_444 : memref<1x16xf32, #tpu.memory_space<vmem>> -> memref<16xf32, #tpu.memory_space<vmem>>
      %dma_wait3A_446 = tpu.memref_slice %arg6[%squeeze3A_221, %mul3A_219] : memref<8192x8192xf32, #tpu.memory_space<hbm>> -> memref<1x16xf32, #tpu.memory_space<hbm>>
      %dma_wait3A_447 = tpu.memref_squeeze %dma_wait3A_446 : memref<1x16xf32, #tpu.memory_space<hbm>> -> memref<16xf32, #tpu.memory_space<hbm>>
      %dma_wait3A_448 = arith.constant 0 : i32
      %dma_wait3A_449 = tpu.memref_slice %arg17[%dma_wait3A_442, %dma_wait3A_448] : memref<8x16xf32, #tpu.memory_space<vmem>> -> memref<1x16xf32, #tpu.memory_space<vmem>>
      %dma_wait3A_450 = tpu.memref_squeeze %dma_wait3A_449 : memref<1x16xf32, #tpu.memory_space<vmem>> -> memref<16xf32, #tpu.memory_space<vmem>>
      %dma_wait3A_451 = tpu.memref_slice %arg6[%squeeze3A_221, %mul3A_219] : memref<8192x8192xf32, #tpu.memory_space<hbm>> -> memref<1x16xf32, #tpu.memory_space<hbm>>
      %dma_wait3A_452 = tpu.memref_squeeze %dma_wait3A_451 : memref<1x16xf32, #tpu.memory_space<hbm>> -> memref<16xf32, #tpu.memory_space<hbm>>
      tpu.wait_dma2 semaphore(%arg26 : memref<!tpu.dma_semaphore, #tpu.memory_space<semaphore_mem>>) src(%dma_wait3A_452 : memref<16xf32, #tpu.memory_space<hbm>>) dst(%dma_wait3A_450 : memref<16xf32, #tpu.memory_space<vmem>>)
      %dma_wait3A_453 = arith.constant 5 : i32
      %dma_wait3A_454 = arith.constant 0 : i32
      %dma_wait3A_455 = tpu.memref_slice %arg17[%dma_wait3A_453, %dma_wait3A_454] : memref<8x16xf32, #tpu.memory_space<vmem>> -> memref<1x16xf32, #tpu.memory_space<vmem>>
      %dma_wait3A_456 = tpu.memref_squeeze %dma_wait3A_455 : memref<1x16xf32, #tpu.memory_space<vmem>> -> memref<16xf32, #tpu.memory_space<vmem>>
      %dma_wait3A_457 = tpu.memref_slice %arg6[%squeeze3A_262, %mul3A_260] : memref<8192x8192xf32, #tpu.memory_space<hbm>> -> memref<1x16xf32, #tpu.memory_space<hbm>>
      %dma_wait3A_458 = tpu.memref_squeeze %dma_wait3A_457 : memref<1x16xf32, #tpu.memory_space<hbm>> -> memref<16xf32, #tpu.memory_space<hbm>>
      %dma_wait3A_459 = arith.constant 0 : i32
      %dma_wait3A_460 = tpu.memref_slice %arg17[%dma_wait3A_453, %dma_wait3A_459] : memref<8x16xf32, #tpu.memory_space<vmem>> -> memref<1x16xf32, #tpu.memory_space<vmem>>
      %dma_wait3A_461 = tpu.memref_squeeze %dma_wait3A_460 : memref<1x16xf32, #tpu.memory_space<vmem>> -> memref<16xf32, #tpu.memory_space<vmem>>
      %dma_wait3A_462 = tpu.memref_slice %arg6[%squeeze3A_262, %mul3A_260] : memref<8192x8192xf32, #tpu.memory_space<hbm>> -> memref<1x16xf32, #tpu.memory_space<hbm>>
      %dma_wait3A_463 = tpu.memref_squeeze %dma_wait3A_462 : memref<1x16xf32, #tpu.memory_space<hbm>> -> memref<16xf32, #tpu.memory_space<hbm>>
      tpu.wait_dma2 semaphore(%arg26 : memref<!tpu.dma_semaphore, #tpu.memory_space<semaphore_mem>>) src(%dma_wait3A_463 : memref<16xf32, #tpu.memory_space<hbm>>) dst(%dma_wait3A_461 : memref<16xf32, #tpu.memory_space<vmem>>)
      %dma_wait3A_464 = arith.constant 6 : i32
      %dma_wait3A_465 = arith.constant 0 : i32
      %dma_wait3A_466 = tpu.memref_slice %arg17[%dma_wait3A_464, %dma_wait3A_465] : memref<8x16xf32, #tpu.memory_space<vmem>> -> memref<1x16xf32, #tpu.memory_space<vmem>>
      %dma_wait3A_467 = tpu.memref_squeeze %dma_wait3A_466 : memref<1x16xf32, #tpu.memory_space<vmem>> -> memref<16xf32, #tpu.memory_space<vmem>>
      %dma_wait3A_468 = tpu.memref_slice %arg6[%squeeze3A_303, %mul3A_301] : memref<8192x8192xf32, #tpu.memory_space<hbm>> -> memref<1x16xf32, #tpu.memory_space<hbm>>
      %dma_wait3A_469 = tpu.memref_squeeze %dma_wait3A_468 : memref<1x16xf32, #tpu.memory_space<hbm>> -> memref<16xf32, #tpu.memory_space<hbm>>
      %dma_wait3A_470 = arith.constant 0 : i32
      %dma_wait3A_471 = tpu.memref_slice %arg17[%dma_wait3A_464, %dma_wait3A_470] : memref<8x16xf32, #tpu.memory_space<vmem>> -> memref<1x16xf32, #tpu.memory_space<vmem>>
      %dma_wait3A_472 = tpu.memref_squeeze %dma_wait3A_471 : memref<1x16xf32, #tpu.memory_space<vmem>> -> memref<16xf32, #tpu.memory_space<vmem>>
      %dma_wait3A_473 = tpu.memref_slice %arg6[%squeeze3A_303, %mul3A_301] : memref<8192x8192xf32, #tpu.memory_space<hbm>> -> memref<1x16xf32, #tpu.memory_space<hbm>>
      %dma_wait3A_474 = tpu.memref_squeeze %dma_wait3A_473 : memref<1x16xf32, #tpu.memory_space<hbm>> -> memref<16xf32, #tpu.memory_space<hbm>>
      tpu.wait_dma2 semaphore(%arg26 : memref<!tpu.dma_semaphore, #tpu.memory_space<semaphore_mem>>) src(%dma_wait3A_474 : memref<16xf32, #tpu.memory_space<hbm>>) dst(%dma_wait3A_472 : memref<16xf32, #tpu.memory_space<vmem>>)
      %dma_wait3A_475 = arith.constant 7 : i32
      %dma_wait3A_476 = arith.constant 0 : i32
      %dma_wait3A_477 = tpu.memref_slice %arg17[%dma_wait3A_475, %dma_wait3A_476] : memref<8x16xf32, #tpu.memory_space<vmem>> -> memref<1x16xf32, #tpu.memory_space<vmem>>
      %dma_wait3A_478 = tpu.memref_squeeze %dma_wait3A_477 : memref<1x16xf32, #tpu.memory_space<vmem>> -> memref<16xf32, #tpu.memory_space<vmem>>
      %dma_wait3A_479 = tpu.memref_slice %arg6[%squeeze3A_344, %mul3A_342] : memref<8192x8192xf32, #tpu.memory_space<hbm>> -> memref<1x16xf32, #tpu.memory_space<hbm>>
      %dma_wait3A_480 = tpu.memref_squeeze %dma_wait3A_479 : memref<1x16xf32, #tpu.memory_space<hbm>> -> memref<16xf32, #tpu.memory_space<hbm>>
      %dma_wait3A_481 = arith.constant 0 : i32
      %dma_wait3A_482 = tpu.memref_slice %arg17[%dma_wait3A_475, %dma_wait3A_481] : memref<8x16xf32, #tpu.memory_space<vmem>> -> memref<1x16xf32, #tpu.memory_space<vmem>>
      %dma_wait3A_483 = tpu.memref_squeeze %dma_wait3A_482 : memref<1x16xf32, #tpu.memory_space<vmem>> -> memref<16xf32, #tpu.memory_space<vmem>>
      %dma_wait3A_484 = tpu.memref_slice %arg6[%squeeze3A_344, %mul3A_342] : memref<8192x8192xf32, #tpu.memory_space<hbm>> -> memref<1x16xf32, #tpu.memory_space<hbm>>
      %dma_wait3A_485 = tpu.memref_squeeze %dma_wait3A_484 : memref<1x16xf32, #tpu.memory_space<hbm>> -> memref<16xf32, #tpu.memory_space<hbm>>
      tpu.wait_dma2 semaphore(%arg26 : memref<!tpu.dma_semaphore, #tpu.memory_space<semaphore_mem>>) src(%dma_wait3A_485 : memref<16xf32, #tpu.memory_space<hbm>>) dst(%dma_wait3A_483 : memref<16xf32, #tpu.memory_space<vmem>>)
      %gather3A_486 = tpu.vector_load_idx %arg16[%select_n3A_381, %select_n3A_386] : memref<8x128xf32, #tpu.memory_space<vmem>>[vector<16xi32>, vector<16xi32>], vector<16xf32>,
      %jit3A_487 = arith.constant 16 : i32
      %eq3A_488 = arith.constant 0 : i32
      %eq3A_489 = arith.cmpi eq, %jit3A_487, %eq3A_488 : i32
      %jit3A_490 = arith.constant 1 : i32
      %select_n3A_491 = arith.select %eq3A_489, %jit3A_490, %jit3A_487 : i32
      %rem3A_492 = vector.broadcast %select_n3A_491 : i32 to vector<16xi32>
      %rem3A_493 = arith.remsi %get3A_28, %rem3A_492 : vector<16xi32>
      %ne3A_494 = arith.constant 0 : i32
      %ne3A_495 = vector.broadcast %ne3A_494 : i32 to vector<16xi32>
      %ne3A_496 = arith.cmpi ne, %rem3A_493, %ne3A_495 : vector<16xi32>
      %lt3A_497 = arith.constant 0 : i32
      %lt3A_498 = vector.broadcast %lt3A_497 : i32 to vector<16xi32>
      %lt3A_499 = arith.cmpi slt, %rem3A_493, %lt3A_498 : vector<16xi32>
      %lt3A_500 = arith.constant 0 : i32
      %lt3A_501 = arith.cmpi slt, %select_n3A_491, %lt3A_500 : i32
      %ne3A_502 = vector.broadcast %lt3A_501 : i1 to vector<16xi1>
      %ne3A_503 = vector.broadcast %ne3A_502 : vector<16xi1> to vector<16xi1>
      %ne3A_504 = arith.xori %lt3A_499, %ne3A_503 : vector<16xi1>
      %and3A_505 = arith.andi %ne3A_504, %ne3A_496 : vector<16xi1>
      %add3A_506 = vector.broadcast %select_n3A_491 : i32 to vector<16xi32>
      %add3A_507 = arith.addi %rem3A_493, %add3A_506 : vector<16xi32>
      %select_n3A_508 = arith.select %and3A_505, %add3A_507, %rem3A_493 : vector<16xi1>, vector<16xi32>
      %jit3A_509 = arith.constant 0 : i32
      %broadcast_in_dim3A_510 = vector.broadcast %jit3A_509 : i32 to vector<16xi32>
      %select_n3A_511 = arith.select %lt3A_2, %select_n3A_508, %broadcast_in_dim3A_510 : vector<16xi1>, vector<16xi32>
      %gather3A_512 = tpu.vector_load_idx %arg17[%select_n3A_381, %select_n3A_511] : memref<8x16xf32, #tpu.memory_space<vmem>>[vector<16xi32>, vector<16xi32>], vector<16xf32>,
      %sub3A_513 = arith.subf %gather3A_387, %gather3A_486 : vector<16xf32>
      %swap3A_514 = arith.constant 0 : index
      %swap3A_515 = tpu.vector_load %arg19[%swap3A_514] {strides = array<i32>} : memref<16xf32, #tpu.memory_space<vmem>>, vector<16xf32>,
      tpu.vector_store %arg19[%swap3A_514], %sub3A_513 {strides = array<i32>} : memref<16xf32, #tpu.memory_space<vmem>>, vector<16xf32>,
      %swap3A_516 = arith.constant 0 : index
      %swap3A_517 = tpu.vector_load %arg20[%swap3A_516] {strides = array<i32>} : memref<16xf32, #tpu.memory_space<vmem>>, vector<16xf32>,
      tpu.vector_store %arg20[%swap3A_516], %gather3A_512 {strides = array<i32>} : memref<16xf32, #tpu.memory_space<vmem>>, vector<16xf32>,
      "tpu.region"() ({
        %run_scoped3A = tpu.sem_alloc : memref<!tpu.dma_semaphore, #tpu.memory_space<semaphore_mem>>
        %dma_start3A_518 = arith.constant 0 : i32
        %dma_start3A_519 = tpu.memref_slice %arg19[%dma_start3A_518] : memref<16xf32, #tpu.memory_space<vmem>> -> memref<8xf32, #tpu.memory_space<vmem>>
        %dma_start3A_520 = tpu.memref_slice %arg7[%mul3A_0] : memref<128xf32, #tpu.memory_space<hbm>> -> memref<8xf32, #tpu.memory_space<hbm>>
        %dma_start3A_521 = tpu.memref_slice %arg7[%mul3A_0] : memref<128xf32, #tpu.memory_space<hbm>> -> memref<8xf32, #tpu.memory_space<hbm>>
        %dma_start3A_522 = arith.constant 0 : i32
        %dma_start3A_523 = tpu.memref_slice %arg19[%dma_start3A_522] : memref<16xf32, #tpu.memory_space<vmem>> -> memref<8xf32, #tpu.memory_space<vmem>>
        tpu.enqueue_dma source(%dma_start3A_523 : memref<8xf32, #tpu.memory_space<vmem>>) target(%dma_start3A_521 : memref<8xf32, #tpu.memory_space<hbm>>) target_semaphore(%run_scoped3A : memref<!tpu.dma_semaphore, #tpu.memory_space<semaphore_mem>>)
        %dma_wait3A_524 = arith.constant 0 : i32
        %dma_wait3A_525 = tpu.memref_slice %arg19[%dma_wait3A_524] : memref<16xf32, #tpu.memory_space<vmem>> -> memref<8xf32, #tpu.memory_space<vmem>>
        %dma_wait3A_526 = tpu.memref_slice %arg7[%mul3A_0] : memref<128xf32, #tpu.memory_space<hbm>> -> memref<8xf32, #tpu.memory_space<hbm>>
        %dma_wait3A_527 = tpu.memref_slice %arg7[%mul3A_0] : memref<128xf32, #tpu.memory_space<hbm>> -> memref<8xf32, #tpu.memory_space<hbm>>
        %dma_wait3A_528 = arith.constant 0 : i32
        %dma_wait3A_529 = tpu.memref_slice %arg19[%dma_wait3A_528] : memref<16xf32, #tpu.memory_space<vmem>> -> memref<8xf32, #tpu.memory_space<vmem>>
        tpu.wait_dma2 semaphore(%run_scoped3A : memref<!tpu.dma_semaphore, #tpu.memory_space<semaphore_mem>>) src(%dma_wait3A_529 : memref<8xf32, #tpu.memory_space<vmem>>) dst(%dma_wait3A_527 : memref<8xf32, #tpu.memory_space<hbm>>)
        tpu.yield
      }) : () -> ()
      "tpu.region"() ({
        %run_scoped3A = tpu.sem_alloc : memref<!tpu.dma_semaphore, #tpu.memory_space<semaphore_mem>>
        %dma_start3A_518 = arith.constant 0 : i32
        %dma_start3A_519 = tpu.memref_slice %arg20[%dma_start3A_518] : memref<16xf32, #tpu.memory_space<vmem>> -> memref<8xf32, #tpu.memory_space<vmem>>
        %dma_start3A_520 = tpu.memref_slice %arg9[%mul3A_0] : memref<128xf32, #tpu.memory_space<hbm>> -> memref<8xf32, #tpu.memory_space<hbm>>
        %dma_start3A_521 = tpu.memref_slice %arg9[%mul3A_0] : memref<128xf32, #tpu.memory_space<hbm>> -> memref<8xf32, #tpu.memory_space<hbm>>
        %dma_start3A_522 = arith.constant 0 : i32
        %dma_start3A_523 = tpu.memref_slice %arg20[%dma_start3A_522] : memref<16xf32, #tpu.memory_space<vmem>> -> memref<8xf32, #tpu.memory_space<vmem>>
        tpu.enqueue_dma source(%dma_start3A_523 : memref<8xf32, #tpu.memory_space<vmem>>) target(%dma_start3A_521 : memref<8xf32, #tpu.memory_space<hbm>>) target_semaphore(%run_scoped3A : memref<!tpu.dma_semaphore, #tpu.memory_space<semaphore_mem>>)
        %dma_wait3A_524 = arith.constant 0 : i32
        %dma_wait3A_525 = tpu.memref_slice %arg20[%dma_wait3A_524] : memref<16xf32, #tpu.memory_space<vmem>> -> memref<8xf32, #tpu.memory_space<vmem>>
        %dma_wait3A_526 = tpu.memref_slice %arg9[%mul3A_0] : memref<128xf32, #tpu.memory_space<hbm>> -> memref<8xf32, #tpu.memory_space<hbm>>
        %dma_wait3A_527 = tpu.memref_slice %arg9[%mul3A_0] : memref<128xf32, #tpu.memory_space<hbm>> -> memref<8xf32, #tpu.memory_space<hbm>>
        %dma_wait3A_528 = arith.constant 0 : i32
        %dma_wait3A_529 = tpu.memref_slice %arg20[%dma_wait3A_528] : memref<16xf32, #tpu.memory_space<vmem>> -> memref<8xf32, #tpu.memory_space<vmem>>
        tpu.wait_dma2 semaphore(%run_scoped3A : memref<!tpu.dma_semaphore, #tpu.memory_space<semaphore_mem>>) src(%dma_wait3A_529 : memref<8xf32, #tpu.memory_space<vmem>>) dst(%dma_wait3A_527 : memref<8xf32, #tpu.memory_space<hbm>>)
        tpu.yield
      }) : () -> ()
    } else {
    }
    %barrier3A = arith.constant 0 : index
    tpu.barrier barrier_id(%barrier3A)
    %eq3A_5 = arith.constant 0 : i32
    %eq3A_6 = arith.cmpi eq, %arg0, %eq3A_5 : i32
    %convert_element_type3A_7 = arith.extui %eq3A_6 : i1 to i32
    %cond3A_8 = arith.constant 0 : i32
    %cond3A_9 = arith.cmpi ne, %convert_element_type3A_7, %cond3A_8 : i32
    scf.if %cond3A_9 {
      "tpu.region"() ({
        %run_scoped3A = tpu.sem_alloc : memref<!tpu.dma_semaphore, #tpu.memory_space<semaphore_mem>>
        %dma_start3A = arith.constant 0 : i32
        %dma_start3A_1155 = tpu.memref_slice %arg12[%dma_start3A] : memref<144xf32, #tpu.memory_space<vmem>> -> memref<128xf32, #tpu.memory_space<vmem>>
        %dma_start3A_1156 = arith.constant 0 : i32
        %dma_start3A_1157 = tpu.memref_slice %arg12[%dma_start3A_1156] : memref<144xf32, #tpu.memory_space<vmem>> -> memref<128xf32, #tpu.memory_space<vmem>>
        tpu.enqueue_dma source(%arg22 : memref<128xf32, #tpu.memory_space<vmem_shared>>) target(%dma_start3A_1157 : memref<128xf32, #tpu.memory_space<vmem>>) target_semaphore(%run_scoped3A : memref<!tpu.dma_semaphore, #tpu.memory_space<semaphore_mem>>)
        %dma_wait3A = arith.constant 0 : i32
        %dma_wait3A_1158 = tpu.memref_slice %arg12[%dma_wait3A] : memref<144xf32, #tpu.memory_space<vmem>> -> memref<128xf32, #tpu.memory_space<vmem>>
        %dma_wait3A_1159 = arith.constant 0 : i32
        %dma_wait3A_1160 = tpu.memref_slice %arg12[%dma_wait3A_1159] : memref<144xf32, #tpu.memory_space<vmem>> -> memref<128xf32, #tpu.memory_space<vmem>>
        tpu.wait_dma2 semaphore(%run_scoped3A : memref<!tpu.dma_semaphore, #tpu.memory_space<semaphore_mem>>) src(%arg22 : memref<128xf32, #tpu.memory_space<vmem_shared>>) dst(%dma_wait3A_1160 : memref<128xf32, #tpu.memory_space<vmem>>)
        tpu.yield
      }) : () -> ()
      %broadcast_in_dim3A = arith.constant 0.000000e+00 : f32
      %broadcast_in_dim3A_10 = vector.broadcast %broadcast_in_dim3A : f32 to vector<16xf32>
      %add3A = arith.constant 0 : i32
      %add3A_11 = arith.addi %mul3A_0, %add3A : i32
      %broadcast_in_dim3A_12 = vector.broadcast %add3A_11 : i32 to vector<16xi32>
      %gather3A = tpu.vector_load_idx %arg11[%broadcast_in_dim3A_12] : memref<144xi32, #tpu.memory_space<vmem>>[vector<16xi32>], vector<16xi32>,
      %gather3A_13 = tpu.vector_load_idx %arg12[%broadcast_in_dim3A_12] : memref<144xf32, #tpu.memory_space<vmem>>[vector<16xi32>], vector<16xf32>,
      %broadcast_in_dim3A_14 = arith.constant 0.000000e+00 : f32
      %broadcast_in_dim3A_15 = vector.broadcast %broadcast_in_dim3A_14 : f32 to vector<16xf32>
      %get3A = arith.constant 0 : index
      %get3A_16 = tpu.vector_load %arg11[%get3A] {strides = array<i32>} : memref<144xi32, #tpu.memory_space<vmem>>, vector<16xi32>,
      %get3A_17 = arith.constant 0 : index
      %get3A_18 = tpu.vector_load %arg12[%get3A_17] {strides = array<i32>} : memref<144xf32, #tpu.memory_space<vmem>>, vector<16xf32>,
      %add3A_19 = arith.constant 0 : i32
      %add3A_20 = vector.broadcast %add3A_19 : i32 to vector<16xi32>
      %add3A_21 = arith.addi %iota3A, %add3A_20 : vector<16xi32>
      %eq3A_22 = arith.cmpi eq, %get3A_16, %gather3A : vector<16xi32>
      %ne3A = vector.broadcast %add3A_11 : i32 to vector<16xi32>
      %ne3A_23 = arith.cmpi ne, %add3A_21, %ne3A : vector<16xi32>
      %and3A = arith.andi %eq3A_22, %ne3A_23 : vector<16xi1>
      %min3A = arith.minimumf %get3A_18, %gather3A_13 : vector<16xf32>
      %jit3A = arith.constant 0.000000e+00 : f32
      %broadcast_in_dim3A_24 = vector.broadcast %jit3A : f32 to vector<16xf32>
      %select_n3A = arith.select %and3A, %min3A, %broadcast_in_dim3A_24 : vector<16xi1>, vector<16xf32>
      %add3A_25 = arith.addf %broadcast_in_dim3A_15, %select_n3A : vector<16xf32>
      %get3A_26 = arith.constant 16 : index
      %get3A_27 = tpu.vector_load %arg11[%get3A_26] {strides = array<i32>} : memref<144xi32, #tpu.memory_space<vmem>>, vector<16xi32>,
      %get3A_28 = arith.constant 16 : index
      %get3A_29 = tpu.vector_load %arg12[%get3A_28] {strides = array<i32>} : memref<144xf32, #tpu.memory_space<vmem>>, vector<16xf32>,
      %add3A_30 = arith.constant 16 : i32
      %add3A_31 = vector.broadcast %add3A_30 : i32 to vector<16xi32>
      %add3A_32 = arith.addi %iota3A, %add3A_31 : vector<16xi32>
      %eq3A_33 = arith.cmpi eq, %get3A_27, %gather3A : vector<16xi32>
      %ne3A_34 = vector.broadcast %add3A_11 : i32 to vector<16xi32>
      %ne3A_35 = arith.cmpi ne, %add3A_32, %ne3A_34 : vector<16xi32>
      %and3A_36 = arith.andi %eq3A_33, %ne3A_35 : vector<16xi1>
      %min3A_37 = arith.minimumf %get3A_29, %gather3A_13 : vector<16xf32>
      %jit3A_38 = arith.constant 0.000000e+00 : f32
      %broadcast_in_dim3A_39 = vector.broadcast %jit3A_38 : f32 to vector<16xf32>
      %select_n3A_40 = arith.select %and3A_36, %min3A_37, %broadcast_in_dim3A_39 : vector<16xi1>, vector<16xf32>
      %add3A_41 = arith.addf %add3A_25, %select_n3A_40 : vector<16xf32>
      %get3A_42 = arith.constant 32 : index
      %get3A_43 = tpu.vector_load %arg11[%get3A_42] {strides = array<i32>} : memref<144xi32, #tpu.memory_space<vmem>>, vector<16xi32>,
      %get3A_44 = arith.constant 32 : index
      %get3A_45 = tpu.vector_load %arg12[%get3A_44] {strides = array<i32>} : memref<144xf32, #tpu.memory_space<vmem>>, vector<16xf32>,
      %add3A_46 = arith.constant 32 : i32
      %add3A_47 = vector.broadcast %add3A_46 : i32 to vector<16xi32>
      %add3A_48 = arith.addi %iota3A, %add3A_47 : vector<16xi32>
      %eq3A_49 = arith.cmpi eq, %get3A_43, %gather3A : vector<16xi32>
      %ne3A_50 = vector.broadcast %add3A_11 : i32 to vector<16xi32>
      %ne3A_51 = arith.cmpi ne, %add3A_48, %ne3A_50 : vector<16xi32>
      %and3A_52 = arith.andi %eq3A_49, %ne3A_51 : vector<16xi1>
      %min3A_53 = arith.minimumf %get3A_45, %gather3A_13 : vector<16xf32>
      %jit3A_54 = arith.constant 0.000000e+00 : f32
      %broadcast_in_dim3A_55 = vector.broadcast %jit3A_54 : f32 to vector<16xf32>
      %select_n3A_56 = arith.select %and3A_52, %min3A_53, %broadcast_in_dim3A_55 : vector<16xi1>, vector<16xf32>
      %add3A_57 = arith.addf %add3A_41, %select_n3A_56 : vector<16xf32>
      %get3A_58 = arith.constant 48 : index
      %get3A_59 = tpu.vector_load %arg11[%get3A_58] {strides = array<i32>} : memref<144xi32, #tpu.memory_space<vmem>>, vector<16xi32>,
      %get3A_60 = arith.constant 48 : index
      %get3A_61 = tpu.vector_load %arg12[%get3A_60] {strides = array<i32>} : memref<144xf32, #tpu.memory_space<vmem>>, vector<16xf32>,
      %add3A_62 = arith.constant 48 : i32
      %add3A_63 = vector.broadcast %add3A_62 : i32 to vector<16xi32>
      %add3A_64 = arith.addi %iota3A, %add3A_63 : vector<16xi32>
      %eq3A_65 = arith.cmpi eq, %get3A_59, %gather3A : vector<16xi32>
      %ne3A_66 = vector.broadcast %add3A_11 : i32 to vector<16xi32>
      %ne3A_67 = arith.cmpi ne, %add3A_64, %ne3A_66 : vector<16xi32>
      %and3A_68 = arith.andi %eq3A_65, %ne3A_67 : vector<16xi1>
      %min3A_69 = arith.minimumf %get3A_61, %gather3A_13 : vector<16xf32>
      %jit3A_70 = arith.constant 0.000000e+00 : f32
      %broadcast_in_dim3A_71 = vector.broadcast %jit3A_70 : f32 to vector<16xf32>
      %select_n3A_72 = arith.select %and3A_68, %min3A_69, %broadcast_in_dim3A_71 : vector<16xi1>, vector<16xf32>
      %add3A_73 = arith.addf %add3A_57, %select_n3A_72 : vector<16xf32>
      %get3A_74 = arith.constant 64 : index
      %get3A_75 = tpu.vector_load %arg11[%get3A_74] {strides = array<i32>} : memref<144xi32, #tpu.memory_space<vmem>>, vector<16xi32>,
      %get3A_76 = arith.constant 64 : index
      %get3A_77 = tpu.vector_load %arg12[%get3A_76] {strides = array<i32>} : memref<144xf32, #tpu.memory_space<vmem>>, vector<16xf32>,
      %add3A_78 = arith.constant 64 : i32
      %add3A_79 = vector.broadcast %add3A_78 : i32 to vector<16xi32>
      %add3A_80 = arith.addi %iota3A, %add3A_79 : vector<16xi32>
      %eq3A_81 = arith.cmpi eq, %get3A_75, %gather3A : vector<16xi32>
      %ne3A_82 = vector.broadcast %add3A_11 : i32 to vector<16xi32>
      %ne3A_83 = arith.cmpi ne, %add3A_80, %ne3A_82 : vector<16xi32>
      %and3A_84 = arith.andi %eq3A_81, %ne3A_83 : vector<16xi1>
      %min3A_85 = arith.minimumf %get3A_77, %gather3A_13 : vector<16xf32>
      %jit3A_86 = arith.constant 0.000000e+00 : f32
      %broadcast_in_dim3A_87 = vector.broadcast %jit3A_86 : f32 to vector<16xf32>
      %select_n3A_88 = arith.select %and3A_84, %min3A_85, %broadcast_in_dim3A_87 : vector<16xi1>, vector<16xf32>
      %add3A_89 = arith.addf %add3A_73, %select_n3A_88 : vector<16xf32>
      %get3A_90 = arith.constant 80 : index
      %get3A_91 = tpu.vector_load %arg11[%get3A_90] {strides = array<i32>} : memref<144xi32, #tpu.memory_space<vmem>>, vector<16xi32>,
      %get3A_92 = arith.constant 80 : index
      %get3A_93 = tpu.vector_load %arg12[%get3A_92] {strides = array<i32>} : memref<144xf32, #tpu.memory_space<vmem>>, vector<16xf32>,
      %add3A_94 = arith.constant 80 : i32
      %add3A_95 = vector.broadcast %add3A_94 : i32 to vector<16xi32>
      %add3A_96 = arith.addi %iota3A, %add3A_95 : vector<16xi32>
      %eq3A_97 = arith.cmpi eq, %get3A_91, %gather3A : vector<16xi32>
      %ne3A_98 = vector.broadcast %add3A_11 : i32 to vector<16xi32>
      %ne3A_99 = arith.cmpi ne, %add3A_96, %ne3A_98 : vector<16xi32>
      %and3A_100 = arith.andi %eq3A_97, %ne3A_99 : vector<16xi1>
      %min3A_101 = arith.minimumf %get3A_93, %gather3A_13 : vector<16xf32>
      %jit3A_102 = arith.constant 0.000000e+00 : f32
      %broadcast_in_dim3A_103 = vector.broadcast %jit3A_102 : f32 to vector<16xf32>
      %select_n3A_104 = arith.select %and3A_100, %min3A_101, %broadcast_in_dim3A_103 : vector<16xi1>, vector<16xf32>
      %add3A_105 = arith.addf %add3A_89, %select_n3A_104 : vector<16xf32>
      %get3A_106 = arith.constant 96 : index
      %get3A_107 = tpu.vector_load %arg11[%get3A_106] {strides = array<i32>} : memref<144xi32, #tpu.memory_space<vmem>>, vector<16xi32>,
      %get3A_108 = arith.constant 96 : index
      %get3A_109 = tpu.vector_load %arg12[%get3A_108] {strides = array<i32>} : memref<144xf32, #tpu.memory_space<vmem>>, vector<16xf32>,
      %add3A_110 = arith.constant 96 : i32
      %add3A_111 = vector.broadcast %add3A_110 : i32 to vector<16xi32>
      %add3A_112 = arith.addi %iota3A, %add3A_111 : vector<16xi32>
      %eq3A_113 = arith.cmpi eq, %get3A_107, %gather3A : vector<16xi32>
      %ne3A_114 = vector.broadcast %add3A_11 : i32 to vector<16xi32>
      %ne3A_115 = arith.cmpi ne, %add3A_112, %ne3A_114 : vector<16xi32>
      %and3A_116 = arith.andi %eq3A_113, %ne3A_115 : vector<16xi1>
      %min3A_117 = arith.minimumf %get3A_109, %gather3A_13 : vector<16xf32>
      %jit3A_118 = arith.constant 0.000000e+00 : f32
      %broadcast_in_dim3A_119 = vector.broadcast %jit3A_118 : f32 to vector<16xf32>
      %select_n3A_120 = arith.select %and3A_116, %min3A_117, %broadcast_in_dim3A_119 : vector<16xi1>, vector<16xf32>
      %add3A_121 = arith.addf %add3A_105, %select_n3A_120 : vector<16xf32>
      %get3A_122 = arith.constant 112 : index
      %get3A_123 = tpu.vector_load %arg11[%get3A_122] {strides = array<i32>} : memref<144xi32, #tpu.memory_space<vmem>>, vector<16xi32>,
      %get3A_124 = arith.constant 112 : index
      %get3A_125 = tpu.vector_load %arg12[%get3A_124] {strides = array<i32>} : memref<144xf32, #tpu.memory_space<vmem>>, vector<16xf32>,
      %add3A_126 = arith.constant 112 : i32
      %add3A_127 = vector.broadcast %add3A_126 : i32 to vector<16xi32>
      %add3A_128 = arith.addi %iota3A, %add3A_127 : vector<16xi32>
      %eq3A_129 = arith.cmpi eq, %get3A_123, %gather3A : vector<16xi32>
      %ne3A_130 = vector.broadcast %add3A_11 : i32 to vector<16xi32>
      %ne3A_131 = arith.cmpi ne, %add3A_128, %ne3A_130 : vector<16xi32>
      %and3A_132 = arith.andi %eq3A_129, %ne3A_131 : vector<16xi1>
      %min3A_133 = arith.minimumf %get3A_125, %gather3A_13 : vector<16xf32>
      %jit3A_134 = arith.constant 0.000000e+00 : f32
      %broadcast_in_dim3A_135 = vector.broadcast %jit3A_134 : f32 to vector<16xf32>
      %select_n3A_136 = arith.select %and3A_132, %min3A_133, %broadcast_in_dim3A_135 : vector<16xi1>, vector<16xf32>
      %add3A_137 = arith.addf %add3A_121, %select_n3A_136 : vector<16xf32>
      %reduce_sum3A = arith.constant true
      %reduce_sum3A_138 = vector.broadcast %reduce_sum3A : i1 to vector<16xi1>
      %reduce_sum3A_139 = tpu.scan <sum>, %add3A_137 masked %reduce_sum3A_138 : vector<16xf32>, vector<16xi1> -> vector<16xf32>
      %reduce_sum3A_140 = vector.extract %reduce_sum3A_139[15] : f32 from vector<16xf32>
      %eq3A_141 = arith.constant 0 : i32
      %eq3A_142 = vector.broadcast %eq3A_141 : i32 to vector<16xi32>
      %eq3A_143 = arith.cmpi eq, %iota3A, %eq3A_142 : vector<16xi32>
      %broadcast_in_dim3A_144 = vector.broadcast %reduce_sum3A_140 : f32 to vector<16xf32>
      %select_n3A_145 = arith.select %eq3A_143, %broadcast_in_dim3A_144, %broadcast_in_dim3A_10 : vector<16xi1>, vector<16xf32>
      %add3A_146 = arith.constant 1 : i32
      %add3A_147 = arith.addi %mul3A_0, %add3A_146 : i32
      %broadcast_in_dim3A_148 = vector.broadcast %add3A_147 : i32 to vector<16xi32>
      %gather3A_149 = tpu.vector_load_idx %arg11[%broadcast_in_dim3A_148] : memref<144xi32, #tpu.memory_space<vmem>>[vector<16xi32>], vector<16xi32>,
      %gather3A_150 = tpu.vector_load_idx %arg12[%broadcast_in_dim3A_148] : memref<144xf32, #tpu.memory_space<vmem>>[vector<16xi32>], vector<16xf32>,
      %broadcast_in_dim3A_151 = arith.constant 0.000000e+00 : f32
      %broadcast_in_dim3A_152 = vector.broadcast %broadcast_in_dim3A_151 : f32 to vector<16xf32>
      %get3A_153 = arith.constant 0 : index
      %get3A_154 = tpu.vector_load %arg11[%get3A_153] {strides = array<i32>} : memref<144xi32, #tpu.memory_space<vmem>>, vector<16xi32>,
      %get3A_155 = arith.constant 0 : index
      %get3A_156 = tpu.vector_load %arg12[%get3A_155] {strides = array<i32>} : memref<144xf32, #tpu.memory_space<vmem>>, vector<16xf32>,
      %add3A_157 = arith.constant 0 : i32
      %add3A_158 = vector.broadcast %add3A_157 : i32 to vector<16xi32>
      %add3A_159 = arith.addi %iota3A, %add3A_158 : vector<16xi32>
      %eq3A_160 = arith.cmpi eq, %get3A_154, %gather3A_149 : vector<16xi32>
      %ne3A_161 = vector.broadcast %add3A_147 : i32 to vector<16xi32>
      %ne3A_162 = arith.cmpi ne, %add3A_159, %ne3A_161 : vector<16xi32>
      %and3A_163 = arith.andi %eq3A_160, %ne3A_162 : vector<16xi1>
      %min3A_164 = arith.minimumf %get3A_156, %gather3A_150 : vector<16xf32>
      %jit3A_165 = arith.constant 0.000000e+00 : f32
      %broadcast_in_dim3A_166 = vector.broadcast %jit3A_165 : f32 to vector<16xf32>
      %select_n3A_167 = arith.select %and3A_163, %min3A_164, %broadcast_in_dim3A_166 : vector<16xi1>, vector<16xf32>
      %add3A_168 = arith.addf %broadcast_in_dim3A_152, %select_n3A_167 : vector<16xf32>
      %get3A_169 = arith.constant 16 : index
      %get3A_170 = tpu.vector_load %arg11[%get3A_169] {strides = array<i32>} : memref<144xi32, #tpu.memory_space<vmem>>, vector<16xi32>,
      %get3A_171 = arith.constant 16 : index
      %get3A_172 = tpu.vector_load %arg12[%get3A_171] {strides = array<i32>} : memref<144xf32, #tpu.memory_space<vmem>>, vector<16xf32>,
      %add3A_173 = arith.constant 16 : i32
      %add3A_174 = vector.broadcast %add3A_173 : i32 to vector<16xi32>
      %add3A_175 = arith.addi %iota3A, %add3A_174 : vector<16xi32>
      %eq3A_176 = arith.cmpi eq, %get3A_170, %gather3A_149 : vector<16xi32>
      %ne3A_177 = vector.broadcast %add3A_147 : i32 to vector<16xi32>
      %ne3A_178 = arith.cmpi ne, %add3A_175, %ne3A_177 : vector<16xi32>
      %and3A_179 = arith.andi %eq3A_176, %ne3A_178 : vector<16xi1>
      %min3A_180 = arith.minimumf %get3A_172, %gather3A_150 : vector<16xf32>
      %jit3A_181 = arith.constant 0.000000e+00 : f32
      %broadcast_in_dim3A_182 = vector.broadcast %jit3A_181 : f32 to vector<16xf32>
      %select_n3A_183 = arith.select %and3A_179, %min3A_180, %broadcast_in_dim3A_182 : vector<16xi1>, vector<16xf32>
      %add3A_184 = arith.addf %add3A_168, %select_n3A_183 : vector<16xf32>
      %get3A_185 = arith.constant 32 : index
      %get3A_186 = tpu.vector_load %arg11[%get3A_185] {strides = array<i32>} : memref<144xi32, #tpu.memory_space<vmem>>, vector<16xi32>,
      %get3A_187 = arith.constant 32 : index
      %get3A_188 = tpu.vector_load %arg12[%get3A_187] {strides = array<i32>} : memref<144xf32, #tpu.memory_space<vmem>>, vector<16xf32>,
      %add3A_189 = arith.constant 32 : i32
      %add3A_190 = vector.broadcast %add3A_189 : i32 to vector<16xi32>
      %add3A_191 = arith.addi %iota3A, %add3A_190 : vector<16xi32>
      %eq3A_192 = arith.cmpi eq, %get3A_186, %gather3A_149 : vector<16xi32>
      %ne3A_193 = vector.broadcast %add3A_147 : i32 to vector<16xi32>
      %ne3A_194 = arith.cmpi ne, %add3A_191, %ne3A_193 : vector<16xi32>
      %and3A_195 = arith.andi %eq3A_192, %ne3A_194 : vector<16xi1>
      %min3A_196 = arith.minimumf %get3A_188, %gather3A_150 : vector<16xf32>
      %jit3A_197 = arith.constant 0.000000e+00 : f32
      %broadcast_in_dim3A_198 = vector.broadcast %jit3A_197 : f32 to vector<16xf32>
      %select_n3A_199 = arith.select %and3A_195, %min3A_196, %broadcast_in_dim3A_198 : vector<16xi1>, vector<16xf32>
      %add3A_200 = arith.addf %add3A_184, %select_n3A_199 : vector<16xf32>
      %get3A_201 = arith.constant 48 : index
      %get3A_202 = tpu.vector_load %arg11[%get3A_201] {strides = array<i32>} : memref<144xi32, #tpu.memory_space<vmem>>, vector<16xi32>,
      %get3A_203 = arith.constant 48 : index
      %get3A_204 = tpu.vector_load %arg12[%get3A_203] {strides = array<i32>} : memref<144xf32, #tpu.memory_space<vmem>>, vector<16xf32>,
      %add3A_205 = arith.constant 48 : i32
      %add3A_206 = vector.broadcast %add3A_205 : i32 to vector<16xi32>
      %add3A_207 = arith.addi %iota3A, %add3A_206 : vector<16xi32>
      %eq3A_208 = arith.cmpi eq, %get3A_202, %gather3A_149 : vector<16xi32>
      %ne3A_209 = vector.broadcast %add3A_147 : i32 to vector<16xi32>
      %ne3A_210 = arith.cmpi ne, %add3A_207, %ne3A_209 : vector<16xi32>
      %and3A_211 = arith.andi %eq3A_208, %ne3A_210 : vector<16xi1>
      %min3A_212 = arith.minimumf %get3A_204, %gather3A_150 : vector<16xf32>
      %jit3A_213 = arith.constant 0.000000e+00 : f32
      %broadcast_in_dim3A_214 = vector.broadcast %jit3A_213 : f32 to vector<16xf32>
      %select_n3A_215 = arith.select %and3A_211, %min3A_212, %broadcast_in_dim3A_214 : vector<16xi1>, vector<16xf32>
      %add3A_216 = arith.addf %add3A_200, %select_n3A_215 : vector<16xf32>
      %get3A_217 = arith.constant 64 : index
      %get3A_218 = tpu.vector_load %arg11[%get3A_217] {strides = array<i32>} : memref<144xi32, #tpu.memory_space<vmem>>, vector<16xi32>,
      %get3A_219 = arith.constant 64 : index
      %get3A_220 = tpu.vector_load %arg12[%get3A_219] {strides = array<i32>} : memref<144xf32, #tpu.memory_space<vmem>>, vector<16xf32>,
      %add3A_221 = arith.constant 64 : i32
      %add3A_222 = vector.broadcast %add3A_221 : i32 to vector<16xi32>
      %add3A_223 = arith.addi %iota3A, %add3A_222 : vector<16xi32>
      %eq3A_224 = arith.cmpi eq, %get3A_218, %gather3A_149 : vector<16xi32>
      %ne3A_225 = vector.broadcast %add3A_147 : i32 to vector<16xi32>
      %ne3A_226 = arith.cmpi ne, %add3A_223, %ne3A_225 : vector<16xi32>
      %and3A_227 = arith.andi %eq3A_224, %ne3A_226 : vector<16xi1>
      %min3A_228 = arith.minimumf %get3A_220, %gather3A_150 : vector<16xf32>
      %jit3A_229 = arith.constant 0.000000e+00 : f32
      %broadcast_in_dim3A_230 = vector.broadcast %jit3A_229 : f32 to vector<16xf32>
      %select_n3A_231 = arith.select %and3A_227, %min3A_228, %broadcast_in_dim3A_230 : vector<16xi1>, vector<16xf32>
      %add3A_232 = arith.addf %add3A_216, %select_n3A_231 : vector<16xf32>
      %get3A_233 = arith.constant 80 : index
      %get3A_234 = tpu.vector_load %arg11[%get3A_233] {strides = array<i32>} : memref<144xi32, #tpu.memory_space<vmem>>, vector<16xi32>,
      %get3A_235 = arith.constant 80 : index
      %get3A_236 = tpu.vector_load %arg12[%get3A_235] {strides = array<i32>} : memref<144xf32, #tpu.memory_space<vmem>>, vector<16xf32>,
      %add3A_237 = arith.constant 80 : i32
      %add3A_238 = vector.broadcast %add3A_237 : i32 to vector<16xi32>
      %add3A_239 = arith.addi %iota3A, %add3A_238 : vector<16xi32>
      %eq3A_240 = arith.cmpi eq, %get3A_234, %gather3A_149 : vector<16xi32>
      %ne3A_241 = vector.broadcast %add3A_147 : i32 to vector<16xi32>
      %ne3A_242 = arith.cmpi ne, %add3A_239, %ne3A_241 : vector<16xi32>
      %and3A_243 = arith.andi %eq3A_240, %ne3A_242 : vector<16xi1>
      %min3A_244 = arith.minimumf %get3A_236, %gather3A_150 : vector<16xf32>
      %jit3A_245 = arith.constant 0.000000e+00 : f32
      %broadcast_in_dim3A_246 = vector.broadcast %jit3A_245 : f32 to vector<16xf32>
      %select_n3A_247 = arith.select %and3A_243, %min3A_244, %broadcast_in_dim3A_246 : vector<16xi1>, vector<16xf32>
      %add3A_248 = arith.addf %add3A_232, %select_n3A_247 : vector<16xf32>
      %get3A_249 = arith.constant 96 : index
      %get3A_250 = tpu.vector_load %arg11[%get3A_249] {strides = array<i32>} : memref<144xi32, #tpu.memory_space<vmem>>, vector<16xi32>,
      %get3A_251 = arith.constant 96 : index
      %get3A_252 = tpu.vector_load %arg12[%get3A_251] {strides = array<i32>} : memref<144xf32, #tpu.memory_space<vmem>>, vector<16xf32>,
      %add3A_253 = arith.constant 96 : i32
      %add3A_254 = vector.broadcast %add3A_253 : i32 to vector<16xi32>
      %add3A_255 = arith.addi %iota3A, %add3A_254 : vector<16xi32>
      %eq3A_256 = arith.cmpi eq, %get3A_250, %gather3A_149 : vector<16xi32>
      %ne3A_257 = vector.broadcast %add3A_147 : i32 to vector<16xi32>
      %ne3A_258 = arith.cmpi ne, %add3A_255, %ne3A_257 : vector<16xi32>
      %and3A_259 = arith.andi %eq3A_256, %ne3A_258 : vector<16xi1>
      %min3A_260 = arith.minimumf %get3A_252, %gather3A_150 : vector<16xf32>
      %jit3A_261 = arith.constant 0.000000e+00 : f32
      %broadcast_in_dim3A_262 = vector.broadcast %jit3A_261 : f32 to vector<16xf32>
      %select_n3A_263 = arith.select %and3A_259, %min3A_260, %broadcast_in_dim3A_262 : vector<16xi1>, vector<16xf32>
      %add3A_264 = arith.addf %add3A_248, %select_n3A_263 : vector<16xf32>
      %get3A_265 = arith.constant 112 : index
      %get3A_266 = tpu.vector_load %arg11[%get3A_265] {strides = array<i32>} : memref<144xi32, #tpu.memory_space<vmem>>, vector<16xi32>,
      %get3A_267 = arith.constant 112 : index
      %get3A_268 = tpu.vector_load %arg12[%get3A_267] {strides = array<i32>} : memref<144xf32, #tpu.memory_space<vmem>>, vector<16xf32>,
      %add3A_269 = arith.constant 112 : i32
      %add3A_270 = vector.broadcast %add3A_269 : i32 to vector<16xi32>
      %add3A_271 = arith.addi %iota3A, %add3A_270 : vector<16xi32>
      %eq3A_272 = arith.cmpi eq, %get3A_266, %gather3A_149 : vector<16xi32>
      %ne3A_273 = vector.broadcast %add3A_147 : i32 to vector<16xi32>
      %ne3A_274 = arith.cmpi ne, %add3A_271, %ne3A_273 : vector<16xi32>
      %and3A_275 = arith.andi %eq3A_272, %ne3A_274 : vector<16xi1>
      %min3A_276 = arith.minimumf %get3A_268, %gather3A_150 : vector<16xf32>
      %jit3A_277 = arith.constant 0.000000e+00 : f32
      %broadcast_in_dim3A_278 = vector.broadcast %jit3A_277 : f32 to vector<16xf32>
      %select_n3A_279 = arith.select %and3A_275, %min3A_276, %broadcast_in_dim3A_278 : vector<16xi1>, vector<16xf32>
      %add3A_280 = arith.addf %add3A_264, %select_n3A_279 : vector<16xf32>
      %reduce_sum3A_281 = arith.constant true
      %reduce_sum3A_282 = vector.broadcast %reduce_sum3A_281 : i1 to vector<16xi1>
      %reduce_sum3A_283 = tpu.scan <sum>, %add3A_280 masked %reduce_sum3A_282 : vector<16xf32>, vector<16xi1> -> vector<16xf32>
      %reduce_sum3A_284 = vector.extract %reduce_sum3A_283[15] : f32 from vector<16xf32>
      %eq3A_285 = arith.constant 1 : i32
      %eq3A_286 = vector.broadcast %eq3A_285 : i32 to vector<16xi32>
      %eq3A_287 = arith.cmpi eq, %iota3A, %eq3A_286 : vector<16xi32>
      %broadcast_in_dim3A_288 = vector.broadcast %reduce_sum3A_284 : f32 to vector<16xf32>
      %select_n3A_289 = arith.select %eq3A_287, %broadcast_in_dim3A_288, %select_n3A_145 : vector<16xi1>, vector<16xf32>
      %add3A_290 = arith.constant 2 : i32
      %add3A_291 = arith.addi %mul3A_0, %add3A_290 : i32
      %broadcast_in_dim3A_292 = vector.broadcast %add3A_291 : i32 to vector<16xi32>
      %gather3A_293 = tpu.vector_load_idx %arg11[%broadcast_in_dim3A_292] : memref<144xi32, #tpu.memory_space<vmem>>[vector<16xi32>], vector<16xi32>,
      %gather3A_294 = tpu.vector_load_idx %arg12[%broadcast_in_dim3A_292] : memref<144xf32, #tpu.memory_space<vmem>>[vector<16xi32>], vector<16xf32>,
      %broadcast_in_dim3A_295 = arith.constant 0.000000e+00 : f32
      %broadcast_in_dim3A_296 = vector.broadcast %broadcast_in_dim3A_295 : f32 to vector<16xf32>
      %get3A_297 = arith.constant 0 : index
      %get3A_298 = tpu.vector_load %arg11[%get3A_297] {strides = array<i32>} : memref<144xi32, #tpu.memory_space<vmem>>, vector<16xi32>,
      %get3A_299 = arith.constant 0 : index
      %get3A_300 = tpu.vector_load %arg12[%get3A_299] {strides = array<i32>} : memref<144xf32, #tpu.memory_space<vmem>>, vector<16xf32>,
      %add3A_301 = arith.constant 0 : i32
      %add3A_302 = vector.broadcast %add3A_301 : i32 to vector<16xi32>
      %add3A_303 = arith.addi %iota3A, %add3A_302 : vector<16xi32>
      %eq3A_304 = arith.cmpi eq, %get3A_298, %gather3A_293 : vector<16xi32>
      %ne3A_305 = vector.broadcast %add3A_291 : i32 to vector<16xi32>
      %ne3A_306 = arith.cmpi ne, %add3A_303, %ne3A_305 : vector<16xi32>
      %and3A_307 = arith.andi %eq3A_304, %ne3A_306 : vector<16xi1>
      %min3A_308 = arith.minimumf %get3A_300, %gather3A_294 : vector<16xf32>
      %jit3A_309 = arith.constant 0.000000e+00 : f32
      %broadcast_in_dim3A_310 = vector.broadcast %jit3A_309 : f32 to vector<16xf32>
      %select_n3A_311 = arith.select %and3A_307, %min3A_308, %broadcast_in_dim3A_310 : vector<16xi1>, vector<16xf32>
      %add3A_312 = arith.addf %broadcast_in_dim3A_296, %select_n3A_311 : vector<16xf32>
      %get3A_313 = arith.constant 16 : index
      %get3A_314 = tpu.vector_load %arg11[%get3A_313] {strides = array<i32>} : memref<144xi32, #tpu.memory_space<vmem>>, vector<16xi32>,
      %get3A_315 = arith.constant 16 : index
      %get3A_316 = tpu.vector_load %arg12[%get3A_315] {strides = array<i32>} : memref<144xf32, #tpu.memory_space<vmem>>, vector<16xf32>,
      %add3A_317 = arith.constant 16 : i32
      %add3A_318 = vector.broadcast %add3A_317 : i32 to vector<16xi32>
      %add3A_319 = arith.addi %iota3A, %add3A_318 : vector<16xi32>
      %eq3A_320 = arith.cmpi eq, %get3A_314, %gather3A_293 : vector<16xi32>
      %ne3A_321 = vector.broadcast %add3A_291 : i32 to vector<16xi32>
      %ne3A_322 = arith.cmpi ne, %add3A_319, %ne3A_321 : vector<16xi32>
      %and3A_323 = arith.andi %eq3A_320, %ne3A_322 : vector<16xi1>
      %min3A_324 = arith.minimumf %get3A_316, %gather3A_294 : vector<16xf32>
      %jit3A_325 = arith.constant 0.000000e+00 : f32
      %broadcast_in_dim3A_326 = vector.broadcast %jit3A_325 : f32 to vector<16xf32>
      %select_n3A_327 = arith.select %and3A_323, %min3A_324, %broadcast_in_dim3A_326 : vector<16xi1>, vector<16xf32>
      %add3A_328 = arith.addf %add3A_312, %select_n3A_327 : vector<16xf32>
      %get3A_329 = arith.constant 32 : index
      %get3A_330 = tpu.vector_load %arg11[%get3A_329] {strides = array<i32>} : memref<144xi32, #tpu.memory_space<vmem>>, vector<16xi32>,
      %get3A_331 = arith.constant 32 : index
      %get3A_332 = tpu.vector_load %arg12[%get3A_331] {strides = array<i32>} : memref<144xf32, #tpu.memory_space<vmem>>, vector<16xf32>,
      %add3A_333 = arith.constant 32 : i32
      %add3A_334 = vector.broadcast %add3A_333 : i32 to vector<16xi32>
      %add3A_335 = arith.addi %iota3A, %add3A_334 : vector<16xi32>
      %eq3A_336 = arith.cmpi eq, %get3A_330, %gather3A_293 : vector<16xi32>
      %ne3A_337 = vector.broadcast %add3A_291 : i32 to vector<16xi32>
      %ne3A_338 = arith.cmpi ne, %add3A_335, %ne3A_337 : vector<16xi32>
      %and3A_339 = arith.andi %eq3A_336, %ne3A_338 : vector<16xi1>
      %min3A_340 = arith.minimumf %get3A_332, %gather3A_294 : vector<16xf32>
      %jit3A_341 = arith.constant 0.000000e+00 : f32
      %broadcast_in_dim3A_342 = vector.broadcast %jit3A_341 : f32 to vector<16xf32>
      %select_n3A_343 = arith.select %and3A_339, %min3A_340, %broadcast_in_dim3A_342 : vector<16xi1>, vector<16xf32>
      %add3A_344 = arith.addf %add3A_328, %select_n3A_343 : vector<16xf32>
      %get3A_345 = arith.constant 48 : index
      %get3A_346 = tpu.vector_load %arg11[%get3A_345] {strides = array<i32>} : memref<144xi32, #tpu.memory_space<vmem>>, vector<16xi32>,
      %get3A_347 = arith.constant 48 : index
      %get3A_348 = tpu.vector_load %arg12[%get3A_347] {strides = array<i32>} : memref<144xf32, #tpu.memory_space<vmem>>, vector<16xf32>,
      %add3A_349 = arith.constant 48 : i32
      %add3A_350 = vector.broadcast %add3A_349 : i32 to vector<16xi32>
      %add3A_351 = arith.addi %iota3A, %add3A_350 : vector<16xi32>
      %eq3A_352 = arith.cmpi eq, %get3A_346, %gather3A_293 : vector<16xi32>
      %ne3A_353 = vector.broadcast %add3A_291 : i32 to vector<16xi32>
      %ne3A_354 = arith.cmpi ne, %add3A_351, %ne3A_353 : vector<16xi32>
      %and3A_355 = arith.andi %eq3A_352, %ne3A_354 : vector<16xi1>
      %min3A_356 = arith.minimumf %get3A_348, %gather3A_294 : vector<16xf32>
      %jit3A_357 = arith.constant 0.000000e+00 : f32
      %broadcast_in_dim3A_358 = vector.broadcast %jit3A_357 : f32 to vector<16xf32>
      %select_n3A_359 = arith.select %and3A_355, %min3A_356, %broadcast_in_dim3A_358 : vector<16xi1>, vector<16xf32>
      %add3A_360 = arith.addf %add3A_344, %select_n3A_359 : vector<16xf32>
      %get3A_361 = arith.constant 64 : index
      %get3A_362 = tpu.vector_load %arg11[%get3A_361] {strides = array<i32>} : memref<144xi32, #tpu.memory_space<vmem>>, vector<16xi32>,
      %get3A_363 = arith.constant 64 : index
      %get3A_364 = tpu.vector_load %arg12[%get3A_363] {strides = array<i32>} : memref<144xf32, #tpu.memory_space<vmem>>, vector<16xf32>,
      %add3A_365 = arith.constant 64 : i32
      %add3A_366 = vector.broadcast %add3A_365 : i32 to vector<16xi32>
      %add3A_367 = arith.addi %iota3A, %add3A_366 : vector<16xi32>
      %eq3A_368 = arith.cmpi eq, %get3A_362, %gather3A_293 : vector<16xi32>
      %ne3A_369 = vector.broadcast %add3A_291 : i32 to vector<16xi32>
      %ne3A_370 = arith.cmpi ne, %add3A_367, %ne3A_369 : vector<16xi32>
      %and3A_371 = arith.andi %eq3A_368, %ne3A_370 : vector<16xi1>
      %min3A_372 = arith.minimumf %get3A_364, %gather3A_294 : vector<16xf32>
      %jit3A_373 = arith.constant 0.000000e+00 : f32
      %broadcast_in_dim3A_374 = vector.broadcast %jit3A_373 : f32 to vector<16xf32>
      %select_n3A_375 = arith.select %and3A_371, %min3A_372, %broadcast_in_dim3A_374 : vector<16xi1>, vector<16xf32>
      %add3A_376 = arith.addf %add3A_360, %select_n3A_375 : vector<16xf32>
      %get3A_377 = arith.constant 80 : index
      %get3A_378 = tpu.vector_load %arg11[%get3A_377] {strides = array<i32>} : memref<144xi32, #tpu.memory_space<vmem>>, vector<16xi32>,
      %get3A_379 = arith.constant 80 : index
      %get3A_380 = tpu.vector_load %arg12[%get3A_379] {strides = array<i32>} : memref<144xf32, #tpu.memory_space<vmem>>, vector<16xf32>,
      %add3A_381 = arith.constant 80 : i32
      %add3A_382 = vector.broadcast %add3A_381 : i32 to vector<16xi32>
      %add3A_383 = arith.addi %iota3A, %add3A_382 : vector<16xi32>
      %eq3A_384 = arith.cmpi eq, %get3A_378, %gather3A_293 : vector<16xi32>
      %ne3A_385 = vector.broadcast %add3A_291 : i32 to vector<16xi32>
      %ne3A_386 = arith.cmpi ne, %add3A_383, %ne3A_385 : vector<16xi32>
      %and3A_387 = arith.andi %eq3A_384, %ne3A_386 : vector<16xi1>
      %min3A_388 = arith.minimumf %get3A_380, %gather3A_294 : vector<16xf32>
      %jit3A_389 = arith.constant 0.000000e+00 : f32
      %broadcast_in_dim3A_390 = vector.broadcast %jit3A_389 : f32 to vector<16xf32>
      %select_n3A_391 = arith.select %and3A_387, %min3A_388, %broadcast_in_dim3A_390 : vector<16xi1>, vector<16xf32>
      %add3A_392 = arith.addf %add3A_376, %select_n3A_391 : vector<16xf32>
      %get3A_393 = arith.constant 96 : index
      %get3A_394 = tpu.vector_load %arg11[%get3A_393] {strides = array<i32>} : memref<144xi32, #tpu.memory_space<vmem>>, vector<16xi32>,
      %get3A_395 = arith.constant 96 : index
      %get3A_396 = tpu.vector_load %arg12[%get3A_395] {strides = array<i32>} : memref<144xf32, #tpu.memory_space<vmem>>, vector<16xf32>,
      %add3A_397 = arith.constant 96 : i32
      %add3A_398 = vector.broadcast %add3A_397 : i32 to vector<16xi32>
      %add3A_399 = arith.addi %iota3A, %add3A_398 : vector<16xi32>
      %eq3A_400 = arith.cmpi eq, %get3A_394, %gather3A_293 : vector<16xi32>
      %ne3A_401 = vector.broadcast %add3A_291 : i32 to vector<16xi32>
      %ne3A_402 = arith.cmpi ne, %add3A_399, %ne3A_401 : vector<16xi32>
      %and3A_403 = arith.andi %eq3A_400, %ne3A_402 : vector<16xi1>
      %min3A_404 = arith.minimumf %get3A_396, %gather3A_294 : vector<16xf32>
      %jit3A_405 = arith.constant 0.000000e+00 : f32
      %broadcast_in_dim3A_406 = vector.broadcast %jit3A_405 : f32 to vector<16xf32>
      %select_n3A_407 = arith.select %and3A_403, %min3A_404, %broadcast_in_dim3A_406 : vector<16xi1>, vector<16xf32>
      %add3A_408 = arith.addf %add3A_392, %select_n3A_407 : vector<16xf32>
      %get3A_409 = arith.constant 112 : index
      %get3A_410 = tpu.vector_load %arg11[%get3A_409] {strides = array<i32>} : memref<144xi32, #tpu.memory_space<vmem>>, vector<16xi32>,
      %get3A_411 = arith.constant 112 : index
      %get3A_412 = tpu.vector_load %arg12[%get3A_411] {strides = array<i32>} : memref<144xf32, #tpu.memory_space<vmem>>, vector<16xf32>,
      %add3A_413 = arith.constant 112 : i32
      %add3A_414 = vector.broadcast %add3A_413 : i32 to vector<16xi32>
      %add3A_415 = arith.addi %iota3A, %add3A_414 : vector<16xi32>
      %eq3A_416 = arith.cmpi eq, %get3A_410, %gather3A_293 : vector<16xi32>
      %ne3A_417 = vector.broadcast %add3A_291 : i32 to vector<16xi32>
      %ne3A_418 = arith.cmpi ne, %add3A_415, %ne3A_417 : vector<16xi32>
      %and3A_419 = arith.andi %eq3A_416, %ne3A_418 : vector<16xi1>
      %min3A_420 = arith.minimumf %get3A_412, %gather3A_294 : vector<16xf32>
      %jit3A_421 = arith.constant 0.000000e+00 : f32
      %broadcast_in_dim3A_422 = vector.broadcast %jit3A_421 : f32 to vector<16xf32>
      %select_n3A_423 = arith.select %and3A_419, %min3A_420, %broadcast_in_dim3A_422 : vector<16xi1>, vector<16xf32>
      %add3A_424 = arith.addf %add3A_408, %select_n3A_423 : vector<16xf32>
      %reduce_sum3A_425 = arith.constant true
      %reduce_sum3A_426 = vector.broadcast %reduce_sum3A_425 : i1 to vector<16xi1>
      %reduce_sum3A_427 = tpu.scan <sum>, %add3A_424 masked %reduce_sum3A_426 : vector<16xf32>, vector<16xi1> -> vector<16xf32>
      %reduce_sum3A_428 = vector.extract %reduce_sum3A_427[15] : f32 from vector<16xf32>
      %eq3A_429 = arith.constant 2 : i32
      %eq3A_430 = vector.broadcast %eq3A_429 : i32 to vector<16xi32>
      %eq3A_431 = arith.cmpi eq, %iota3A, %eq3A_430 : vector<16xi32>
      %broadcast_in_dim3A_432 = vector.broadcast %reduce_sum3A_428 : f32 to vector<16xf32>
      %select_n3A_433 = arith.select %eq3A_431, %broadcast_in_dim3A_432, %select_n3A_289 : vector<16xi1>, vector<16xf32>
      %add3A_434 = arith.constant 3 : i32
      %add3A_435 = arith.addi %mul3A_0, %add3A_434 : i32
      %broadcast_in_dim3A_436 = vector.broadcast %add3A_435 : i32 to vector<16xi32>
      %gather3A_437 = tpu.vector_load_idx %arg11[%broadcast_in_dim3A_436] : memref<144xi32, #tpu.memory_space<vmem>>[vector<16xi32>], vector<16xi32>,
      %gather3A_438 = tpu.vector_load_idx %arg12[%broadcast_in_dim3A_436] : memref<144xf32, #tpu.memory_space<vmem>>[vector<16xi32>], vector<16xf32>,
      %broadcast_in_dim3A_439 = arith.constant 0.000000e+00 : f32
      %broadcast_in_dim3A_440 = vector.broadcast %broadcast_in_dim3A_439 : f32 to vector<16xf32>
      %get3A_441 = arith.constant 0 : index
      %get3A_442 = tpu.vector_load %arg11[%get3A_441] {strides = array<i32>} : memref<144xi32, #tpu.memory_space<vmem>>, vector<16xi32>,
      %get3A_443 = arith.constant 0 : index
      %get3A_444 = tpu.vector_load %arg12[%get3A_443] {strides = array<i32>} : memref<144xf32, #tpu.memory_space<vmem>>, vector<16xf32>,
      %add3A_445 = arith.constant 0 : i32
      %add3A_446 = vector.broadcast %add3A_445 : i32 to vector<16xi32>
      %add3A_447 = arith.addi %iota3A, %add3A_446 : vector<16xi32>
      %eq3A_448 = arith.cmpi eq, %get3A_442, %gather3A_437 : vector<16xi32>
      %ne3A_449 = vector.broadcast %add3A_435 : i32 to vector<16xi32>
      %ne3A_450 = arith.cmpi ne, %add3A_447, %ne3A_449 : vector<16xi32>
      %and3A_451 = arith.andi %eq3A_448, %ne3A_450 : vector<16xi1>
      %min3A_452 = arith.minimumf %get3A_444, %gather3A_438 : vector<16xf32>
      %jit3A_453 = arith.constant 0.000000e+00 : f32
      %broadcast_in_dim3A_454 = vector.broadcast %jit3A_453 : f32 to vector<16xf32>
      %select_n3A_455 = arith.select %and3A_451, %min3A_452, %broadcast_in_dim3A_454 : vector<16xi1>, vector<16xf32>
      %add3A_456 = arith.addf %broadcast_in_dim3A_440, %select_n3A_455 : vector<16xf32>
      %get3A_457 = arith.constant 16 : index
      %get3A_458 = tpu.vector_load %arg11[%get3A_457] {strides = array<i32>} : memref<144xi32, #tpu.memory_space<vmem>>, vector<16xi32>,
      %get3A_459 = arith.constant 16 : index
      %get3A_460 = tpu.vector_load %arg12[%get3A_459] {strides = array<i32>} : memref<144xf32, #tpu.memory_space<vmem>>, vector<16xf32>,
      %add3A_461 = arith.constant 16 : i32
      %add3A_462 = vector.broadcast %add3A_461 : i32 to vector<16xi32>
      %add3A_463 = arith.addi %iota3A, %add3A_462 : vector<16xi32>
      %eq3A_464 = arith.cmpi eq, %get3A_458, %gather3A_437 : vector<16xi32>
      %ne3A_465 = vector.broadcast %add3A_435 : i32 to vector<16xi32>
      %ne3A_466 = arith.cmpi ne, %add3A_463, %ne3A_465 : vector<16xi32>
      %and3A_467 = arith.andi %eq3A_464, %ne3A_466 : vector<16xi1>
      %min3A_468 = arith.minimumf %get3A_460, %gather3A_438 : vector<16xf32>
      %jit3A_469 = arith.constant 0.000000e+00 : f32
      %broadcast_in_dim3A_470 = vector.broadcast %jit3A_469 : f32 to vector<16xf32>
      %select_n3A_471 = arith.select %and3A_467, %min3A_468, %broadcast_in_dim3A_470 : vector<16xi1>, vector<16xf32>
      %add3A_472 = arith.addf %add3A_456, %select_n3A_471 : vector<16xf32>
      %get3A_473 = arith.constant 32 : index
      %get3A_474 = tpu.vector_load %arg11[%get3A_473] {strides = array<i32>} : memref<144xi32, #tpu.memory_space<vmem>>, vector<16xi32>,
      %get3A_475 = arith.constant 32 : index
      %get3A_476 = tpu.vector_load %arg12[%get3A_475] {strides = array<i32>} : memref<144xf32, #tpu.memory_space<vmem>>, vector<16xf32>,
      %add3A_477 = arith.constant 32 : i32
      %add3A_478 = vector.broadcast %add3A_477 : i32 to vector<16xi32>
      %add3A_479 = arith.addi %iota3A, %add3A_478 : vector<16xi32>
      %eq3A_480 = arith.cmpi eq, %get3A_474, %gather3A_437 : vector<16xi32>
      %ne3A_481 = vector.broadcast %add3A_435 : i32 to vector<16xi32>
      %ne3A_482 = arith.cmpi ne, %add3A_479, %ne3A_481 : vector<16xi32>
      %and3A_483 = arith.andi %eq3A_480, %ne3A_482 : vector<16xi1>
      %min3A_484 = arith.minimumf %get3A_476, %gather3A_438 : vector<16xf32>
      %jit3A_485 = arith.constant 0.000000e+00 : f32
      %broadcast_in_dim3A_486 = vector.broadcast %jit3A_485 : f32 to vector<16xf32>
      %select_n3A_487 = arith.select %and3A_483, %min3A_484, %broadcast_in_dim3A_486 : vector<16xi1>, vector<16xf32>
      %add3A_488 = arith.addf %add3A_472, %select_n3A_487 : vector<16xf32>
      %get3A_489 = arith.constant 48 : index
      %get3A_490 = tpu.vector_load %arg11[%get3A_489] {strides = array<i32>} : memref<144xi32, #tpu.memory_space<vmem>>, vector<16xi32>,
      %get3A_491 = arith.constant 48 : index
      %get3A_492 = tpu.vector_load %arg12[%get3A_491] {strides = array<i32>} : memref<144xf32, #tpu.memory_space<vmem>>, vector<16xf32>,
      %add3A_493 = arith.constant 48 : i32
      %add3A_494 = vector.broadcast %add3A_493 : i32 to vector<16xi32>
      %add3A_495 = arith.addi %iota3A, %add3A_494 : vector<16xi32>
      %eq3A_496 = arith.cmpi eq, %get3A_490, %gather3A_437 : vector<16xi32>
      %ne3A_497 = vector.broadcast %add3A_435 : i32 to vector<16xi32>
      %ne3A_498 = arith.cmpi ne, %add3A_495, %ne3A_497 : vector<16xi32>
      %and3A_499 = arith.andi %eq3A_496, %ne3A_498 : vector<16xi1>
      %min3A_500 = arith.minimumf %get3A_492, %gather3A_438 : vector<16xf32>
      %jit3A_501 = arith.constant 0.000000e+00 : f32
      %broadcast_in_dim3A_502 = vector.broadcast %jit3A_501 : f32 to vector<16xf32>
      %select_n3A_503 = arith.select %and3A_499, %min3A_500, %broadcast_in_dim3A_502 : vector<16xi1>, vector<16xf32>
      %add3A_504 = arith.addf %add3A_488, %select_n3A_503 : vector<16xf32>
      %get3A_505 = arith.constant 64 : index
      %get3A_506 = tpu.vector_load %arg11[%get3A_505] {strides = array<i32>} : memref<144xi32, #tpu.memory_space<vmem>>, vector<16xi32>,
      %get3A_507 = arith.constant 64 : index
      %get3A_508 = tpu.vector_load %arg12[%get3A_507] {strides = array<i32>} : memref<144xf32, #tpu.memory_space<vmem>>, vector<16xf32>,
      %add3A_509 = arith.constant 64 : i32
      %add3A_510 = vector.broadcast %add3A_509 : i32 to vector<16xi32>
      %add3A_511 = arith.addi %iota3A, %add3A_510 : vector<16xi32>
      %eq3A_512 = arith.cmpi eq, %get3A_506, %gather3A_437 : vector<16xi32>
      %ne3A_513 = vector.broadcast %add3A_435 : i32 to vector<16xi32>
      %ne3A_514 = arith.cmpi ne, %add3A_511, %ne3A_513 : vector<16xi32>
      %and3A_515 = arith.andi %eq3A_512, %ne3A_514 : vector<16xi1>
      %min3A_516 = arith.minimumf %get3A_508, %gather3A_438 : vector<16xf32>
      %jit3A_517 = arith.constant 0.000000e+00 : f32
      %broadcast_in_dim3A_518 = vector.broadcast %jit3A_517 : f32 to vector<16xf32>
      %select_n3A_519 = arith.select %and3A_515, %min3A_516, %broadcast_in_dim3A_518 : vector<16xi1>, vector<16xf32>
      %add3A_520 = arith.addf %add3A_504, %select_n3A_519 : vector<16xf32>
      %get3A_521 = arith.constant 80 : index
      %get3A_522 = tpu.vector_load %arg11[%get3A_521] {strides = array<i32>} : memref<144xi32, #tpu.memory_space<vmem>>, vector<16xi32>,
      %get3A_523 = arith.constant 80 : index
      %get3A_524 = tpu.vector_load %arg12[%get3A_523] {strides = array<i32>} : memref<144xf32, #tpu.memory_space<vmem>>, vector<16xf32>,
      %add3A_525 = arith.constant 80 : i32
      %add3A_526 = vector.broadcast %add3A_525 : i32 to vector<16xi32>
      %add3A_527 = arith.addi %iota3A, %add3A_526 : vector<16xi32>
      %eq3A_528 = arith.cmpi eq, %get3A_522, %gather3A_437 : vector<16xi32>
      %ne3A_529 = vector.broadcast %add3A_435 : i32 to vector<16xi32>
      %ne3A_530 = arith.cmpi ne, %add3A_527, %ne3A_529 : vector<16xi32>
      %and3A_531 = arith.andi %eq3A_528, %ne3A_530 : vector<16xi1>
      %min3A_532 = arith.minimumf %get3A_524, %gather3A_438 : vector<16xf32>
      %jit3A_533 = arith.constant 0.000000e+00 : f32
      %broadcast_in_dim3A_534 = vector.broadcast %jit3A_533 : f32 to vector<16xf32>
      %select_n3A_535 = arith.select %and3A_531, %min3A_532, %broadcast_in_dim3A_534 : vector<16xi1>, vector<16xf32>
      %add3A_536 = arith.addf %add3A_520, %select_n3A_535 : vector<16xf32>
      %get3A_537 = arith.constant 96 : index
      %get3A_538 = tpu.vector_load %arg11[%get3A_537] {strides = array<i32>} : memref<144xi32, #tpu.memory_space<vmem>>, vector<16xi32>,
      %get3A_539 = arith.constant 96 : index
      %get3A_540 = tpu.vector_load %arg12[%get3A_539] {strides = array<i32>} : memref<144xf32, #tpu.memory_space<vmem>>, vector<16xf32>,
      %add3A_541 = arith.constant 96 : i32
      %add3A_542 = vector.broadcast %add3A_541 : i32 to vector<16xi32>
      %add3A_543 = arith.addi %iota3A, %add3A_542 : vector<16xi32>
      %eq3A_544 = arith.cmpi eq, %get3A_538, %gather3A_437 : vector<16xi32>
      %ne3A_545 = vector.broadcast %add3A_435 : i32 to vector<16xi32>
      %ne3A_546 = arith.cmpi ne, %add3A_543, %ne3A_545 : vector<16xi32>
      %and3A_547 = arith.andi %eq3A_544, %ne3A_546 : vector<16xi1>
      %min3A_548 = arith.minimumf %get3A_540, %gather3A_438 : vector<16xf32>
      %jit3A_549 = arith.constant 0.000000e+00 : f32
      %broadcast_in_dim3A_550 = vector.broadcast %jit3A_549 : f32 to vector<16xf32>
      %select_n3A_551 = arith.select %and3A_547, %min3A_548, %broadcast_in_dim3A_550 : vector<16xi1>, vector<16xf32>
      %add3A_552 = arith.addf %add3A_536, %select_n3A_551 : vector<16xf32>
      %get3A_553 = arith.constant 112 : index
      %get3A_554 = tpu.vector_load %arg11[%get3A_553] {strides = array<i32>} : memref<144xi32, #tpu.memory_space<vmem>>, vector<16xi32>,
      %get3A_555 = arith.constant 112 : index
      %get3A_556 = tpu.vector_load %arg12[%get3A_555] {strides = array<i32>} : memref<144xf32, #tpu.memory_space<vmem>>, vector<16xf32>,
      %add3A_557 = arith.constant 112 : i32
      %add3A_558 = vector.broadcast %add3A_557 : i32 to vector<16xi32>
      %add3A_559 = arith.addi %iota3A, %add3A_558 : vector<16xi32>
      %eq3A_560 = arith.cmpi eq, %get3A_554, %gather3A_437 : vector<16xi32>
      %ne3A_561 = vector.broadcast %add3A_435 : i32 to vector<16xi32>
      %ne3A_562 = arith.cmpi ne, %add3A_559, %ne3A_561 : vector<16xi32>
      %and3A_563 = arith.andi %eq3A_560, %ne3A_562 : vector<16xi1>
      %min3A_564 = arith.minimumf %get3A_556, %gather3A_438 : vector<16xf32>
      %jit3A_565 = arith.constant 0.000000e+00 : f32
      %broadcast_in_dim3A_566 = vector.broadcast %jit3A_565 : f32 to vector<16xf32>
      %select_n3A_567 = arith.select %and3A_563, %min3A_564, %broadcast_in_dim3A_566 : vector<16xi1>, vector<16xf32>
      %add3A_568 = arith.addf %add3A_552, %select_n3A_567 : vector<16xf32>
      %reduce_sum3A_569 = arith.constant true
      %reduce_sum3A_570 = vector.broadcast %reduce_sum3A_569 : i1 to vector<16xi1>
      %reduce_sum3A_571 = tpu.scan <sum>, %add3A_568 masked %reduce_sum3A_570 : vector<16xf32>, vector<16xi1> -> vector<16xf32>
      %reduce_sum3A_572 = vector.extract %reduce_sum3A_571[15] : f32 from vector<16xf32>
      %eq3A_573 = arith.constant 3 : i32
      %eq3A_574 = vector.broadcast %eq3A_573 : i32 to vector<16xi32>
      %eq3A_575 = arith.cmpi eq, %iota3A, %eq3A_574 : vector<16xi32>
      %broadcast_in_dim3A_576 = vector.broadcast %reduce_sum3A_572 : f32 to vector<16xf32>
      %select_n3A_577 = arith.select %eq3A_575, %broadcast_in_dim3A_576, %select_n3A_433 : vector<16xi1>, vector<16xf32>
      %add3A_578 = arith.constant 4 : i32
      %add3A_579 = arith.addi %mul3A_0, %add3A_578 : i32
      %broadcast_in_dim3A_580 = vector.broadcast %add3A_579 : i32 to vector<16xi32>
      %gather3A_581 = tpu.vector_load_idx %arg11[%broadcast_in_dim3A_580] : memref<144xi32, #tpu.memory_space<vmem>>[vector<16xi32>], vector<16xi32>,
      %gather3A_582 = tpu.vector_load_idx %arg12[%broadcast_in_dim3A_580] : memref<144xf32, #tpu.memory_space<vmem>>[vector<16xi32>], vector<16xf32>,
      %broadcast_in_dim3A_583 = arith.constant 0.000000e+00 : f32
      %broadcast_in_dim3A_584 = vector.broadcast %broadcast_in_dim3A_583 : f32 to vector<16xf32>
      %get3A_585 = arith.constant 0 : index
      %get3A_586 = tpu.vector_load %arg11[%get3A_585] {strides = array<i32>} : memref<144xi32, #tpu.memory_space<vmem>>, vector<16xi32>,
      %get3A_587 = arith.constant 0 : index
      %get3A_588 = tpu.vector_load %arg12[%get3A_587] {strides = array<i32>} : memref<144xf32, #tpu.memory_space<vmem>>, vector<16xf32>,
      %add3A_589 = arith.constant 0 : i32
      %add3A_590 = vector.broadcast %add3A_589 : i32 to vector<16xi32>
      %add3A_591 = arith.addi %iota3A, %add3A_590 : vector<16xi32>
      %eq3A_592 = arith.cmpi eq, %get3A_586, %gather3A_581 : vector<16xi32>
      %ne3A_593 = vector.broadcast %add3A_579 : i32 to vector<16xi32>
      %ne3A_594 = arith.cmpi ne, %add3A_591, %ne3A_593 : vector<16xi32>
      %and3A_595 = arith.andi %eq3A_592, %ne3A_594 : vector<16xi1>
      %min3A_596 = arith.minimumf %get3A_588, %gather3A_582 : vector<16xf32>
      %jit3A_597 = arith.constant 0.000000e+00 : f32
      %broadcast_in_dim3A_598 = vector.broadcast %jit3A_597 : f32 to vector<16xf32>
      %select_n3A_599 = arith.select %and3A_595, %min3A_596, %broadcast_in_dim3A_598 : vector<16xi1>, vector<16xf32>
      %add3A_600 = arith.addf %broadcast_in_dim3A_584, %select_n3A_599 : vector<16xf32>
      %get3A_601 = arith.constant 16 : index
      %get3A_602 = tpu.vector_load %arg11[%get3A_601] {strides = array<i32>} : memref<144xi32, #tpu.memory_space<vmem>>, vector<16xi32>,
      %get3A_603 = arith.constant 16 : index
      %get3A_604 = tpu.vector_load %arg12[%get3A_603] {strides = array<i32>} : memref<144xf32, #tpu.memory_space<vmem>>, vector<16xf32>,
      %add3A_605 = arith.constant 16 : i32
      %add3A_606 = vector.broadcast %add3A_605 : i32 to vector<16xi32>
      %add3A_607 = arith.addi %iota3A, %add3A_606 : vector<16xi32>
      %eq3A_608 = arith.cmpi eq, %get3A_602, %gather3A_581 : vector<16xi32>
      %ne3A_609 = vector.broadcast %add3A_579 : i32 to vector<16xi32>
      %ne3A_610 = arith.cmpi ne, %add3A_607, %ne3A_609 : vector<16xi32>
      %and3A_611 = arith.andi %eq3A_608, %ne3A_610 : vector<16xi1>
      %min3A_612 = arith.minimumf %get3A_604, %gather3A_582 : vector<16xf32>
      %jit3A_613 = arith.constant 0.000000e+00 : f32
      %broadcast_in_dim3A_614 = vector.broadcast %jit3A_613 : f32 to vector<16xf32>
      %select_n3A_615 = arith.select %and3A_611, %min3A_612, %broadcast_in_dim3A_614 : vector<16xi1>, vector<16xf32>
      %add3A_616 = arith.addf %add3A_600, %select_n3A_615 : vector<16xf32>
      %get3A_617 = arith.constant 32 : index
      %get3A_618 = tpu.vector_load %arg11[%get3A_617] {strides = array<i32>} : memref<144xi32, #tpu.memory_space<vmem>>, vector<16xi32>,
      %get3A_619 = arith.constant 32 : index
      %get3A_620 = tpu.vector_load %arg12[%get3A_619] {strides = array<i32>} : memref<144xf32, #tpu.memory_space<vmem>>, vector<16xf32>,
      %add3A_621 = arith.constant 32 : i32
      %add3A_622 = vector.broadcast %add3A_621 : i32 to vector<16xi32>
      %add3A_623 = arith.addi %iota3A, %add3A_622 : vector<16xi32>
      %eq3A_624 = arith.cmpi eq, %get3A_618, %gather3A_581 : vector<16xi32>
      %ne3A_625 = vector.broadcast %add3A_579 : i32 to vector<16xi32>
      %ne3A_626 = arith.cmpi ne, %add3A_623, %ne3A_625 : vector<16xi32>
      %and3A_627 = arith.andi %eq3A_624, %ne3A_626 : vector<16xi1>
      %min3A_628 = arith.minimumf %get3A_620, %gather3A_582 : vector<16xf32>
      %jit3A_629 = arith.constant 0.000000e+00 : f32
      %broadcast_in_dim3A_630 = vector.broadcast %jit3A_629 : f32 to vector<16xf32>
      %select_n3A_631 = arith.select %and3A_627, %min3A_628, %broadcast_in_dim3A_630 : vector<16xi1>, vector<16xf32>
      %add3A_632 = arith.addf %add3A_616, %select_n3A_631 : vector<16xf32>
      %get3A_633 = arith.constant 48 : index
      %get3A_634 = tpu.vector_load %arg11[%get3A_633] {strides = array<i32>} : memref<144xi32, #tpu.memory_space<vmem>>, vector<16xi32>,
      %get3A_635 = arith.constant 48 : index
      %get3A_636 = tpu.vector_load %arg12[%get3A_635] {strides = array<i32>} : memref<144xf32, #tpu.memory_space<vmem>>, vector<16xf32>,
      %add3A_637 = arith.constant 48 : i32
      %add3A_638 = vector.broadcast %add3A_637 : i32 to vector<16xi32>
      %add3A_639 = arith.addi %iota3A, %add3A_638 : vector<16xi32>
      %eq3A_640 = arith.cmpi eq, %get3A_634, %gather3A_581 : vector<16xi32>
      %ne3A_641 = vector.broadcast %add3A_579 : i32 to vector<16xi32>
      %ne3A_642 = arith.cmpi ne, %add3A_639, %ne3A_641 : vector<16xi32>
      %and3A_643 = arith.andi %eq3A_640, %ne3A_642 : vector<16xi1>
      %min3A_644 = arith.minimumf %get3A_636, %gather3A_582 : vector<16xf32>
      %jit3A_645 = arith.constant 0.000000e+00 : f32
      %broadcast_in_dim3A_646 = vector.broadcast %jit3A_645 : f32 to vector<16xf32>
      %select_n3A_647 = arith.select %and3A_643, %min3A_644, %broadcast_in_dim3A_646 : vector<16xi1>, vector<16xf32>
      %add3A_648 = arith.addf %add3A_632, %select_n3A_647 : vector<16xf32>
      %get3A_649 = arith.constant 64 : index
      %get3A_650 = tpu.vector_load %arg11[%get3A_649] {strides = array<i32>} : memref<144xi32, #tpu.memory_space<vmem>>, vector<16xi32>,
      %get3A_651 = arith.constant 64 : index
      %get3A_652 = tpu.vector_load %arg12[%get3A_651] {strides = array<i32>} : memref<144xf32, #tpu.memory_space<vmem>>, vector<16xf32>,
      %add3A_653 = arith.constant 64 : i32
      %add3A_654 = vector.broadcast %add3A_653 : i32 to vector<16xi32>
      %add3A_655 = arith.addi %iota3A, %add3A_654 : vector<16xi32>
      %eq3A_656 = arith.cmpi eq, %get3A_650, %gather3A_581 : vector<16xi32>
      %ne3A_657 = vector.broadcast %add3A_579 : i32 to vector<16xi32>
      %ne3A_658 = arith.cmpi ne, %add3A_655, %ne3A_657 : vector<16xi32>
      %and3A_659 = arith.andi %eq3A_656, %ne3A_658 : vector<16xi1>
      %min3A_660 = arith.minimumf %get3A_652, %gather3A_582 : vector<16xf32>
      %jit3A_661 = arith.constant 0.000000e+00 : f32
      %broadcast_in_dim3A_662 = vector.broadcast %jit3A_661 : f32 to vector<16xf32>
      %select_n3A_663 = arith.select %and3A_659, %min3A_660, %broadcast_in_dim3A_662 : vector<16xi1>, vector<16xf32>
      %add3A_664 = arith.addf %add3A_648, %select_n3A_663 : vector<16xf32>
      %get3A_665 = arith.constant 80 : index
      %get3A_666 = tpu.vector_load %arg11[%get3A_665] {strides = array<i32>} : memref<144xi32, #tpu.memory_space<vmem>>, vector<16xi32>,
      %get3A_667 = arith.constant 80 : index
      %get3A_668 = tpu.vector_load %arg12[%get3A_667] {strides = array<i32>} : memref<144xf32, #tpu.memory_space<vmem>>, vector<16xf32>,
      %add3A_669 = arith.constant 80 : i32
      %add3A_670 = vector.broadcast %add3A_669 : i32 to vector<16xi32>
      %add3A_671 = arith.addi %iota3A, %add3A_670 : vector<16xi32>
      %eq3A_672 = arith.cmpi eq, %get3A_666, %gather3A_581 : vector<16xi32>
      %ne3A_673 = vector.broadcast %add3A_579 : i32 to vector<16xi32>
      %ne3A_674 = arith.cmpi ne, %add3A_671, %ne3A_673 : vector<16xi32>
      %and3A_675 = arith.andi %eq3A_672, %ne3A_674 : vector<16xi1>
      %min3A_676 = arith.minimumf %get3A_668, %gather3A_582 : vector<16xf32>
      %jit3A_677 = arith.constant 0.000000e+00 : f32
      %broadcast_in_dim3A_678 = vector.broadcast %jit3A_677 : f32 to vector<16xf32>
      %select_n3A_679 = arith.select %and3A_675, %min3A_676, %broadcast_in_dim3A_678 : vector<16xi1>, vector<16xf32>
      %add3A_680 = arith.addf %add3A_664, %select_n3A_679 : vector<16xf32>
      %get3A_681 = arith.constant 96 : index
      %get3A_682 = tpu.vector_load %arg11[%get3A_681] {strides = array<i32>} : memref<144xi32, #tpu.memory_space<vmem>>, vector<16xi32>,
      %get3A_683 = arith.constant 96 : index
      %get3A_684 = tpu.vector_load %arg12[%get3A_683] {strides = array<i32>} : memref<144xf32, #tpu.memory_space<vmem>>, vector<16xf32>,
      %add3A_685 = arith.constant 96 : i32
      %add3A_686 = vector.broadcast %add3A_685 : i32 to vector<16xi32>
      %add3A_687 = arith.addi %iota3A, %add3A_686 : vector<16xi32>
      %eq3A_688 = arith.cmpi eq, %get3A_682, %gather3A_581 : vector<16xi32>
      %ne3A_689 = vector.broadcast %add3A_579 : i32 to vector<16xi32>
      %ne3A_690 = arith.cmpi ne, %add3A_687, %ne3A_689 : vector<16xi32>
      %and3A_691 = arith.andi %eq3A_688, %ne3A_690 : vector<16xi1>
      %min3A_692 = arith.minimumf %get3A_684, %gather3A_582 : vector<16xf32>
      %jit3A_693 = arith.constant 0.000000e+00 : f32
      %broadcast_in_dim3A_694 = vector.broadcast %jit3A_693 : f32 to vector<16xf32>
      %select_n3A_695 = arith.select %and3A_691, %min3A_692, %broadcast_in_dim3A_694 : vector<16xi1>, vector<16xf32>
      %add3A_696 = arith.addf %add3A_680, %select_n3A_695 : vector<16xf32>
      %get3A_697 = arith.constant 112 : index
      %get3A_698 = tpu.vector_load %arg11[%get3A_697] {strides = array<i32>} : memref<144xi32, #tpu.memory_space<vmem>>, vector<16xi32>,
      %get3A_699 = arith.constant 112 : index
      %get3A_700 = tpu.vector_load %arg12[%get3A_699] {strides = array<i32>} : memref<144xf32, #tpu.memory_space<vmem>>, vector<16xf32>,
      %add3A_701 = arith.constant 112 : i32
      %add3A_702 = vector.broadcast %add3A_701 : i32 to vector<16xi32>
      %add3A_703 = arith.addi %iota3A, %add3A_702 : vector<16xi32>
      %eq3A_704 = arith.cmpi eq, %get3A_698, %gather3A_581 : vector<16xi32>
      %ne3A_705 = vector.broadcast %add3A_579 : i32 to vector<16xi32>
      %ne3A_706 = arith.cmpi ne, %add3A_703, %ne3A_705 : vector<16xi32>
      %and3A_707 = arith.andi %eq3A_704, %ne3A_706 : vector<16xi1>
      %min3A_708 = arith.minimumf %get3A_700, %gather3A_582 : vector<16xf32>
      %jit3A_709 = arith.constant 0.000000e+00 : f32
      %broadcast_in_dim3A_710 = vector.broadcast %jit3A_709 : f32 to vector<16xf32>
      %select_n3A_711 = arith.select %and3A_707, %min3A_708, %broadcast_in_dim3A_710 : vector<16xi1>, vector<16xf32>
      %add3A_712 = arith.addf %add3A_696, %select_n3A_711 : vector<16xf32>
      %reduce_sum3A_713 = arith.constant true
      %reduce_sum3A_714 = vector.broadcast %reduce_sum3A_713 : i1 to vector<16xi1>
      %reduce_sum3A_715 = tpu.scan <sum>, %add3A_712 masked %reduce_sum3A_714 : vector<16xf32>, vector<16xi1> -> vector<16xf32>
      %reduce_sum3A_716 = vector.extract %reduce_sum3A_715[15] : f32 from vector<16xf32>
      %eq3A_717 = arith.constant 4 : i32
      %eq3A_718 = vector.broadcast %eq3A_717 : i32 to vector<16xi32>
      %eq3A_719 = arith.cmpi eq, %iota3A, %eq3A_718 : vector<16xi32>
      %broadcast_in_dim3A_720 = vector.broadcast %reduce_sum3A_716 : f32 to vector<16xf32>
      %select_n3A_721 = arith.select %eq3A_719, %broadcast_in_dim3A_720, %select_n3A_577 : vector<16xi1>, vector<16xf32>
      %add3A_722 = arith.constant 5 : i32
      %add3A_723 = arith.addi %mul3A_0, %add3A_722 : i32
      %broadcast_in_dim3A_724 = vector.broadcast %add3A_723 : i32 to vector<16xi32>
      %gather3A_725 = tpu.vector_load_idx %arg11[%broadcast_in_dim3A_724] : memref<144xi32, #tpu.memory_space<vmem>>[vector<16xi32>], vector<16xi32>,
      %gather3A_726 = tpu.vector_load_idx %arg12[%broadcast_in_dim3A_724] : memref<144xf32, #tpu.memory_space<vmem>>[vector<16xi32>], vector<16xf32>,
      %broadcast_in_dim3A_727 = arith.constant 0.000000e+00 : f32
      %broadcast_in_dim3A_728 = vector.broadcast %broadcast_in_dim3A_727 : f32 to vector<16xf32>
      %get3A_729 = arith.constant 0 : index
      %get3A_730 = tpu.vector_load %arg11[%get3A_729] {strides = array<i32>} : memref<144xi32, #tpu.memory_space<vmem>>, vector<16xi32>,
      %get3A_731 = arith.constant 0 : index
      %get3A_732 = tpu.vector_load %arg12[%get3A_731] {strides = array<i32>} : memref<144xf32, #tpu.memory_space<vmem>>, vector<16xf32>,
      %add3A_733 = arith.constant 0 : i32
      %add3A_734 = vector.broadcast %add3A_733 : i32 to vector<16xi32>
      %add3A_735 = arith.addi %iota3A, %add3A_734 : vector<16xi32>
      %eq3A_736 = arith.cmpi eq, %get3A_730, %gather3A_725 : vector<16xi32>
      %ne3A_737 = vector.broadcast %add3A_723 : i32 to vector<16xi32>
      %ne3A_738 = arith.cmpi ne, %add3A_735, %ne3A_737 : vector<16xi32>
      %and3A_739 = arith.andi %eq3A_736, %ne3A_738 : vector<16xi1>
      %min3A_740 = arith.minimumf %get3A_732, %gather3A_726 : vector<16xf32>
      %jit3A_741 = arith.constant 0.000000e+00 : f32
      %broadcast_in_dim3A_742 = vector.broadcast %jit3A_741 : f32 to vector<16xf32>
      %select_n3A_743 = arith.select %and3A_739, %min3A_740, %broadcast_in_dim3A_742 : vector<16xi1>, vector<16xf32>
      %add3A_744 = arith.addf %broadcast_in_dim3A_728, %select_n3A_743 : vector<16xf32>
      %get3A_745 = arith.constant 16 : index
      %get3A_746 = tpu.vector_load %arg11[%get3A_745] {strides = array<i32>} : memref<144xi32, #tpu.memory_space<vmem>>, vector<16xi32>,
      %get3A_747 = arith.constant 16 : index
      %get3A_748 = tpu.vector_load %arg12[%get3A_747] {strides = array<i32>} : memref<144xf32, #tpu.memory_space<vmem>>, vector<16xf32>,
      %add3A_749 = arith.constant 16 : i32
      %add3A_750 = vector.broadcast %add3A_749 : i32 to vector<16xi32>
      %add3A_751 = arith.addi %iota3A, %add3A_750 : vector<16xi32>
      %eq3A_752 = arith.cmpi eq, %get3A_746, %gather3A_725 : vector<16xi32>
      %ne3A_753 = vector.broadcast %add3A_723 : i32 to vector<16xi32>
      %ne3A_754 = arith.cmpi ne, %add3A_751, %ne3A_753 : vector<16xi32>
      %and3A_755 = arith.andi %eq3A_752, %ne3A_754 : vector<16xi1>
      %min3A_756 = arith.minimumf %get3A_748, %gather3A_726 : vector<16xf32>
      %jit3A_757 = arith.constant 0.000000e+00 : f32
      %broadcast_in_dim3A_758 = vector.broadcast %jit3A_757 : f32 to vector<16xf32>
      %select_n3A_759 = arith.select %and3A_755, %min3A_756, %broadcast_in_dim3A_758 : vector<16xi1>, vector<16xf32>
      %add3A_760 = arith.addf %add3A_744, %select_n3A_759 : vector<16xf32>
      %get3A_761 = arith.constant 32 : index
      %get3A_762 = tpu.vector_load %arg11[%get3A_761] {strides = array<i32>} : memref<144xi32, #tpu.memory_space<vmem>>, vector<16xi32>,
      %get3A_763 = arith.constant 32 : index
      %get3A_764 = tpu.vector_load %arg12[%get3A_763] {strides = array<i32>} : memref<144xf32, #tpu.memory_space<vmem>>, vector<16xf32>,
      %add3A_765 = arith.constant 32 : i32
      %add3A_766 = vector.broadcast %add3A_765 : i32 to vector<16xi32>
      %add3A_767 = arith.addi %iota3A, %add3A_766 : vector<16xi32>
      %eq3A_768 = arith.cmpi eq, %get3A_762, %gather3A_725 : vector<16xi32>
      %ne3A_769 = vector.broadcast %add3A_723 : i32 to vector<16xi32>
      %ne3A_770 = arith.cmpi ne, %add3A_767, %ne3A_769 : vector<16xi32>
      %and3A_771 = arith.andi %eq3A_768, %ne3A_770 : vector<16xi1>
      %min3A_772 = arith.minimumf %get3A_764, %gather3A_726 : vector<16xf32>
      %jit3A_773 = arith.constant 0.000000e+00 : f32
      %broadcast_in_dim3A_774 = vector.broadcast %jit3A_773 : f32 to vector<16xf32>
      %select_n3A_775 = arith.select %and3A_771, %min3A_772, %broadcast_in_dim3A_774 : vector<16xi1>, vector<16xf32>
      %add3A_776 = arith.addf %add3A_760, %select_n3A_775 : vector<16xf32>
      %get3A_777 = arith.constant 48 : index
      %get3A_778 = tpu.vector_load %arg11[%get3A_777] {strides = array<i32>} : memref<144xi32, #tpu.memory_space<vmem>>, vector<16xi32>,
      %get3A_779 = arith.constant 48 : index
      %get3A_780 = tpu.vector_load %arg12[%get3A_779] {strides = array<i32>} : memref<144xf32, #tpu.memory_space<vmem>>, vector<16xf32>,
      %add3A_781 = arith.constant 48 : i32
      %add3A_782 = vector.broadcast %add3A_781 : i32 to vector<16xi32>
      %add3A_783 = arith.addi %iota3A, %add3A_782 : vector<16xi32>
      %eq3A_784 = arith.cmpi eq, %get3A_778, %gather3A_725 : vector<16xi32>
      %ne3A_785 = vector.broadcast %add3A_723 : i32 to vector<16xi32>
      %ne3A_786 = arith.cmpi ne, %add3A_783, %ne3A_785 : vector<16xi32>
      %and3A_787 = arith.andi %eq3A_784, %ne3A_786 : vector<16xi1>
      %min3A_788 = arith.minimumf %get3A_780, %gather3A_726 : vector<16xf32>
      %jit3A_789 = arith.constant 0.000000e+00 : f32
      %broadcast_in_dim3A_790 = vector.broadcast %jit3A_789 : f32 to vector<16xf32>
      %select_n3A_791 = arith.select %and3A_787, %min3A_788, %broadcast_in_dim3A_790 : vector<16xi1>, vector<16xf32>
      %add3A_792 = arith.addf %add3A_776, %select_n3A_791 : vector<16xf32>
      %get3A_793 = arith.constant 64 : index
      %get3A_794 = tpu.vector_load %arg11[%get3A_793] {strides = array<i32>} : memref<144xi32, #tpu.memory_space<vmem>>, vector<16xi32>,
      %get3A_795 = arith.constant 64 : index
      %get3A_796 = tpu.vector_load %arg12[%get3A_795] {strides = array<i32>} : memref<144xf32, #tpu.memory_space<vmem>>, vector<16xf32>,
      %add3A_797 = arith.constant 64 : i32
      %add3A_798 = vector.broadcast %add3A_797 : i32 to vector<16xi32>
      %add3A_799 = arith.addi %iota3A, %add3A_798 : vector<16xi32>
      %eq3A_800 = arith.cmpi eq, %get3A_794, %gather3A_725 : vector<16xi32>
      %ne3A_801 = vector.broadcast %add3A_723 : i32 to vector<16xi32>
      %ne3A_802 = arith.cmpi ne, %add3A_799, %ne3A_801 : vector<16xi32>
      %and3A_803 = arith.andi %eq3A_800, %ne3A_802 : vector<16xi1>
      %min3A_804 = arith.minimumf %get3A_796, %gather3A_726 : vector<16xf32>
      %jit3A_805 = arith.constant 0.000000e+00 : f32
      %broadcast_in_dim3A_806 = vector.broadcast %jit3A_805 : f32 to vector<16xf32>
      %select_n3A_807 = arith.select %and3A_803, %min3A_804, %broadcast_in_dim3A_806 : vector<16xi1>, vector<16xf32>
      %add3A_808 = arith.addf %add3A_792, %select_n3A_807 : vector<16xf32>
      %get3A_809 = arith.constant 80 : index
      %get3A_810 = tpu.vector_load %arg11[%get3A_809] {strides = array<i32>} : memref<144xi32, #tpu.memory_space<vmem>>, vector<16xi32>,
      %get3A_811 = arith.constant 80 : index
      %get3A_812 = tpu.vector_load %arg12[%get3A_811] {strides = array<i32>} : memref<144xf32, #tpu.memory_space<vmem>>, vector<16xf32>,
      %add3A_813 = arith.constant 80 : i32
      %add3A_814 = vector.broadcast %add3A_813 : i32 to vector<16xi32>
      %add3A_815 = arith.addi %iota3A, %add3A_814 : vector<16xi32>
      %eq3A_816 = arith.cmpi eq, %get3A_810, %gather3A_725 : vector<16xi32>
      %ne3A_817 = vector.broadcast %add3A_723 : i32 to vector<16xi32>
      %ne3A_818 = arith.cmpi ne, %add3A_815, %ne3A_817 : vector<16xi32>
      %and3A_819 = arith.andi %eq3A_816, %ne3A_818 : vector<16xi1>
      %min3A_820 = arith.minimumf %get3A_812, %gather3A_726 : vector<16xf32>
      %jit3A_821 = arith.constant 0.000000e+00 : f32
      %broadcast_in_dim3A_822 = vector.broadcast %jit3A_821 : f32 to vector<16xf32>
      %select_n3A_823 = arith.select %and3A_819, %min3A_820, %broadcast_in_dim3A_822 : vector<16xi1>, vector<16xf32>
      %add3A_824 = arith.addf %add3A_808, %select_n3A_823 : vector<16xf32>
      %get3A_825 = arith.constant 96 : index
      %get3A_826 = tpu.vector_load %arg11[%get3A_825] {strides = array<i32>} : memref<144xi32, #tpu.memory_space<vmem>>, vector<16xi32>,
      %get3A_827 = arith.constant 96 : index
      %get3A_828 = tpu.vector_load %arg12[%get3A_827] {strides = array<i32>} : memref<144xf32, #tpu.memory_space<vmem>>, vector<16xf32>,
      %add3A_829 = arith.constant 96 : i32
      %add3A_830 = vector.broadcast %add3A_829 : i32 to vector<16xi32>
      %add3A_831 = arith.addi %iota3A, %add3A_830 : vector<16xi32>
      %eq3A_832 = arith.cmpi eq, %get3A_826, %gather3A_725 : vector<16xi32>
      %ne3A_833 = vector.broadcast %add3A_723 : i32 to vector<16xi32>
      %ne3A_834 = arith.cmpi ne, %add3A_831, %ne3A_833 : vector<16xi32>
      %and3A_835 = arith.andi %eq3A_832, %ne3A_834 : vector<16xi1>
      %min3A_836 = arith.minimumf %get3A_828, %gather3A_726 : vector<16xf32>
      %jit3A_837 = arith.constant 0.000000e+00 : f32
      %broadcast_in_dim3A_838 = vector.broadcast %jit3A_837 : f32 to vector<16xf32>
      %select_n3A_839 = arith.select %and3A_835, %min3A_836, %broadcast_in_dim3A_838 : vector<16xi1>, vector<16xf32>
      %add3A_840 = arith.addf %add3A_824, %select_n3A_839 : vector<16xf32>
      %get3A_841 = arith.constant 112 : index
      %get3A_842 = tpu.vector_load %arg11[%get3A_841] {strides = array<i32>} : memref<144xi32, #tpu.memory_space<vmem>>, vector<16xi32>,
      %get3A_843 = arith.constant 112 : index
      %get3A_844 = tpu.vector_load %arg12[%get3A_843] {strides = array<i32>} : memref<144xf32, #tpu.memory_space<vmem>>, vector<16xf32>,
      %add3A_845 = arith.constant 112 : i32
      %add3A_846 = vector.broadcast %add3A_845 : i32 to vector<16xi32>
      %add3A_847 = arith.addi %iota3A, %add3A_846 : vector<16xi32>
      %eq3A_848 = arith.cmpi eq, %get3A_842, %gather3A_725 : vector<16xi32>
      %ne3A_849 = vector.broadcast %add3A_723 : i32 to vector<16xi32>
      %ne3A_850 = arith.cmpi ne, %add3A_847, %ne3A_849 : vector<16xi32>
      %and3A_851 = arith.andi %eq3A_848, %ne3A_850 : vector<16xi1>
      %min3A_852 = arith.minimumf %get3A_844, %gather3A_726 : vector<16xf32>
      %jit3A_853 = arith.constant 0.000000e+00 : f32
      %broadcast_in_dim3A_854 = vector.broadcast %jit3A_853 : f32 to vector<16xf32>
      %select_n3A_855 = arith.select %and3A_851, %min3A_852, %broadcast_in_dim3A_854 : vector<16xi1>, vector<16xf32>
      %add3A_856 = arith.addf %add3A_840, %select_n3A_855 : vector<16xf32>
      %reduce_sum3A_857 = arith.constant true
      %reduce_sum3A_858 = vector.broadcast %reduce_sum3A_857 : i1 to vector<16xi1>
      %reduce_sum3A_859 = tpu.scan <sum>, %add3A_856 masked %reduce_sum3A_858 : vector<16xf32>, vector<16xi1> -> vector<16xf32>
      %reduce_sum3A_860 = vector.extract %reduce_sum3A_859[15] : f32 from vector<16xf32>
      %eq3A_861 = arith.constant 5 : i32
      %eq3A_862 = vector.broadcast %eq3A_861 : i32 to vector<16xi32>
      %eq3A_863 = arith.cmpi eq, %iota3A, %eq3A_862 : vector<16xi32>
      %broadcast_in_dim3A_864 = vector.broadcast %reduce_sum3A_860 : f32 to vector<16xf32>
      %select_n3A_865 = arith.select %eq3A_863, %broadcast_in_dim3A_864, %select_n3A_721 : vector<16xi1>, vector<16xf32>
      %add3A_866 = arith.constant 6 : i32
      %add3A_867 = arith.addi %mul3A_0, %add3A_866 : i32
      %broadcast_in_dim3A_868 = vector.broadcast %add3A_867 : i32 to vector<16xi32>
      %gather3A_869 = tpu.vector_load_idx %arg11[%broadcast_in_dim3A_868] : memref<144xi32, #tpu.memory_space<vmem>>[vector<16xi32>], vector<16xi32>,
      %gather3A_870 = tpu.vector_load_idx %arg12[%broadcast_in_dim3A_868] : memref<144xf32, #tpu.memory_space<vmem>>[vector<16xi32>], vector<16xf32>,
      %broadcast_in_dim3A_871 = arith.constant 0.000000e+00 : f32
      %broadcast_in_dim3A_872 = vector.broadcast %broadcast_in_dim3A_871 : f32 to vector<16xf32>
      %get3A_873 = arith.constant 0 : index
      %get3A_874 = tpu.vector_load %arg11[%get3A_873] {strides = array<i32>} : memref<144xi32, #tpu.memory_space<vmem>>, vector<16xi32>,
      %get3A_875 = arith.constant 0 : index
      %get3A_876 = tpu.vector_load %arg12[%get3A_875] {strides = array<i32>} : memref<144xf32, #tpu.memory_space<vmem>>, vector<16xf32>,
      %add3A_877 = arith.constant 0 : i32
      %add3A_878 = vector.broadcast %add3A_877 : i32 to vector<16xi32>
      %add3A_879 = arith.addi %iota3A, %add3A_878 : vector<16xi32>
      %eq3A_880 = arith.cmpi eq, %get3A_874, %gather3A_869 : vector<16xi32>
      %ne3A_881 = vector.broadcast %add3A_867 : i32 to vector<16xi32>
      %ne3A_882 = arith.cmpi ne, %add3A_879, %ne3A_881 : vector<16xi32>
      %and3A_883 = arith.andi %eq3A_880, %ne3A_882 : vector<16xi1>
      %min3A_884 = arith.minimumf %get3A_876, %gather3A_870 : vector<16xf32>
      %jit3A_885 = arith.constant 0.000000e+00 : f32
      %broadcast_in_dim3A_886 = vector.broadcast %jit3A_885 : f32 to vector<16xf32>
      %select_n3A_887 = arith.select %and3A_883, %min3A_884, %broadcast_in_dim3A_886 : vector<16xi1>, vector<16xf32>
      %add3A_888 = arith.addf %broadcast_in_dim3A_872, %select_n3A_887 : vector<16xf32>
      %get3A_889 = arith.constant 16 : index
      %get3A_890 = tpu.vector_load %arg11[%get3A_889] {strides = array<i32>} : memref<144xi32, #tpu.memory_space<vmem>>, vector<16xi32>,
      %get3A_891 = arith.constant 16 : index
      %get3A_892 = tpu.vector_load %arg12[%get3A_891] {strides = array<i32>} : memref<144xf32, #tpu.memory_space<vmem>>, vector<16xf32>,
      %add3A_893 = arith.constant 16 : i32
      %add3A_894 = vector.broadcast %add3A_893 : i32 to vector<16xi32>
      %add3A_895 = arith.addi %iota3A, %add3A_894 : vector<16xi32>
      %eq3A_896 = arith.cmpi eq, %get3A_890, %gather3A_869 : vector<16xi32>
      %ne3A_897 = vector.broadcast %add3A_867 : i32 to vector<16xi32>
      %ne3A_898 = arith.cmpi ne, %add3A_895, %ne3A_897 : vector<16xi32>
      %and3A_899 = arith.andi %eq3A_896, %ne3A_898 : vector<16xi1>
      %min3A_900 = arith.minimumf %get3A_892, %gather3A_870 : vector<16xf32>
      %jit3A_901 = arith.constant 0.000000e+00 : f32
      %broadcast_in_dim3A_902 = vector.broadcast %jit3A_901 : f32 to vector<16xf32>
      %select_n3A_903 = arith.select %and3A_899, %min3A_900, %broadcast_in_dim3A_902 : vector<16xi1>, vector<16xf32>
      %add3A_904 = arith.addf %add3A_888, %select_n3A_903 : vector<16xf32>
      %get3A_905 = arith.constant 32 : index
      %get3A_906 = tpu.vector_load %arg11[%get3A_905] {strides = array<i32>} : memref<144xi32, #tpu.memory_space<vmem>>, vector<16xi32>,
      %get3A_907 = arith.constant 32 : index
      %get3A_908 = tpu.vector_load %arg12[%get3A_907] {strides = array<i32>} : memref<144xf32, #tpu.memory_space<vmem>>, vector<16xf32>,
      %add3A_909 = arith.constant 32 : i32
      %add3A_910 = vector.broadcast %add3A_909 : i32 to vector<16xi32>
      %add3A_911 = arith.addi %iota3A, %add3A_910 : vector<16xi32>
      %eq3A_912 = arith.cmpi eq, %get3A_906, %gather3A_869 : vector<16xi32>
      %ne3A_913 = vector.broadcast %add3A_867 : i32 to vector<16xi32>
      %ne3A_914 = arith.cmpi ne, %add3A_911, %ne3A_913 : vector<16xi32>
      %and3A_915 = arith.andi %eq3A_912, %ne3A_914 : vector<16xi1>
      %min3A_916 = arith.minimumf %get3A_908, %gather3A_870 : vector<16xf32>
      %jit3A_917 = arith.constant 0.000000e+00 : f32
      %broadcast_in_dim3A_918 = vector.broadcast %jit3A_917 : f32 to vector<16xf32>
      %select_n3A_919 = arith.select %and3A_915, %min3A_916, %broadcast_in_dim3A_918 : vector<16xi1>, vector<16xf32>
      %add3A_920 = arith.addf %add3A_904, %select_n3A_919 : vector<16xf32>
      %get3A_921 = arith.constant 48 : index
      %get3A_922 = tpu.vector_load %arg11[%get3A_921] {strides = array<i32>} : memref<144xi32, #tpu.memory_space<vmem>>, vector<16xi32>,
      %get3A_923 = arith.constant 48 : index
      %get3A_924 = tpu.vector_load %arg12[%get3A_923] {strides = array<i32>} : memref<144xf32, #tpu.memory_space<vmem>>, vector<16xf32>,
      %add3A_925 = arith.constant 48 : i32
      %add3A_926 = vector.broadcast %add3A_925 : i32 to vector<16xi32>
      %add3A_927 = arith.addi %iota3A, %add3A_926 : vector<16xi32>
      %eq3A_928 = arith.cmpi eq, %get3A_922, %gather3A_869 : vector<16xi32>
      %ne3A_929 = vector.broadcast %add3A_867 : i32 to vector<16xi32>
      %ne3A_930 = arith.cmpi ne, %add3A_927, %ne3A_929 : vector<16xi32>
      %and3A_931 = arith.andi %eq3A_928, %ne3A_930 : vector<16xi1>
      %min3A_932 = arith.minimumf %get3A_924, %gather3A_870 : vector<16xf32>
      %jit3A_933 = arith.constant 0.000000e+00 : f32
      %broadcast_in_dim3A_934 = vector.broadcast %jit3A_933 : f32 to vector<16xf32>
      %select_n3A_935 = arith.select %and3A_931, %min3A_932, %broadcast_in_dim3A_934 : vector<16xi1>, vector<16xf32>
      %add3A_936 = arith.addf %add3A_920, %select_n3A_935 : vector<16xf32>
      %get3A_937 = arith.constant 64 : index
      %get3A_938 = tpu.vector_load %arg11[%get3A_937] {strides = array<i32>} : memref<144xi32, #tpu.memory_space<vmem>>, vector<16xi32>,
      %get3A_939 = arith.constant 64 : index
      %get3A_940 = tpu.vector_load %arg12[%get3A_939] {strides = array<i32>} : memref<144xf32, #tpu.memory_space<vmem>>, vector<16xf32>,
      %add3A_941 = arith.constant 64 : i32
      %add3A_942 = vector.broadcast %add3A_941 : i32 to vector<16xi32>
      %add3A_943 = arith.addi %iota3A, %add3A_942 : vector<16xi32>
      %eq3A_944 = arith.cmpi eq, %get3A_938, %gather3A_869 : vector<16xi32>
      %ne3A_945 = vector.broadcast %add3A_867 : i32 to vector<16xi32>
      %ne3A_946 = arith.cmpi ne, %add3A_943, %ne3A_945 : vector<16xi32>
      %and3A_947 = arith.andi %eq3A_944, %ne3A_946 : vector<16xi1>
      %min3A_948 = arith.minimumf %get3A_940, %gather3A_870 : vector<16xf32>
      %jit3A_949 = arith.constant 0.000000e+00 : f32
      %broadcast_in_dim3A_950 = vector.broadcast %jit3A_949 : f32 to vector<16xf32>
      %select_n3A_951 = arith.select %and3A_947, %min3A_948, %broadcast_in_dim3A_950 : vector<16xi1>, vector<16xf32>
      %add3A_952 = arith.addf %add3A_936, %select_n3A_951 : vector<16xf32>
      %get3A_953 = arith.constant 80 : index
      %get3A_954 = tpu.vector_load %arg11[%get3A_953] {strides = array<i32>} : memref<144xi32, #tpu.memory_space<vmem>>, vector<16xi32>,
      %get3A_955 = arith.constant 80 : index
      %get3A_956 = tpu.vector_load %arg12[%get3A_955] {strides = array<i32>} : memref<144xf32, #tpu.memory_space<vmem>>, vector<16xf32>,
      %add3A_957 = arith.constant 80 : i32
      %add3A_958 = vector.broadcast %add3A_957 : i32 to vector<16xi32>
      %add3A_959 = arith.addi %iota3A, %add3A_958 : vector<16xi32>
      %eq3A_960 = arith.cmpi eq, %get3A_954, %gather3A_869 : vector<16xi32>
      %ne3A_961 = vector.broadcast %add3A_867 : i32 to vector<16xi32>
      %ne3A_962 = arith.cmpi ne, %add3A_959, %ne3A_961 : vector<16xi32>
      %and3A_963 = arith.andi %eq3A_960, %ne3A_962 : vector<16xi1>
      %min3A_964 = arith.minimumf %get3A_956, %gather3A_870 : vector<16xf32>
      %jit3A_965 = arith.constant 0.000000e+00 : f32
      %broadcast_in_dim3A_966 = vector.broadcast %jit3A_965 : f32 to vector<16xf32>
      %select_n3A_967 = arith.select %and3A_963, %min3A_964, %broadcast_in_dim3A_966 : vector<16xi1>, vector<16xf32>
      %add3A_968 = arith.addf %add3A_952, %select_n3A_967 : vector<16xf32>
      %get3A_969 = arith.constant 96 : index
      %get3A_970 = tpu.vector_load %arg11[%get3A_969] {strides = array<i32>} : memref<144xi32, #tpu.memory_space<vmem>>, vector<16xi32>,
      %get3A_971 = arith.constant 96 : index
      %get3A_972 = tpu.vector_load %arg12[%get3A_971] {strides = array<i32>} : memref<144xf32, #tpu.memory_space<vmem>>, vector<16xf32>,
      %add3A_973 = arith.constant 96 : i32
      %add3A_974 = vector.broadcast %add3A_973 : i32 to vector<16xi32>
      %add3A_975 = arith.addi %iota3A, %add3A_974 : vector<16xi32>
      %eq3A_976 = arith.cmpi eq, %get3A_970, %gather3A_869 : vector<16xi32>
      %ne3A_977 = vector.broadcast %add3A_867 : i32 to vector<16xi32>
      %ne3A_978 = arith.cmpi ne, %add3A_975, %ne3A_977 : vector<16xi32>
      %and3A_979 = arith.andi %eq3A_976, %ne3A_978 : vector<16xi1>
      %min3A_980 = arith.minimumf %get3A_972, %gather3A_870 : vector<16xf32>
      %jit3A_981 = arith.constant 0.000000e+00 : f32
      %broadcast_in_dim3A_982 = vector.broadcast %jit3A_981 : f32 to vector<16xf32>
      %select_n3A_983 = arith.select %and3A_979, %min3A_980, %broadcast_in_dim3A_982 : vector<16xi1>, vector<16xf32>
      %add3A_984 = arith.addf %add3A_968, %select_n3A_983 : vector<16xf32>
      %get3A_985 = arith.constant 112 : index
      %get3A_986 = tpu.vector_load %arg11[%get3A_985] {strides = array<i32>} : memref<144xi32, #tpu.memory_space<vmem>>, vector<16xi32>,
      %get3A_987 = arith.constant 112 : index
      %get3A_988 = tpu.vector_load %arg12[%get3A_987] {strides = array<i32>} : memref<144xf32, #tpu.memory_space<vmem>>, vector<16xf32>,
      %add3A_989 = arith.constant 112 : i32
      %add3A_990 = vector.broadcast %add3A_989 : i32 to vector<16xi32>
      %add3A_991 = arith.addi %iota3A, %add3A_990 : vector<16xi32>
      %eq3A_992 = arith.cmpi eq, %get3A_986, %gather3A_869 : vector<16xi32>
      %ne3A_993 = vector.broadcast %add3A_867 : i32 to vector<16xi32>
      %ne3A_994 = arith.cmpi ne, %add3A_991, %ne3A_993 : vector<16xi32>
      %and3A_995 = arith.andi %eq3A_992, %ne3A_994 : vector<16xi1>
      %min3A_996 = arith.minimumf %get3A_988, %gather3A_870 : vector<16xf32>
      %jit3A_997 = arith.constant 0.000000e+00 : f32
      %broadcast_in_dim3A_998 = vector.broadcast %jit3A_997 : f32 to vector<16xf32>
      %select_n3A_999 = arith.select %and3A_995, %min3A_996, %broadcast_in_dim3A_998 : vector<16xi1>, vector<16xf32>
      %add3A_1000 = arith.addf %add3A_984, %select_n3A_999 : vector<16xf32>
      %reduce_sum3A_1001 = arith.constant true
      %reduce_sum3A_1002 = vector.broadcast %reduce_sum3A_1001 : i1 to vector<16xi1>
      %reduce_sum3A_1003 = tpu.scan <sum>, %add3A_1000 masked %reduce_sum3A_1002 : vector<16xf32>, vector<16xi1> -> vector<16xf32>
      %reduce_sum3A_1004 = vector.extract %reduce_sum3A_1003[15] : f32 from vector<16xf32>
      %eq3A_1005 = arith.constant 6 : i32
      %eq3A_1006 = vector.broadcast %eq3A_1005 : i32 to vector<16xi32>
      %eq3A_1007 = arith.cmpi eq, %iota3A, %eq3A_1006 : vector<16xi32>
      %broadcast_in_dim3A_1008 = vector.broadcast %reduce_sum3A_1004 : f32 to vector<16xf32>
      %select_n3A_1009 = arith.select %eq3A_1007, %broadcast_in_dim3A_1008, %select_n3A_865 : vector<16xi1>, vector<16xf32>
      %add3A_1010 = arith.constant 7 : i32
      %add3A_1011 = arith.addi %mul3A_0, %add3A_1010 : i32
      %broadcast_in_dim3A_1012 = vector.broadcast %add3A_1011 : i32 to vector<16xi32>
      %gather3A_1013 = tpu.vector_load_idx %arg11[%broadcast_in_dim3A_1012] : memref<144xi32, #tpu.memory_space<vmem>>[vector<16xi32>], vector<16xi32>,
      %gather3A_1014 = tpu.vector_load_idx %arg12[%broadcast_in_dim3A_1012] : memref<144xf32, #tpu.memory_space<vmem>>[vector<16xi32>], vector<16xf32>,
      %broadcast_in_dim3A_1015 = arith.constant 0.000000e+00 : f32
      %broadcast_in_dim3A_1016 = vector.broadcast %broadcast_in_dim3A_1015 : f32 to vector<16xf32>
      %get3A_1017 = arith.constant 0 : index
      %get3A_1018 = tpu.vector_load %arg11[%get3A_1017] {strides = array<i32>} : memref<144xi32, #tpu.memory_space<vmem>>, vector<16xi32>,
      %get3A_1019 = arith.constant 0 : index
      %get3A_1020 = tpu.vector_load %arg12[%get3A_1019] {strides = array<i32>} : memref<144xf32, #tpu.memory_space<vmem>>, vector<16xf32>,
      %add3A_1021 = arith.constant 0 : i32
      %add3A_1022 = vector.broadcast %add3A_1021 : i32 to vector<16xi32>
      %add3A_1023 = arith.addi %iota3A, %add3A_1022 : vector<16xi32>
      %eq3A_1024 = arith.cmpi eq, %get3A_1018, %gather3A_1013 : vector<16xi32>
      %ne3A_1025 = vector.broadcast %add3A_1011 : i32 to vector<16xi32>
      %ne3A_1026 = arith.cmpi ne, %add3A_1023, %ne3A_1025 : vector<16xi32>
      %and3A_1027 = arith.andi %eq3A_1024, %ne3A_1026 : vector<16xi1>
      %min3A_1028 = arith.minimumf %get3A_1020, %gather3A_1014 : vector<16xf32>
      %jit3A_1029 = arith.constant 0.000000e+00 : f32
      %broadcast_in_dim3A_1030 = vector.broadcast %jit3A_1029 : f32 to vector<16xf32>
      %select_n3A_1031 = arith.select %and3A_1027, %min3A_1028, %broadcast_in_dim3A_1030 : vector<16xi1>, vector<16xf32>
      %add3A_1032 = arith.addf %broadcast_in_dim3A_1016, %select_n3A_1031 : vector<16xf32>
      %get3A_1033 = arith.constant 16 : index
      %get3A_1034 = tpu.vector_load %arg11[%get3A_1033] {strides = array<i32>} : memref<144xi32, #tpu.memory_space<vmem>>, vector<16xi32>,
      %get3A_1035 = arith.constant 16 : index
      %get3A_1036 = tpu.vector_load %arg12[%get3A_1035] {strides = array<i32>} : memref<144xf32, #tpu.memory_space<vmem>>, vector<16xf32>,
      %add3A_1037 = arith.constant 16 : i32
      %add3A_1038 = vector.broadcast %add3A_1037 : i32 to vector<16xi32>
      %add3A_1039 = arith.addi %iota3A, %add3A_1038 : vector<16xi32>
      %eq3A_1040 = arith.cmpi eq, %get3A_1034, %gather3A_1013 : vector<16xi32>
      %ne3A_1041 = vector.broadcast %add3A_1011 : i32 to vector<16xi32>
      %ne3A_1042 = arith.cmpi ne, %add3A_1039, %ne3A_1041 : vector<16xi32>
      %and3A_1043 = arith.andi %eq3A_1040, %ne3A_1042 : vector<16xi1>
      %min3A_1044 = arith.minimumf %get3A_1036, %gather3A_1014 : vector<16xf32>
      %jit3A_1045 = arith.constant 0.000000e+00 : f32
      %broadcast_in_dim3A_1046 = vector.broadcast %jit3A_1045 : f32 to vector<16xf32>
      %select_n3A_1047 = arith.select %and3A_1043, %min3A_1044, %broadcast_in_dim3A_1046 : vector<16xi1>, vector<16xf32>
      %add3A_1048 = arith.addf %add3A_1032, %select_n3A_1047 : vector<16xf32>
      %get3A_1049 = arith.constant 32 : index
      %get3A_1050 = tpu.vector_load %arg11[%get3A_1049] {strides = array<i32>} : memref<144xi32, #tpu.memory_space<vmem>>, vector<16xi32>,
      %get3A_1051 = arith.constant 32 : index
      %get3A_1052 = tpu.vector_load %arg12[%get3A_1051] {strides = array<i32>} : memref<144xf32, #tpu.memory_space<vmem>>, vector<16xf32>,
      %add3A_1053 = arith.constant 32 : i32
      %add3A_1054 = vector.broadcast %add3A_1053 : i32 to vector<16xi32>
      %add3A_1055 = arith.addi %iota3A, %add3A_1054 : vector<16xi32>
      %eq3A_1056 = arith.cmpi eq, %get3A_1050, %gather3A_1013 : vector<16xi32>
      %ne3A_1057 = vector.broadcast %add3A_1011 : i32 to vector<16xi32>
      %ne3A_1058 = arith.cmpi ne, %add3A_1055, %ne3A_1057 : vector<16xi32>
      %and3A_1059 = arith.andi %eq3A_1056, %ne3A_1058 : vector<16xi1>
      %min3A_1060 = arith.minimumf %get3A_1052, %gather3A_1014 : vector<16xf32>
      %jit3A_1061 = arith.constant 0.000000e+00 : f32
      %broadcast_in_dim3A_1062 = vector.broadcast %jit3A_1061 : f32 to vector<16xf32>
      %select_n3A_1063 = arith.select %and3A_1059, %min3A_1060, %broadcast_in_dim3A_1062 : vector<16xi1>, vector<16xf32>
      %add3A_1064 = arith.addf %add3A_1048, %select_n3A_1063 : vector<16xf32>
      %get3A_1065 = arith.constant 48 : index
      %get3A_1066 = tpu.vector_load %arg11[%get3A_1065] {strides = array<i32>} : memref<144xi32, #tpu.memory_space<vmem>>, vector<16xi32>,
      %get3A_1067 = arith.constant 48 : index
      %get3A_1068 = tpu.vector_load %arg12[%get3A_1067] {strides = array<i32>} : memref<144xf32, #tpu.memory_space<vmem>>, vector<16xf32>,
      %add3A_1069 = arith.constant 48 : i32
      %add3A_1070 = vector.broadcast %add3A_1069 : i32 to vector<16xi32>
      %add3A_1071 = arith.addi %iota3A, %add3A_1070 : vector<16xi32>
      %eq3A_1072 = arith.cmpi eq, %get3A_1066, %gather3A_1013 : vector<16xi32>
      %ne3A_1073 = vector.broadcast %add3A_1011 : i32 to vector<16xi32>
      %ne3A_1074 = arith.cmpi ne, %add3A_1071, %ne3A_1073 : vector<16xi32>
      %and3A_1075 = arith.andi %eq3A_1072, %ne3A_1074 : vector<16xi1>
      %min3A_1076 = arith.minimumf %get3A_1068, %gather3A_1014 : vector<16xf32>
      %jit3A_1077 = arith.constant 0.000000e+00 : f32
      %broadcast_in_dim3A_1078 = vector.broadcast %jit3A_1077 : f32 to vector<16xf32>
      %select_n3A_1079 = arith.select %and3A_1075, %min3A_1076, %broadcast_in_dim3A_1078 : vector<16xi1>, vector<16xf32>
      %add3A_1080 = arith.addf %add3A_1064, %select_n3A_1079 : vector<16xf32>
      %get3A_1081 = arith.constant 64 : index
      %get3A_1082 = tpu.vector_load %arg11[%get3A_1081] {strides = array<i32>} : memref<144xi32, #tpu.memory_space<vmem>>, vector<16xi32>,
      %get3A_1083 = arith.constant 64 : index
      %get3A_1084 = tpu.vector_load %arg12[%get3A_1083] {strides = array<i32>} : memref<144xf32, #tpu.memory_space<vmem>>, vector<16xf32>,
      %add3A_1085 = arith.constant 64 : i32
      %add3A_1086 = vector.broadcast %add3A_1085 : i32 to vector<16xi32>
      %add3A_1087 = arith.addi %iota3A, %add3A_1086 : vector<16xi32>
      %eq3A_1088 = arith.cmpi eq, %get3A_1082, %gather3A_1013 : vector<16xi32>
      %ne3A_1089 = vector.broadcast %add3A_1011 : i32 to vector<16xi32>
      %ne3A_1090 = arith.cmpi ne, %add3A_1087, %ne3A_1089 : vector<16xi32>
      %and3A_1091 = arith.andi %eq3A_1088, %ne3A_1090 : vector<16xi1>
      %min3A_1092 = arith.minimumf %get3A_1084, %gather3A_1014 : vector<16xf32>
      %jit3A_1093 = arith.constant 0.000000e+00 : f32
      %broadcast_in_dim3A_1094 = vector.broadcast %jit3A_1093 : f32 to vector<16xf32>
      %select_n3A_1095 = arith.select %and3A_1091, %min3A_1092, %broadcast_in_dim3A_1094 : vector<16xi1>, vector<16xf32>
      %add3A_1096 = arith.addf %add3A_1080, %select_n3A_1095 : vector<16xf32>
      %get3A_1097 = arith.constant 80 : index
      %get3A_1098 = tpu.vector_load %arg11[%get3A_1097] {strides = array<i32>} : memref<144xi32, #tpu.memory_space<vmem>>, vector<16xi32>,
      %get3A_1099 = arith.constant 80 : index
      %get3A_1100 = tpu.vector_load %arg12[%get3A_1099] {strides = array<i32>} : memref<144xf32, #tpu.memory_space<vmem>>, vector<16xf32>,
      %add3A_1101 = arith.constant 80 : i32
      %add3A_1102 = vector.broadcast %add3A_1101 : i32 to vector<16xi32>
      %add3A_1103 = arith.addi %iota3A, %add3A_1102 : vector<16xi32>
      %eq3A_1104 = arith.cmpi eq, %get3A_1098, %gather3A_1013 : vector<16xi32>
      %ne3A_1105 = vector.broadcast %add3A_1011 : i32 to vector<16xi32>
      %ne3A_1106 = arith.cmpi ne, %add3A_1103, %ne3A_1105 : vector<16xi32>
      %and3A_1107 = arith.andi %eq3A_1104, %ne3A_1106 : vector<16xi1>
      %min3A_1108 = arith.minimumf %get3A_1100, %gather3A_1014 : vector<16xf32>
      %jit3A_1109 = arith.constant 0.000000e+00 : f32
      %broadcast_in_dim3A_1110 = vector.broadcast %jit3A_1109 : f32 to vector<16xf32>
      %select_n3A_1111 = arith.select %and3A_1107, %min3A_1108, %broadcast_in_dim3A_1110 : vector<16xi1>, vector<16xf32>
      %add3A_1112 = arith.addf %add3A_1096, %select_n3A_1111 : vector<16xf32>
      %get3A_1113 = arith.constant 96 : index
      %get3A_1114 = tpu.vector_load %arg11[%get3A_1113] {strides = array<i32>} : memref<144xi32, #tpu.memory_space<vmem>>, vector<16xi32>,
      %get3A_1115 = arith.constant 96 : index
      %get3A_1116 = tpu.vector_load %arg12[%get3A_1115] {strides = array<i32>} : memref<144xf32, #tpu.memory_space<vmem>>, vector<16xf32>,
      %add3A_1117 = arith.constant 96 : i32
      %add3A_1118 = vector.broadcast %add3A_1117 : i32 to vector<16xi32>
      %add3A_1119 = arith.addi %iota3A, %add3A_1118 : vector<16xi32>
      %eq3A_1120 = arith.cmpi eq, %get3A_1114, %gather3A_1013 : vector<16xi32>
      %ne3A_1121 = vector.broadcast %add3A_1011 : i32 to vector<16xi32>
      %ne3A_1122 = arith.cmpi ne, %add3A_1119, %ne3A_1121 : vector<16xi32>
      %and3A_1123 = arith.andi %eq3A_1120, %ne3A_1122 : vector<16xi1>
      %min3A_1124 = arith.minimumf %get3A_1116, %gather3A_1014 : vector<16xf32>
      %jit3A_1125 = arith.constant 0.000000e+00 : f32
      %broadcast_in_dim3A_1126 = vector.broadcast %jit3A_1125 : f32 to vector<16xf32>
      %select_n3A_1127 = arith.select %and3A_1123, %min3A_1124, %broadcast_in_dim3A_1126 : vector<16xi1>, vector<16xf32>
      %add3A_1128 = arith.addf %add3A_1112, %select_n3A_1127 : vector<16xf32>
      %get3A_1129 = arith.constant 112 : index
      %get3A_1130 = tpu.vector_load %arg11[%get3A_1129] {strides = array<i32>} : memref<144xi32, #tpu.memory_space<vmem>>, vector<16xi32>,
      %get3A_1131 = arith.constant 112 : index
      %get3A_1132 = tpu.vector_load %arg12[%get3A_1131] {strides = array<i32>} : memref<144xf32, #tpu.memory_space<vmem>>, vector<16xf32>,
      %add3A_1133 = arith.constant 112 : i32
      %add3A_1134 = vector.broadcast %add3A_1133 : i32 to vector<16xi32>
      %add3A_1135 = arith.addi %iota3A, %add3A_1134 : vector<16xi32>
      %eq3A_1136 = arith.cmpi eq, %get3A_1130, %gather3A_1013 : vector<16xi32>
      %ne3A_1137 = vector.broadcast %add3A_1011 : i32 to vector<16xi32>
      %ne3A_1138 = arith.cmpi ne, %add3A_1135, %ne3A_1137 : vector<16xi32>
      %and3A_1139 = arith.andi %eq3A_1136, %ne3A_1138 : vector<16xi1>
      %min3A_1140 = arith.minimumf %get3A_1132, %gather3A_1014 : vector<16xf32>
      %jit3A_1141 = arith.constant 0.000000e+00 : f32
      %broadcast_in_dim3A_1142 = vector.broadcast %jit3A_1141 : f32 to vector<16xf32>
      %select_n3A_1143 = arith.select %and3A_1139, %min3A_1140, %broadcast_in_dim3A_1142 : vector<16xi1>, vector<16xf32>
      %add3A_1144 = arith.addf %add3A_1128, %select_n3A_1143 : vector<16xf32>
      %reduce_sum3A_1145 = arith.constant true
      %reduce_sum3A_1146 = vector.broadcast %reduce_sum3A_1145 : i1 to vector<16xi1>
      %reduce_sum3A_1147 = tpu.scan <sum>, %add3A_1144 masked %reduce_sum3A_1146 : vector<16xf32>, vector<16xi1> -> vector<16xf32>
      %reduce_sum3A_1148 = vector.extract %reduce_sum3A_1147[15] : f32 from vector<16xf32>
      %eq3A_1149 = arith.constant 7 : i32
      %eq3A_1150 = vector.broadcast %eq3A_1149 : i32 to vector<16xi32>
      %eq3A_1151 = arith.cmpi eq, %iota3A, %eq3A_1150 : vector<16xi32>
      %broadcast_in_dim3A_1152 = vector.broadcast %reduce_sum3A_1148 : f32 to vector<16xf32>
      %select_n3A_1153 = arith.select %eq3A_1151, %broadcast_in_dim3A_1152, %select_n3A_1009 : vector<16xi1>, vector<16xf32>
      %swap3A = arith.constant 0 : index
      %swap3A_1154 = tpu.vector_load %arg21[%swap3A] {strides = array<i32>} : memref<16xf32, #tpu.memory_space<vmem>>, vector<16xf32>,
      tpu.vector_store %arg21[%swap3A], %select_n3A_1153 {strides = array<i32>} : memref<16xf32, #tpu.memory_space<vmem>>, vector<16xf32>,
      "tpu.region"() ({
        %run_scoped3A = tpu.sem_alloc : memref<!tpu.dma_semaphore, #tpu.memory_space<semaphore_mem>>
        %dma_start3A = arith.constant 0 : i32
        %dma_start3A_1155 = tpu.memref_slice %arg21[%dma_start3A] : memref<16xf32, #tpu.memory_space<vmem>> -> memref<8xf32, #tpu.memory_space<vmem>>
        %dma_start3A_1156 = tpu.memref_slice %arg8[%mul3A_0] : memref<128xf32, #tpu.memory_space<hbm>> -> memref<8xf32, #tpu.memory_space<hbm>>
        %dma_start3A_1157 = tpu.memref_slice %arg8[%mul3A_0] : memref<128xf32, #tpu.memory_space<hbm>> -> memref<8xf32, #tpu.memory_space<hbm>>
        %dma_start3A_1158 = arith.constant 0 : i32
        %dma_start3A_1159 = tpu.memref_slice %arg21[%dma_start3A_1158] : memref<16xf32, #tpu.memory_space<vmem>> -> memref<8xf32, #tpu.memory_space<vmem>>
        tpu.enqueue_dma source(%dma_start3A_1159 : memref<8xf32, #tpu.memory_space<vmem>>) target(%dma_start3A_1157 : memref<8xf32, #tpu.memory_space<hbm>>) target_semaphore(%run_scoped3A : memref<!tpu.dma_semaphore, #tpu.memory_space<semaphore_mem>>)
        %dma_wait3A = arith.constant 0 : i32
        %dma_wait3A_1160 = tpu.memref_slice %arg21[%dma_wait3A] : memref<16xf32, #tpu.memory_space<vmem>> -> memref<8xf32, #tpu.memory_space<vmem>>
        %dma_wait3A_1161 = tpu.memref_slice %arg8[%mul3A_0] : memref<128xf32, #tpu.memory_space<hbm>> -> memref<8xf32, #tpu.memory_space<hbm>>
        %dma_wait3A_1162 = tpu.memref_slice %arg8[%mul3A_0] : memref<128xf32, #tpu.memory_space<hbm>> -> memref<8xf32, #tpu.memory_space<hbm>>
        %dma_wait3A_1163 = arith.constant 0 : i32
        %dma_wait3A_1164 = tpu.memref_slice %arg21[%dma_wait3A_1163] : memref<16xf32, #tpu.memory_space<vmem>> -> memref<8xf32, #tpu.memory_space<vmem>>
        tpu.wait_dma2 semaphore(%run_scoped3A : memref<!tpu.dma_semaphore, #tpu.memory_space<semaphore_mem>>) src(%dma_wait3A_1164 : memref<8xf32, #tpu.memory_space<vmem>>) dst(%dma_wait3A_1162 : memref<8xf32, #tpu.memory_space<hbm>>)
        tpu.yield
      }) : () -> ()
    } else {
    }
    return
  }
}

module attributes {stable_mosaic.version = 14 : i64} {
  func.func @_tc_argmax_body(%arg0: memref<128x8192xf32, #tpu.memory_space<vmem>>, %arg1: memref<128x8192xf32, #tpu.memory_space<vmem>>, %arg2: memref<128xi32, #tpu.memory_space<vmem>>, %arg3: memref<128xi32, #tpu.memory_space<vmem>>) attributes {dimension_semantics = [], scalar_prefetch = 0 : i64, scratch_operands = 0 : i64, tpu.core_type = #tpu.core_type<tc>} {
    %get3A = arith.constant 0 : index
    %get3A_0 = arith.constant 0 : index
    %get3A_1 = vector.load %arg0[%get3A, %get3A_0] : memref<128x8192xf32, #tpu.memory_space<vmem>>, vector<128x8192xf32>
    %reduce_max3A = arith.constant dense<0xFF800000> : vector<128xf32>
    %reduce_max3A_2 = vector.multi_reduction <maximumf>, %get3A_1, %reduce_max3A [1] : vector<128x8192xf32> to vector<128xf32>
    %broadcast_in_dim3A = vector.shape_cast %reduce_max3A_2 : vector<128xf32> to vector<128x1xf32>
    %iota3A = tpu.iota {dimensions = array<i32: 1>} : vector<128x8192xi32>
    %eq3A = vector.broadcast %broadcast_in_dim3A : vector<128x1xf32> to vector<128x8192xf32>
    %eq3A_3 = arith.cmpf oeq, %get3A_1, %eq3A : vector<128x8192xf32>
    %jit3A = arith.constant 1073741824 : i32
    %broadcast_in_dim3A_4 = vector.broadcast %jit3A : i32 to vector<128x8192xi32>
    %select_n3A = arith.select %eq3A_3, %iota3A, %broadcast_in_dim3A_4 : vector<128x8192xi1>, vector<128x8192xi32>
    %reduce_min3A = arith.constant dense<2147483647> : vector<128xi32>
    %reduce_min3A_5 = vector.multi_reduction <minsi>, %select_n3A, %reduce_min3A [1] : vector<128x8192xi32> to vector<128xi32>
    %swap3A = arith.constant 0 : index
    %swap3A_6 = vector.load %arg2[%swap3A] : memref<128xi32, #tpu.memory_space<vmem>>, vector<128xi32>
    tpu.vector_store %arg2[%swap3A], %reduce_min3A_5 {strides = array<i32>} : memref<128xi32, #tpu.memory_space<vmem>>, vector<128xi32>,
    %get3A_7 = arith.constant 0 : index
    %get3A_8 = arith.constant 0 : index
    %get3A_9 = vector.load %arg1[%get3A_7, %get3A_8] : memref<128x8192xf32, #tpu.memory_space<vmem>>, vector<128x8192xf32>
    %reduce_max3A_10 = arith.constant dense<0xFF800000> : vector<128xf32>
    %reduce_max3A_11 = vector.multi_reduction <maximumf>, %get3A_9, %reduce_max3A_10 [1] : vector<128x8192xf32> to vector<128xf32>
    %broadcast_in_dim3A_12 = vector.shape_cast %reduce_max3A_11 : vector<128xf32> to vector<128x1xf32>
    %iota3A_13 = tpu.iota {dimensions = array<i32: 1>} : vector<128x8192xi32>
    %eq3A_14 = vector.broadcast %broadcast_in_dim3A_12 : vector<128x1xf32> to vector<128x8192xf32>
    %eq3A_15 = arith.cmpf oeq, %get3A_9, %eq3A_14 : vector<128x8192xf32>
    %jit3A_16 = arith.constant 1073741824 : i32
    %broadcast_in_dim3A_17 = vector.broadcast %jit3A_16 : i32 to vector<128x8192xi32>
    %select_n3A_18 = arith.select %eq3A_15, %iota3A_13, %broadcast_in_dim3A_17 : vector<128x8192xi1>, vector<128x8192xi32>
    %reduce_min3A_19 = arith.constant dense<2147483647> : vector<128xi32>
    %reduce_min3A_20 = vector.multi_reduction <minsi>, %select_n3A_18, %reduce_min3A_19 [1] : vector<128x8192xi32> to vector<128xi32>
    %swap3A_21 = arith.constant 0 : index
    %swap3A_22 = vector.load %arg3[%swap3A_21] : memref<128xi32, #tpu.memory_space<vmem>>, vector<128xi32>
    tpu.vector_store %arg3[%swap3A_21], %reduce_min3A_20 {strides = array<i32>} : memref<128xi32, #tpu.memory_space<vmem>>, vector<128xi32>,
    return
  }
}

</mosaic_0001>

<sc_bundles>
// kernel: kernel.4.cloned.1.call-start
scs
__scs_entry_jumppad:
0x0: {  	(pc) =	sbr.rel $0x88, $3  }
0x1: {  	(tag) =	ssettag $0x0;
	lr =	simm.s32 $0x1  }
0x2: {  	[smem:$0x3F9C] =	sst lr;
	_ =	strace $0xD0000000  }
0x3: {  	_ = 	snop  }
0x4: {  	_ = 	snop  }
0x5: {  	_ = 	snop  }
0x6: {  	_ = 	snop  }
0x7: {  	_ = 	snop  }
__scs_overlays_trampoline_lowered:
0x8: {  	[smem:$0x3FAB] =	sst s0  }
0x9: {  	[smem:$0x3FAC] =	sst s1  }
0xa: {  	[smem:$0x3FAD] =	sst s2  }
0xb: {  	[smem:$0x3FAE] =	sst s3  }
0xc: {  	[smem:$0x3FAF] =	sst s4  }
0xd: {  	[smem:$0x3FB0] =	sst s5  }
0xe: {  	[smem:$0x3FB1] =	sst s6  }
0xf: {  	[smem:$0x3FB2] =	sst s7  }
0x10: {  	[smem:$0x3FB3] =	sst s8  }
0x11: {  	[smem:$0x3FB4] =	sst s9;
	s0 =	simm.s32 @!p0 $0x0  }
0x12: {  	s1 =	sld [smem:$0x3F9A];
	s0 =	simm.s32 @p0 $0x1  }
0x13: {  	[smem:$0x3FB5] =	sst s0;
	s0 =	simm.s32 @!p1 $0x0  }
0x14: {  	s2 =	sld [smem:$0x3F99];
	s0 =	simm.s32 @p1 $0x1  }
0x15: {  	[smem:$0x3FB6] =	sst s0;
	s0 =	simm.s32 @!p2 $0x0  }
0x16: {  	s3 =	sld [smem:$0x3FDB];
	s0 =	simm.s32 @p2 $0x1  }
0x17: {  	s4 =	simm.s32 $0x1BF5;
	[smem:$0x3FB8] =	sst s0  }
0x18: {  	s0 =	sld [smem:$0x3F9B];
	_ =	swait.ge [sflag:s4], $0x0  }
0x19: {  	s7 =	sld [smem:$0x3F9C]  }
0x1a: {  	s8 =	sadd.s32 $0xFFFFE003, lr  }
0x1b: {  	s9 =	sadd.s32 $0xFFFFFEF7, lr;
	s5 =	simm.s32 $0xFFFFFFFF;
	p2 =	slt.u32 s8, $0xFFFFF086  }
0x1c: {  	p1 =	slt.u32 s9, $0xF7A;
	s5 =	simm.s32 @!p2 $0x0  }
0x1d: {  	s5 =	simm.s32 @p1 $0x1;
	p0 =	seq.s32 s7, s2  }
0x1e: {  	s7 =	smul.u32 @!p0 $0xF7A, s2;
	p2 =	seq.s32 @!p0 s5, $0x0  }
0x1f: {  	s9 =	smul.u32 $0xF7A, s1;
	s8 =	simm.s32 @!p0 $0x1BF5;
	p2 =	por !p2, p0  }
0x20: {  	[sflag:s8] =	ssyncset.s32 @!p0 $0xFFFFF086;
	s6 =	sadd.s32 @!p0 s3, s7;
	s7 =	simm.s32 @!p0 $0x108  }
0x21: {  	s3 =	sadd.s32 s3, s9;
	s6 =	sadd.s32 @!p0 $0x88, s6;
	s7 =	simm.s32 @p2 $0x1082  }
0x22: {  	[simem:s7], [sflag:s8] =	dma.local @!p0 [hbm:s6], $0xF7A  }
0x23: {  	s9 =	sor.u32 $0xD0000000, s2;
	s6 =	simm.s32 $0x108;
	_ =	swait.ge @!p0 [sflag:s8], $0x0  }
0x24: {  	s3 =	sadd.s32 $0x88, s3;
	s6 =	simm.s32 @!p1 $0x1082;
	[sflag:s4] =	ssyncset.s32 $0xFFFFF086  }
0x25: {  	[simem:s6], [sflag:s4] =	dma.local [hbm:s3], $0xF7A  }
0x26: {  	[smem:$0x3F9C] =	sst s1;
	(tag) =	ssettag s2;
	_ =	strace s9  }
0x27: {  	s1 =	sld [smem:$0x3FAC]  }
0x28: {  	s2 =	sld [smem:$0x3FAD]  }
0x29: {  	s4 =	sld [smem:$0x3FAF]  }
0x2a: {  	p0 =	seq.s32 s5, $0x0;
	s5 =	sld [smem:$0x3FB0]  }
0x2b: {  	s6 =	sld [smem:$0x3FB1]  }
0x2c: {  	s7 =	sld [smem:$0x3FB2]  }
0x2d: {  	s3 =	simm.s32 $0x108;
	s8 =	sld [smem:$0x3FB3]  }
0x2e: {  	s3 =	simm.s32 @!p0 $0x1082;
	s9 =	sld [smem:$0x3FB4]  }
0x2f: {  	lr =	sadd.s32 s0, s3;
	s0 =	sld [smem:$0x3FAB]  }
0x30: {  	s3 =	sld [smem:$0x3FAE]  }
0x31: {  	[smem:$0x3FB7] =	sst s10  }
0x32: {  	s10 =	sld [smem:$0x3FB5];
	_ =	sdelay $0x3  }
0x33: {  	p0 =	seq.s32 s10, $0x1;
	s10 =	sld [smem:$0x3FB7];
	_ =	sdelay $0x3  }
0x34: {  	[smem:$0x3FB7] =	sst s10  }
0x35: {  	s10 =	sld [smem:$0x3FB6];
	_ =	sdelay $0x3  }
0x36: {  	p1 =	seq.s32 s10, $0x1;
	s10 =	sld [smem:$0x3FB7];
	_ =	sdelay $0x3  }
0x37: {  	[smem:$0x3FB7] =	sst s10  }
0x38: {  	s10 =	sld [smem:$0x3FB8]  }
0x39: {  	_ = 	snop;
	(pc) =	sbr.ind lr, $3  }
0x3a: {  	_ = 	snop  }
0x3b: {  	_ = 	snop  }
0x3c: {  	p2 =	seq.s32 s10, $0x1;
	s10 =	sld [smem:$0x3FB7]  }
0x3d: {  	_ =	shalt  }
0x3e: {  	_ =	shalt  }
0x3f: {  	_ =	shalt  }
0x40: {  	_ =	shalt  }
0x41: {  	_ =	shalt  }
0x42: {  	_ =	shalt  }
0x43: {  	_ =	shalt  }
0x44: {  	_ =	shalt  }
0x45: {  	_ =	shalt  }
0x46: {  	_ =	shalt  }
0x47: {  	_ =	shalt  }
0x48: {  	_ =	shalt  }
0x49: {  	_ =	shalt  }
0x4a: {  	_ =	shalt  }
0x4b: {  	_ =	shalt  }
0x4c: {  	_ =	shalt  }
0x4d: {  	_ =	shalt  }
0x4e: {  	_ =	shalt  }
0x4f: {  	_ =	shalt  }
0x50: {  	_ =	shalt  }
0x51: {  	_ =	shalt  }
0x52: {  	_ =	shalt  }
0x53: {  	_ =	shalt  }
0x54: {  	_ =	shalt  }
0x55: {  	_ =	shalt  }
0x56: {  	_ =	shalt  }
0x57: {  	_ =	shalt  }
0x58: {  	_ =	shalt  }
0x59: {  	_ =	shalt  }
0x5a: {  	_ =	shalt  }
0x5b: {  	_ =	shalt  }
0x5c: {  	_ =	shalt  }
0x5d: {  	_ =	shalt  }
0x5e: {  	_ =	shalt  }
0x5f: {  	_ =	shalt  }
0x60: {  	_ =	shalt  }
0x61: {  	_ =	shalt  }
0x62: {  	_ =	shalt  }
0x63: {  	_ =	shalt  }
0x64: {  	_ =	shalt  }
0x65: {  	_ =	shalt  }
0x66: {  	_ =	shalt  }
0x67: {  	_ =	shalt  }
0x68: {  	_ =	shalt  }
0x69: {  	_ =	shalt  }
0x6a: {  	_ =	shalt  }
0x6b: {  	_ =	shalt  }
0x6c: {  	_ =	shalt  }
0x6d: {  	_ =	shalt  }
0x6e: {  	_ =	shalt  }
0x6f: {  	_ =	shalt  }
0x70: {  	_ =	shalt  }
0x71: {  	_ =	shalt  }
0x72: {  	_ =	shalt  }
0x73: {  	_ =	shalt  }
0x74: {  	_ =	shalt  }
0x75: {  	_ =	shalt  }
0x76: {  	_ =	shalt  }
0x77: {  	_ =	shalt  }
0x78: {  	_ =	shalt  }
0x79: {  	_ =	shalt  }
0x7a: {  	_ =	shalt  }
0x7b: {  	_ =	shalt  }
0x7c: {  	_ =	shalt  }
0x7d: {  	_ =	shalt  }
0x7e: {  	_ =	shalt  }
0x7f: {  	_ =	shalt  }
0x80: {  	_ =	shalt  }
0x81: {  	_ =	shalt  }
0x82: {  	_ =	shalt  }
0x83: {  	_ =	shalt  }
0x84: {  	_ =	shalt  }
0x85: {  	_ =	shalt  }
0x86: {  	_ =	shalt  }
0x87: {  	_ =	shalt  }
.Lfunc_end0:
.L_simem_size_0:
called_computation_lowered:
.L_overlay_start_0:
0x88: {  	s2 =	sld [smem:$0x3FD9]  }
0x89: {  	s3 =	sld [smem:$0x3FFE];
	_ =	sdelay $0x1  }
0x8a: {  	s1 =	srdreg.scid  }
0x8b: {  	s0 =	sand.u32 $0x1, s1  }
0x8c: {  	s14 =	sshll.u32 s0, $0xA;
	s2 =	sadd.s32 s3, s2  }
0x8d: {  	s2 =	sadd.s32 s2, s14  }
0x8e: {  	[smem:$0x3FC3] =	sst s2  }
0x8f: {  	_ = 	snop  }
0x90: {  	s2 =	sld [smem:$0x3FD0]  }
0x91: {  	s15 =	sld [smem:$0x3FC7]  }
0x92: {  	s4 =	sld [smem:$0x3FC6]  }
0x93: {  	s6 =	simm.s32 $0xA;
	s7 =	simm.s32 $0x10;
	s5 =	sld [smem:$0x3FC5]  }
0x94: {  	[smem:s7], [sflag:s6] =	dma.local [hbm:s2], $0x1  }
0x95: {  	_ =	swait.eq [sflag:s6], $0x1  }
0x96: {  	s16 =	sld [smem:$0x10];
	[sflag:s6] =	ssyncset.done $0x0  }
0x97: {  	s17 =	sld [smem:$0x11];
	[sflag:s6] =	ssyncadd.s32 $0xFFFFFFFF  }
0x98: {  	s18 =	sld [smem:$0x12];
	(tm) =	ssettm $0x1  }
0x99: {  	s8 =	sld [smem:$0x3FFB];
	_ =	sdelay $0x3  }
0x9a: {  	_ =	strace s8  }
0x9b: {  	s8 =	sld [smem:$0x3FFC];
	_ =	sdelay $0x3  }
0x9c: {  	_ =	strace s8  }
0x9d: {  	s8 =	sld [smem:$0x3FFD];
	_ =	sdelay $0x3  }
0x9e: {  	_ =	strace s8  }
0x9f: {  	_ =	strace $0x8FFFFFFF  }
0xa0: {  	s19 =	sld [smem:$0x3FDB];
	_ =	sdelay $0x1  }
0xa1: {  	s9 =	simm.s32 $_scs_section_size  }
0xa2: {  	s10 =	simm.s32 $_size__tile_overlayer_lowered;
	s11 =	simm.s32 $_tile_overlayer_lowered  }
0xa3: {  	s22 =	simm.s32 $0x1BFF;
	s21 =	sshll.u32 s11, $0x1;
	s8 =	sadd.s32 s9, s19  }
0xa4: {  	s12 =	simm.s32 $0x0;
	s20 =	sshll.u32 s10, $0x1;
	s10 =	sadd.s32 s21, s8  }
0xa5: {  	[timem:s12], [sflag:s22] =	dma.local [hbm:s10], s20  }
0xa6: {  	_ =	swait.ge [sflag:s22], s20  }
0xa7: {  	s9 =	ssub.s32 $0x0, s20;
	[sflag:s22] =	ssyncset.done $0x0  }
0xa8: {  	[sflag:s22] =	ssyncadd.s32 s9;
	_ =	sdelay $0x1  }
0xa9: {  	s23 =	simm.s32 $0x1B8B  }
0xaa: {  	_ =	swait.ge [sflag:s23], $0x1  }
0xab: {  	[sflag:s23] =	ssyncset.done $0x0  }
0xac: {  	s25 =	simm.s32 $0x1B8E;
	s24 =	sld [smem:$0x3FFE];
	[sflag:s23] =	ssyncadd.s32 $0xFFFFFFFF  }
0xad: {  	s26 =	simm.s32 $execute0_lowered;
	[smem:$0x3FD2] =	sst s25  }
0xae: {  	s10 =	sshll.u32 s26, $0x1;
	_ =	strace $0x80000046;
	[dreg:$0x1] =	wrdreg $0xFFFFFFFF  }
0xaf: {  	s28 =	simm.s32 $_size_execute0_lowered;
	s8 =	sadd.s32 s8, s10;
	[dreg:$0x0] =	wrdreg $0x0  }
0xb0: {  	s10 =	sshll.u32 s28, $0x1;
	[dreg:$0x2] =	wrdreg s8  }
0xb1: {  	[dreg:$0x3] =	wrdreg s10  }
0xb2: {  	[dreg:$0x4] =	wrdreg $0xC0  }
0xb3: {  	_ =	task [dreg:s12], $0x5FFFF  }
0xb4: {  	[dreg:$0x1] =	wrdreg $0xFFFFFFFF  }
0xb5: {  	[dreg:$0x0] =	wrdreg $0x60  }
0xb6: {  	[dreg:$0x2] =	wrdreg s24  }
0xb7: {  	[dreg:$0x3] =	wrdreg s15  }
0xb8: {  	[dreg:$0x4] =	wrdreg s4  }
0xb9: {  	[dreg:$0x5] =	wrdreg s5  }
0xba: {  	[dreg:$0x6] =	wrdreg s16  }
0xbb: {  	[dreg:$0x7] =	wrdreg s17  }
0xbc: {  	[dreg:$0x8] =	wrdreg s18  }
0xbd: {  	[dreg:$0x9] =	wrdreg $0x31800  }
0xbe: {  	[dreg:$0xa] =	wrdreg $0x9  }
0xbf: {  	_ =	task.clear_ibuf [dreg:s12], $0xBFFFF;
	_ =	strace $0x90000046  }
0xc0: {  	s29 =	simm.s32 $0x9;
	_ =	strace $0x80000048  }
0xc1: {  	_ =	swait.ge [sflag:s29], $0x1  }
0xc2: {  	[sflag:s29] =	ssyncadd.s32 $0xFFFFFFFF  }
0xc3: {  	_ =	strace $0x90000048  }
0xc4: {  	_ =	sfence  }
0xc5: {  	s30 =	sld [smem:$0x0];
	_ =	sdelay $0x2  }
0xc6: {  	s31 =	sshll.u32 s1, $0xD;
	s1 =	sshrl.u32 s1, $0x2  }
0xc7: {  	s3 =	sand.u32 $0x4000, s31;
	s1 =	sadd.s32 s1, s30  }
0xc8: {  	s0 =	sor.u32 s3, s0;
	s1 =	sshll.u32 s1, $0x11  }
0xc9: {  	s0 =	sor.u32 s1, s0  }
0xca: {  	s0 =	sadd.s32 $0x8F2B, s0  }
0xcb: {  	[sflag:s0] =	ssyncadd.remote.s32 $0x1  }
0xcc: {  	_ =	sfence.sel $0xFFFF  }
0xcd: {  	[dreg:$0x0] =	wrdreg $0xFFFFFFFF;
	(pc) =	sbr.abs _section_cstart, $3  }
0xce: {  	[dreg:$0x1] =	wrdreg $0xFFFFFFFF  }
0xcf: {  	_ =	task.clear_ibuf [dreg:s12], $0x2FFFF;
	_ =	strace $0x9FFFFFFF  }
0xd0: {  	(tm) =	ssettm $0x7FFFFFFF  }
0xd1: {  	_ =	shalt  }
tec
execute0_lowered:
.L_overlay_start_1:
0x0: {  	(tag) =	ssettag $0x1  }
0x1: {  	v0 =	vimm.s32 $0x0;
	vm0 =	vcmask $0x704;
	s14 =	stileid.u32  }
0x2: {  	vm1 =	vcmask $0x1B18;
	v0 =	vsel vm0, $0x80, v0;
	vm0 =	vcmask $0xB08;
	s26 =	sshllo.u32 s14, $0x3  }
0x3: {  	v0 =	vsel vm0, $0x100, v0;
	vm0 =	vcmask $0xF0C;
	v10 =	vmov s26  }
0x4: {  	s3 =	sshll.u32 s14, $0x3;
	v1 =	vsel vm0, $0x180, v0;
	vm0 =	vcmask $0x1310;
	v0 =	vlaneseq.u32  }
0x5: {  	v1 =	vsel vm0, $0x200, v1;
	vm0 =	vcmask $0x1714;
	v2 =	vor.u32 s3, v0  }
0x6: {  	v11 =	vor.u32 $0x70, v0;
	v1 =	vsel vm0, $0x280, v1;
	vm0 =	vmmov $0xff  }
0x7: {  	v3 =	vsel vm1, $0x300, v1;
	vm1 =	vcmask $0x1F1C;
	v4 =	vnsel vm0, $0x0, v2  }
0x8: {  	v2 =	vsel vm1, $0x380, v3;
	vm1 =	vne.s32 v10, v11;
	v3 =	vimm.s32 $0x0  }
0x9: {  	s0 =	rddreg [dreg:$0x0];
	v12 =	vor.u32 $0x60, v0;
	v3 =	vsel vm1, $0xFFFFFFFF, v3  }
0xa: {  	s2 =	rddreg [dreg:$0x2];
	vm1 =	vne.s32 v10, v12;
	[tilespmem:$0x1FE90] =	vst v3;
	v3 =	vimm.s32 $0x0  }
0xb: {  	s4 =	rddreg [dreg:$0x3];
	v13 =	vor.u32 $0x50, v0;
	v3 =	vsel vm1, $0xFFFFFFFF, v3  }
0xc: {  	s1 =	rddreg [dreg:$0x4];
	s7 =	sor.u32 $0x2, s3;
	vm1 =	vne.s32 v10, v13;
	[tilespmem:$0x1FEA0] =	vst v3;
	v3 =	vimm.s32 $0x0  }
0xd: {  	s5 =	rddreg [dreg:$0x5];
	v5 =	vmov s7;
	v14 =	vor.u32 $0x40, v0;
	[tilespmem:$0x1FE70] =	vst v2;
	v3 =	vsel vm1, $0xFFFFFFFF, v3  }
0xe: {  	s13 =	rddreg [dreg:$0x6];
	s7 =	simm.s32 $0x0;
	v2 =	vor.u32 v2, v4;
	vm1 =	vne.s32 v10, v14;
	[tilespmem:$0x1FEB0] =	vst v3;
	v3 =	vimm.s32 $0x0  }
0xf: {  	[smem:$0x7FF] =	sst s7;
	v15 =	vor.u32 $0x30, v0;
	[tilespmem:$0x1FE80] =	vst v2;
	v3 =	vsel vm1, $0xFFFFFFFF, v3  }
0x10: {  	s11 =	rddreg [dreg:$0x7];
	_ =	strace $0x80000047;
	vm1 =	vne.s32 v10, v15;
	[tilespmem:$0x1FEC0] =	vst v3;
	v3 =	vimm.s32 $0x0  }
0x11: {  	v16 =	vor.u32 $0x20, v0;
	v3 =	vsel vm1, $0xFFFFFFFF, v3  }
0x12: {  	vm1 =	vne.s32 v10, v16;
	[tilespmem:$0x1FED0] =	vst v3;
	v3 =	vimm.s32 $0x0  }
0x13: {  	v17 =	vor.u32 $0x10, v0;
	v3 =	vsel vm1, $0xFFFFFFFF, v3  }
0x14: {  	vm1 =	vne.s32 v10, v17;
	[tilespmem:$0x1FEE0] =	vst v3;
	v3 =	vimm.s32 $0x0  }
0x15: {  	v3 =	vsel vm1, $0xFFFFFFFF, v3  }
0x16: {  	s25 =	sor.u32 $0x6, s3;
	vm1 =	vne.s32 v10, v0;
	[tilespmem:$0x1FEF0] =	vst v3;
	v3 =	vimm.s32 $0x0  }
0x17: {  	v9 =	vmov s25;
	v3 =	vsel vm1, $0xFFFFFFFF, v3  }
0x18: {  	vm1 =	vne.s32 v9, v11;
	[tilespmem:$0x1FF00] =	vst v3;
	v3 =	vimm.s32 $0x0  }
0x19: {  	v3 =	vsel vm1, $0xFFFFFFFF, v3  }
0x1a: {  	vm1 =	vne.s32 v9, v12;
	[tilespmem:$0x1FF10] =	vst v3;
	v3 =	vimm.s32 $0x0  }
0x1b: {  	v3 =	vsel vm1, $0xFFFFFFFF, v3  }
0x1c: {  	vm1 =	vne.s32 v9, v13;
	[tilespmem:$0x1FF20] =	vst v3;
	v3 =	vimm.s32 $0x0  }
0x1d: {  	v3 =	vsel vm1, $0xFFFFFFFF, v3  }
0x1e: {  	vm1 =	vne.s32 v9, v14;
	[tilespmem:$0x1FF30] =	vst v3;
	v3 =	vimm.s32 $0x0  }
0x1f: {  	v3 =	vsel vm1, $0xFFFFFFFF, v3  }
0x20: {  	vm1 =	vne.s32 v9, v15;
	[tilespmem:$0x1FF40] =	vst v3;
	v3 =	vimm.s32 $0x0  }
0x21: {  	v3 =	vsel vm1, $0xFFFFFFFF, v3  }
0x22: {  	vm1 =	vne.s32 v9, v16;
	[tilespmem:$0x1FF50] =	vst v3;
	v3 =	vimm.s32 $0x0  }
0x23: {  	v3 =	vsel vm1, $0xFFFFFFFF, v3  }
0x24: {  	vm1 =	vne.s32 v9, v17;
	[tilespmem:$0x1FF60] =	vst v3;
	v3 =	vimm.s32 $0x0  }
0x25: {  	v3 =	vsel vm1, $0xFFFFFFFF, v3  }
0x26: {  	s8 =	sor.u32 $0x5, s3;
	vm1 =	vne.s32 v9, v0;
	[tilespmem:$0x1FF70] =	vst v3;
	v3 =	vimm.s32 $0x0  }
0x27: {  	v8 =	vmov s8;
	v3 =	vsel vm1, $0xFFFFFFFF, v3  }
0x28: {  	vm1 =	vne.s32 v8, v11;
	[tilespmem:$0x1FF80] =	vst v3;
	v3 =	vimm.s32 $0x0  }
0x29: {  	s29 =	srdreg.scid;
	v3 =	vsel vm1, $0xFFFFFFFF, v3  }
0x2a: {  	s16 =	simm.s32 $0x80;
	s17 =	simm.s32 $0x300;
	s18 =	simm.s32 $0x1;
	vm1 =	vne.s32 v8, v12;
	[tilespmem:$0x1FF90] =	vst v3;
	v3 =	vimm.s32 $0x0  }
0x2b: {  	s19 =	simm.s32 $0x2;
	s20 =	simm.s32 $0x8;
	s21 =	simm.s32 $0x2380;
	v3 =	vsel vm1, $0xFFFFFFFF, v3  }
0x2c: {  	s22 =	simm.s32 $0x2B80;
	s31 =	simm.s32 $0x3;
	s23 =	sor.u32 $0x3, s3;
	vm1 =	vne.s32 v8, v13;
	[tilespmem:$0x1FFA0] =	vst v3;
	v3 =	vimm.s32 $0x0  }
0x2d: {  	s28 =	simm.s32 $0x3100;
	s10 =	sadd.s32 s14, s0;
	s12 =	sadd.s32 s1, s14;
	v6 =	vmov s23;
	vm9 =	vne.s32 v8, v0;
	v3 =	vsel vm1, $0xFFFFFFFF, v3  }
0x2e: {  	s13 =	sadd.s32 s13, s14;
	s14 =	sadd.s32 s5, s14;
	s6 =	sor.u32 $0x1, s3;
	vm8 =	vne.s32 v8, v17;
	vm1 =	vne.s32 v8, v14;
	[tilespmem:$0x1FFB0] =	vst v3;
	v3 =	vimm.s32 $0x0  }
0x2f: {  	s24 =	sor.u32 $0x4, s3;
	s11 =	sadd.s32 s3, s11;
	s26 =	simm.s32 $0x180;
	v1 =	vmov s3;
	v4 =	vmov s6;
	v3 =	vsel vm1, $0xFFFFFFFF, v3  }
.Ltmp0:
0x30: {  	s8 =	sadd.s32 $0x1400, s0;
	s6 =	sand.u32 $0x1, s29;
	v2 =	vmov s24;
	vm1 =	vne.s32 v8, v15;
	[tilespmem:$0x1FFC0] =	vst v3;
	v3 =	vimm.s32 $0x0;
	(pc) =	sbr.rel .LBB2_1-.Ltmp0, $4  }
0x31: {  	s23 =	simm.s32 $0x4;
	s25 =	simm.s32 $0x3080;
	s9 =	ssub.s32 $0x2, s6;
	vm10 =	vne.s32 v2, v11;
	vm11 =	vne.s32 v2, v12;
	v3 =	vsel vm1, $0xFFFFFFFF, v3  }
0x32: {  	p0 =	sne.s32 s6, $0x0;
	s6 =	simm.s32 $0x5;
	s30 =	sshrl.u32 s9, $0x1;
	vm12 =	vne.s32 v2, v13;
	vm1 =	vne.s32 v8, v16;
	[tilespmem:$0x1FFD0] =	vst v3;
	v3 =	vimm.s32 $0x0  }
0x33: {  	s24 =	simm.s32 $0x3000;
	vm13 =	vne.s32 v2, v14;
	vm14 =	vne.s32 v2, v15;
	s0 =	ssub.s32 s9, s30;
	s9 =	sadd.s32 $0x1200, s10;
	[tilespmem:$0x1FFF0] =	vst v2;
	v3 =	vsel vm1, $0xFFFFFFFF, v3  }
0x34: {  	vm15 =	vne.s32 v2, v16;
	vm2 =	vne.s32 v2, v0;
	s10 =	sor.u32 $0x80, s3;
	s15 =	smax.u32 s0, $0x1;
	s0 =	simm.s32 $0x2780;
	vm1 =	vne.s32 v2, v17;
	[tilespmem:$0x1FFE0] =	vst v3  }
.LBB2_3:
0x35: {  	[bflag:$0x0] =	sbarrier.arrive $0xFFFF  }
.LBB2_4:
0x36: {  	s15 =	sadd.s32 $0xFFFFFFFF, s15  }
0x37: {  	p1 =	sne.s32 s15, $0x0  }
.Ltmp1:
0x38: {  	_ = 	snop;
	(pc) =	sbr.rel @!p1 .LBB2_5-.Ltmp1, $1  }
0x39: {  	_ =	sdelay $0x3  }
.LBB2_1:
.Ltmp2:
0x3a: {  	(pc) =	sbr.rel @p0 .LBB2_3-.Ltmp2, $1  }
0x3b: {  	_ =	sdelay $0x3  }
0x3c: {  	[tilespmem:s7], [sflag:$0x1] =	stream.linear.gather [hbm4b:s9+s7], $0x8, $0x38;
	[tilespmem:$0x3188] =	vst v63  }
0x3d: {  	_ = 	snop  }
0x3e: {  	[tilespmem:s16], [sflag:$0x2] =	stream.linear.gather [hbm4b:s8+s7], $0x80, $0x38;
	[tilespmem:$0x3188] =	vst v63  }
0x3f: {  	s1 =	rddreg [dreg:$0x1]  }
0x40: {  	[tilespmem:s17], [sflag:$0x3] =	stream.linear.gather [hbm4b:s1+s7], $0x2080, $0x38;
	[tilespmem:$0x3188] =	vst v63  }
0x41: {  	_ =	swait.ge [sflag:s18], $0x8  }
0x42: {  	[sflag:s18] =	ssyncset.done $0x0  }
0x43: {  	[sflag:s18] =	ssyncadd.s32 $0xFFFFFFF8  }
0x44: {  	_ =	swait.ge [sflag:s19], $0x80  }
0x45: {  	[sflag:s19] =	ssyncset.done $0x0  }
0x46: {  	[sflag:s19] =	ssyncadd.s32 $0xFFFFFF80  }
0x47: {  	v19 =	vld [tilespmem:s3+$0x80];
	_ =	sdelay $0x1  }
0x48: {  	v18 =	vld [tilespmem:$0x0];
	_ =	sdelay $0x2  }
0x49: {  	(v2sf) =	vpush v19, $0x0;
	_ =	sdelay $0x1  }
0x4a: {  	(v2sf) =	vpush v18, $0x0;
	_ =	sdelay $0xc  }
0x4b: {  	s29 =	spop (v2sf);
	(v2sf) =	vpush v19, $0x1  }
0x4c: {  	[tilespmem:s21], [sflag:$0x2] =	stream.indirect.gather [hbm4b:s2+s20], $0x80, s10, s20, $0xb8;
	[tilespmem:$0x3188] =	vst v63  }
0x4d: {  	s30 =	spop (v2sf);
	(v2sf) =	vpush v18, $0x1  }
0x4e: {  	s5 =	sand.u32 $0xF, s30  }
0x4f: {  	s1 =	sshra.s32 s30, $0x1F;
	p1 =	slt.s32 s30, $0x1;
	p2 =	sne.s32 s5, $0x0  }
0x50: {  	s1 =	sshrl.u32 s1, $0x1C;
	p1 =	por !p1, !p2  }
0x51: {  	s5 =	simm.s32 $0x1;
	s1 =	sadd.s32 s1, s30;
	p1 =	por !p1, !p1  }
0x52: {  	s1 =	sshra.s32 s1, $0x4;
	s5 =	simm.s32 @!p1 $0x0  }
0x53: {  	s1 =	ssub.s32 s1, s5  }
0x54: {  	s5 =	sshll.u32 s29, $0xD;
	s30 =	sshll.u32 s1, $0x7  }
0x55: {  	s29 =	sshll.u32 s29, $0x7;
	s5 =	sand.u32 $0xFFFF0000, s5;
	s30 =	sand.u32 $0xFFFFFC00, s30  }
0x56: {  	s29 =	sand.u32 $0x380, s29;
	s1 =	sshll.u32 s1, $0x4;
	s5 =	sadd.s32 s5, s30  }
0x57: {  	s1 =	sand.u32 $0x70, s1;
	s5 =	sor.u32 s29, s5  }
0x58: {  	s1 =	sor.u32 s1, s5  }
0x59: {  	s1 =	sshrl.u32 s1, $0x3  }
0x5a: {  	s1 =	sadd.s32 s4, s1;
	s5 =	spop (v2sf);
	(v2sf) =	vpush v19, $0x2  }
0x5b: {  	[tilespmem:s22], [sflag:$0x4] =	stream.linear.gather [hbm4b:s1+s7], $0x10, $0x38;
	[tilespmem:$0x3188] =	vst v63  }
0x5c: {  	s1 =	spop (v2sf);
	(v2sf) =	vpush v18, $0x2  }
0x5d: {  	s29 =	sand.u32 $0xF, s1  }
0x5e: {  	s30 =	sshra.s32 s1, $0x1F;
	p5 =	slt.s32 s1, $0x1;
	p6 =	sne.s32 s29, $0x0  }
0x5f: {  	s30 =	sshrl.u32 s30, $0x1C;
	p1 =	por !p5, !p6  }
0x60: {  	s29 =	simm.s32 $0x1;
	s1 =	sadd.s32 s30, s1;
	p1 =	por !p1, !p1  }
0x61: {  	s1 =	sshra.s32 s1, $0x4;
	s29 =	simm.s32 @!p1 $0x0  }
0x62: {  	s1 =	ssub.s32 s1, s29  }
0x63: {  	s29 =	sshll.u32 s5, $0xD;
	s30 =	sshll.u32 s1, $0x7  }
0x64: {  	s5 =	sshll.u32 s5, $0x7;
	s29 =	sand.u32 $0xFFFF0000, s29;
	s30 =	sand.u32 $0xFFFFFC00, s30  }
0x65: {  	s5 =	sand.u32 $0x380, s5;
	s1 =	sshll.u32 s1, $0x4;
	s29 =	sadd.s32 s29, s30  }
0x66: {  	s1 =	sand.u32 $0x70, s1;
	s5 =	sor.u32 s5, s29  }
0x67: {  	s1 =	sor.u32 s1, s5  }
0x68: {  	s1 =	sshrl.u32 s1, $0x3  }
0x69: {  	s30 =	simm.s32 $0x2C00;
	s1 =	sadd.s32 s4, s1;
	s5 =	spop (v2sf);
	(v2sf) =	vpush v19, $0x3  }
0x6a: {  	[tilespmem:s30], [sflag:$0x4] =	stream.linear.gather [hbm4b:s1+s7], $0x10, $0x38;
	[tilespmem:$0x3188] =	vst v63  }
0x6b: {  	s1 =	spop (v2sf);
	(v2sf) =	vpush v18, $0x3  }
0x6c: {  	s29 =	sand.u32 $0xF, s1  }
0x6d: {  	s30 =	sshra.s32 s1, $0x1F;
	p3 =	slt.s32 s1, $0x1;
	p4 =	sne.s32 s29, $0x0  }
0x6e: {  	s30 =	sshrl.u32 s30, $0x1C;
	p1 =	por !p3, !p4  }
0x6f: {  	s29 =	simm.s32 $0x1;
	s1 =	sadd.s32 s30, s1;
	p1 =	por !p1, !p1  }
0x70: {  	s1 =	sshra.s32 s1, $0x4;
	s29 =	simm.s32 @!p1 $0x0  }
0x71: {  	s1 =	ssub.s32 s1, s29  }
0x72: {  	s29 =	sshll.u32 s5, $0xD;
	s30 =	sshll.u32 s1, $0x7  }
0x73: {  	s5 =	sshll.u32 s5, $0x7;
	s29 =	sand.u32 $0xFFFF0000, s29;
	s30 =	sand.u32 $0xFFFFFC00, s30  }
0x74: {  	s5 =	sand.u32 $0x380, s5;
	s1 =	sshll.u32 s1, $0x4;
	s29 =	sadd.s32 s29, s30  }
0x75: {  	s1 =	sand.u32 $0x70, s1;
	s5 =	sor.u32 s5, s29  }
0x76: {  	s1 =	sor.u32 s1, s5  }
0x77: {  	s1 =	sshrl.u32 s1, $0x3  }
0x78: {  	s30 =	simm.s32 $0x2C80;
	s1 =	sadd.s32 s4, s1;
	s5 =	spop (v2sf);
	(v2sf) =	vpush v19, $0x4  }
0x79: {  	[tilespmem:s30], [sflag:$0x4] =	stream.linear.gather [hbm4b:s1+s7], $0x10, $0x38;
	[tilespmem:$0x3188] =	vst v63  }
0x7a: {  	s1 =	spop (v2sf);
	(v2sf) =	vpush v18, $0x4  }
0x7b: {  	s29 =	sand.u32 $0xF, s1  }
0x7c: {  	s30 =	sshra.s32 s1, $0x1F;
	p5 =	slt.s32 s1, $0x1;
	p6 =	sne.s32 s29, $0x0  }
0x7d: {  	s30 =	sshrl.u32 s30, $0x1C;
	p1 =	por !p5, !p6  }
0x7e: {  	s29 =	simm.s32 $0x1;
	s1 =	sadd.s32 s30, s1;
	p1 =	por !p1, !p1  }
0x7f: {  	s1 =	sshra.s32 s1, $0x4;
	s29 =	simm.s32 @!p1 $0x0  }
0x80: {  	s1 =	ssub.s32 s1, s29  }
0x81: {  	s29 =	sshll.u32 s5, $0xD;
	s30 =	sshll.u32 s1, $0x7  }
0x82: {  	s5 =	sshll.u32 s5, $0x7;
	s29 =	sand.u32 $0xFFFF0000, s29;
	s30 =	sand.u32 $0xFFFFFC00, s30  }
0x83: {  	s5 =	sand.u32 $0x380, s5;
	s1 =	sshll.u32 s1, $0x4;
	s29 =	sadd.s32 s29, s30  }
0x84: {  	s1 =	sand.u32 $0x70, s1;
	s5 =	sor.u32 s5, s29  }
0x85: {  	s1 =	sor.u32 s1, s5  }
0x86: {  	s1 =	sshrl.u32 s1, $0x3  }
0x87: {  	s30 =	simm.s32 $0x2D00;
	s1 =	sadd.s32 s4, s1;
	s5 =	spop (v2sf);
	(v2sf) =	vpush v19, $0x5  }
0x88: {  	[tilespmem:s30], [sflag:$0x4] =	stream.linear.gather [hbm4b:s1+s7], $0x10, $0x38;
	[tilespmem:$0x3188] =	vst v63  }
0x89: {  	s1 =	spop (v2sf);
	(v2sf) =	vpush v18, $0x5  }
0x8a: {  	s29 =	sand.u32 $0xF, s1  }
0x8b: {  	s30 =	sshra.s32 s1, $0x1F;
	p3 =	slt.s32 s1, $0x1;
	p4 =	sne.s32 s29, $0x0  }
0x8c: {  	s30 =	sshrl.u32 s30, $0x1C;
	p1 =	por !p3, !p4  }
0x8d: {  	s29 =	simm.s32 $0x1;
	s1 =	sadd.s32 s30, s1;
	p1 =	por !p1, !p1  }
0x8e: {  	s1 =	sshra.s32 s1, $0x4;
	s29 =	simm.s32 @!p1 $0x0  }
0x8f: {  	s1 =	ssub.s32 s1, s29  }
0x90: {  	s29 =	sshll.u32 s5, $0xD;
	s30 =	sshll.u32 s1, $0x7  }
0x91: {  	s5 =	sshll.u32 s5, $0x7;
	s29 =	sand.u32 $0xFFFF0000, s29;
	s30 =	sand.u32 $0xFFFFFC00, s30  }
0x92: {  	s5 =	sand.u32 $0x380, s5;
	s1 =	sshll.u32 s1, $0x4;
	s29 =	sadd.s32 s29, s30  }
0x93: {  	s1 =	sand.u32 $0x70, s1;
	s5 =	sor.u32 s5, s29  }
0x94: {  	s1 =	sor.u32 s1, s5  }
0x95: {  	s1 =	sshrl.u32 s1, $0x3  }
0x96: {  	s30 =	simm.s32 $0x2D80;
	s1 =	sadd.s32 s4, s1;
	s5 =	spop (v2sf);
	(v2sf) =	vpush v19, $0x6  }
0x97: {  	[tilespmem:s30], [sflag:$0x4] =	stream.linear.gather [hbm4b:s1+s7], $0x10, $0x38;
	[tilespmem:$0x3188] =	vst v63  }
0x98: {  	s1 =	spop (v2sf);
	(v2sf) =	vpush v18, $0x6  }
0x99: {  	s29 =	sand.u32 $0xF, s1  }
0x9a: {  	s30 =	sshra.s32 s1, $0x1F;
	p5 =	slt.s32 s1, $0x1;
	p6 =	sne.s32 s29, $0x0  }
0x9b: {  	s30 =	sshrl.u32 s30, $0x1C;
	p1 =	por !p5, !p6  }
0x9c: {  	s29 =	simm.s32 $0x1;
	s1 =	sadd.s32 s30, s1;
	p1 =	por !p1, !p1  }
0x9d: {  	s1 =	sshra.s32 s1, $0x4;
	s29 =	simm.s32 @!p1 $0x0  }
0x9e: {  	s1 =	ssub.s32 s1, s29  }
0x9f: {  	s29 =	sshll.u32 s5, $0xD;
	s30 =	sshll.u32 s1, $0x7  }
0xa0: {  	s5 =	sshll.u32 s5, $0x7;
	s29 =	sand.u32 $0xFFFF0000, s29;
	s30 =	sand.u32 $0xFFFFFC00, s30  }
0xa1: {  	s5 =	sand.u32 $0x380, s5;
	s1 =	sshll.u32 s1, $0x4;
	s29 =	sadd.s32 s29, s30  }
0xa2: {  	s1 =	sand.u32 $0x70, s1;
	s5 =	sor.u32 s5, s29  }
0xa3: {  	s1 =	sor.u32 s1, s5  }
0xa4: {  	s1 =	sshrl.u32 s1, $0x3  }
0xa5: {  	s30 =	simm.s32 $0x2E00;
	s1 =	sadd.s32 s4, s1;
	s5 =	spop (v2sf);
	(v2sf) =	vpush v19, $0x7  }
0xa6: {  	[tilespmem:s30], [sflag:$0x4] =	stream.linear.gather [hbm4b:s1+s7], $0x10, $0x38;
	[tilespmem:$0x3188] =	vst v63  }
0xa7: {  	s1 =	spop (v2sf);
	(v2sf) =	vpush v18, $0x7  }
0xa8: {  	s29 =	sand.u32 $0xF, s1  }
0xa9: {  	s30 =	sshra.s32 s1, $0x1F;
	p3 =	slt.s32 s1, $0x1;
	p4 =	sne.s32 s29, $0x0  }
0xaa: {  	s30 =	sshrl.u32 s30, $0x1C;
	p1 =	por !p3, !p4  }
0xab: {  	s29 =	simm.s32 $0x1;
	s1 =	sadd.s32 s30, s1;
	p1 =	por !p1, !p1  }
0xac: {  	s1 =	sshra.s32 s1, $0x4;
	s29 =	simm.s32 @!p1 $0x0  }
0xad: {  	s1 =	ssub.s32 s1, s29  }
0xae: {  	s29 =	sshll.u32 s5, $0xD;
	s30 =	sshll.u32 s1, $0x7  }
0xaf: {  	s5 =	sshll.u32 s5, $0x7;
	s29 =	sand.u32 $0xFFFF0000, s29;
	s30 =	sand.u32 $0xFFFFFC00, s30  }
0xb0: {  	s5 =	sand.u32 $0x380, s5;
	s1 =	sshll.u32 s1, $0x4;
	s29 =	sadd.s32 s29, s30  }
0xb1: {  	s1 =	sand.u32 $0x70, s1;
	s5 =	sor.u32 s5, s29  }
0xb2: {  	s1 =	sor.u32 s1, s5  }
0xb3: {  	s1 =	sshrl.u32 s1, $0x3  }
0xb4: {  	s30 =	simm.s32 $0x2E80;
	s1 =	sadd.s32 s4, s1;
	s5 =	spop (v2sf)  }
0xb5: {  	[tilespmem:s30], [sflag:$0x4] =	stream.linear.gather [hbm4b:s1+s7], $0x10, $0x38;
	[tilespmem:$0x3188] =	vst v63  }
0xb6: {  	s1 =	spop (v2sf)  }
0xb7: {  	s29 =	sand.u32 $0xF, s1  }
0xb8: {  	s30 =	sshra.s32 s1, $0x1F;
	p5 =	slt.s32 s1, $0x1;
	p6 =	sne.s32 s29, $0x0  }
0xb9: {  	s30 =	sshrl.u32 s30, $0x1C;
	p1 =	por !p5, !p6  }
0xba: {  	s29 =	simm.s32 $0x1;
	s1 =	sadd.s32 s30, s1;
	p1 =	por !p1, !p1  }
0xbb: {  	s1 =	sshra.s32 s1, $0x4;
	s29 =	simm.s32 @!p1 $0x0  }
0xbc: {  	s1 =	ssub.s32 s1, s29  }
0xbd: {  	s29 =	sshll.u32 s5, $0xD;
	s30 =	sshll.u32 s1, $0x7  }
0xbe: {  	s5 =	sshll.u32 s5, $0x7;
	s29 =	sand.u32 $0xFFFF0000, s29;
	s30 =	sand.u32 $0xFFFFFC00, s30  }
0xbf: {  	s5 =	sand.u32 $0x380, s5;
	s1 =	sshll.u32 s1, $0x4;
	s29 =	sadd.s32 s29, s30  }
0xc0: {  	s1 =	sand.u32 $0x70, s1;
	s5 =	sor.u32 s5, s29  }
0xc1: {  	s1 =	sor.u32 s1, s5  }
0xc2: {  	v19 =	vadd.s32 $0x64, v18;
	s1 =	sshrl.u32 s1, $0x3  }
0xc3: {  	v19 =	vnsel vm0, $0x0, v19;
	s30 =	simm.s32 $0x2F00;
	s1 =	sadd.s32 s4, s1  }
0xc4: {  	[tilespmem:s30], [sflag:$0x4] =	stream.linear.gather [hbm4b:s1+s7], $0x10, $0x38;
	[tilespmem:$0x3188] =	vst v63  }
0xc5: {  	_ =	swait.ge [sflag:s31], $0x2080  }
0xc6: {  	[sflag:s31] =	ssyncset.done $0x0  }
0xc7: {  	[sflag:s31] =	ssyncadd.s32 $0xFFFFDF80  }
0xc8: {  	v19 =	vld.idx.msk [tilespmem:v19+s17+$0x0], $0xffff;
	_ =	sdelay $0x4  }
0xc9: {  	v19 =	vnsel vm0, $0x0, v19  }
0xca: {  	s5 =	simm.s32 $0x280;
	[tilespmem:$0x280] =	vst v19  }
0xcb: {  	[tilespmem:s0], [sflag:$0x3] =	stream.indirect.gather [hbm4b:s2+s20], $0x80, s5, s20, $0xb8;
	[tilespmem:$0x3188] =	vst v63  }
0xcc: {  	_ =	swait.ge [sflag:s19], $0x400  }
0xcd: {  	v2 =	vld [tilespmem:$0x1FE80];
	_ =	sdelay $0x5  }
0xce: {  	[sflag:s19] =	ssyncset.done $0x0  }
0xcf: {  	[sflag:s19] =	ssyncadd.s32 $0xFFFFFC00  }
0xd0: {  	v19 =	vld.idx.msk [tilespmem:v2+s21+$0x0], $0xffff;
	_ =	sdelay $0x4  }
0xd1: {  	s29 =	simm.s32 $0x2F80;
	[tilespmem:$0x2F80] =	vst v19  }
0xd2: {  	[spmem:s11] =	stream.linear.scatter [tilespmem:s29], [sflag:$0x5], $0x8, $0x38;
	[tilespmem:$0x3188] =	vst v63  }
0xd3: {  	_ =	swait.ge [sflag:s6], $0x8  }
0xd4: {  	[sflag:s6] =	ssyncset.done $0x0  }
0xd5: {  	[sflag:s6] =	ssyncadd.s32 $0xFFFFFFF8  }
0xd6: {  	_ =	swait.ge [sflag:s31], $0x400  }
0xd7: {  	[sflag:s31] =	ssyncset.done $0x0  }
0xd8: {  	[sflag:s31] =	ssyncadd.s32 $0xFFFFFC00  }
0xd9: {  	_ =	swait.ge [sflag:s23], $0x10  }
0xda: {  	[sflag:s23] =	ssyncset.done $0x0  }
0xdb: {  	[sflag:s23] =	ssyncadd.s32 $0xFFFFFFF0  }
0xdc: {  	_ =	swait.ge [sflag:s23], $0x10  }
0xdd: {  	[sflag:s23] =	ssyncset.done $0x0  }
0xde: {  	[sflag:s23] =	ssyncadd.s32 $0xFFFFFFF0  }
0xdf: {  	_ =	swait.ge [sflag:s23], $0x10  }
0xe0: {  	[sflag:s23] =	ssyncset.done $0x0  }
0xe1: {  	[sflag:s23] =	ssyncadd.s32 $0xFFFFFFF0  }
0xe2: {  	_ =	swait.ge [sflag:s23], $0x10  }
0xe3: {  	[sflag:s23] =	ssyncset.done $0x0  }
0xe4: {  	[sflag:s23] =	ssyncadd.s32 $0xFFFFFFF0  }
0xe5: {  	_ =	swait.ge [sflag:s23], $0x10  }
0xe6: {  	[sflag:s23] =	ssyncset.done $0x0  }
0xe7: {  	[sflag:s23] =	ssyncadd.s32 $0xFFFFFFF0  }
0xe8: {  	_ =	swait.ge [sflag:s23], $0x10  }
0xe9: {  	[sflag:s23] =	ssyncset.done $0x0  }
0xea: {  	[sflag:s23] =	ssyncadd.s32 $0xFFFFFFF0  }
0xeb: {  	_ =	swait.ge [sflag:s23], $0x10  }
0xec: {  	[sflag:s23] =	ssyncset.done $0x0  }
0xed: {  	[sflag:s23] =	ssyncadd.s32 $0xFFFFFFF0  }
0xee: {  	_ =	swait.ge [sflag:s23], $0x10  }
0xef: {  	v0 =	vld [tilespmem:$0x1FE70];
	_ =	sdelay $0x2  }
0xf0: {  	v18 =	vand.u32 $0xF, v18  }
0xf1: {  	v18 =	vnsel vm0, $0x0, v18  }
0xf2: {  	[sflag:s23] =	ssyncset.done $0x0;
	v18 =	vor.u32 v0, v18  }
0xf3: {  	[sflag:s23] =	ssyncadd.s32 $0xFFFFFFF0  }
0xf4: {  	v20 =	vld.idx.msk [tilespmem:v2+s0+$0x0], $0xffff;
	_ =	sdelay $0x2  }
0xf5: {  	v18 =	vld.idx.msk [tilespmem:v18+s22+$0x0], $0xffff;
	_ =	sdelay $0x1  }
0xf6: {  	v19 =	vsub.f32 v19, v20;
	_ =	sdelay $0x1  }
0xf7: {  	[tilespmem:$0x3000] =	vst v19  }
0xf8: {  	[tilespmem:$0x3080] =	vst v18  }
0xf9: {  	[hbm4b:s12+s7] =	stream.linear.scatter [tilespmem:s24], [sflag:$0x5], $0x8, $0x38;
	[tilespmem:$0x3188] =	vst v63  }
0xfa: {  	_ =	swait.ge [sflag:s6], $0x8  }
0xfb: {  	[sflag:s6] =	ssyncset.done $0x0  }
0xfc: {  	[sflag:s6] =	ssyncadd.s32 $0xFFFFFFF8  }
0xfd: {  	[hbm4b:s13+s7] =	stream.linear.scatter [tilespmem:s25], [sflag:$0x5], $0x8, $0x38;
	[tilespmem:$0x3188] =	vst v63  }
0xfe: {  	_ =	swait.ge [sflag:s6], $0x8  }
0xff: {  	[sflag:s6] =	ssyncset.done $0x0  }
0x100: {  	[sflag:s6] =	ssyncadd.s32 $0xFFFFFFF8  }
0x101: {  	[bflag:$0x0] =	sbarrier.arrive $0xFFFF  }
0x102: {  	s30 =	rddreg [dreg:$0x7]  }
0x103: {  	[tilespmem:s26], [sflag:$0x5] =	stream.linear.gather [spmem:s30], $0x80, $0x38;
	[tilespmem:$0x3188] =	vst v63  }
0x104: {  	_ =	swait.ge [sflag:s6], $0x80  }
0x105: {  	[sflag:s6] =	ssyncset.done $0x0  }
0x106: {  	[sflag:s6] =	ssyncadd.s32 $0xFFFFFF80  }
0x107: {  	v34 =	vld.idx.msk [tilespmem:v1+s16+$0x0], $0xffff  }
0x108: {  	v35 =	vld.idx.msk [tilespmem:v1+s26+$0x0], $0xffff  }
0x109: {  	v32 =	vld [tilespmem:$0x80]  }
0x10a: {  	v33 =	vld [tilespmem:$0x180]  }
0x10b: {  	v30 =	vld [tilespmem:$0x190]  }
0x10c: {  	v22 =	vld [tilespmem:$0x1A0]  }
0x10d: {  	v18 =	vld [tilespmem:$0x1B0]  }
0x10e: {  	v21 =	vld [tilespmem:$0x1C0]  }
0x10f: {  	v24 =	vld [tilespmem:$0x1D0]  }
0x110: {  	v26 =	vld [tilespmem:$0x1E0]  }
0x111: {  	v39 =	vld.idx.msk [tilespmem:v4+s26+$0x0], $0xffff  }
0x112: {  	vm3 =	vne.s32 v5, v13;
	v0 =	vlaneseq.u32  }
0x113: {  	vm6 =	vne.s32 v1, v15;
	vm7 =	vne.s32 v1, v16;
	vm4 =	vne.s32 v1, v0  }
0x114: {  	v31 =	vld [tilespmem:$0x90];
	v56 =	vmin.f32 v33, v35;
	vm5 =	veq.s32 v32, v34;
	v25 =	vmin.f32 v30, v35  }
0x115: {  	v28 =	vld [tilespmem:$0xA0];
	v29 =	vmin.f32 v22, v35;
	v36 =	vmin.f32 v18, v35;
	v57 =	vmin.f32 v21, v35  }
0x116: {  	v19 =	vld [tilespmem:$0xB0];
	v58 =	vmin.f32 v24, v35;
	v37 =	vmin.f32 v26, v35;
	v59 =	vmin.f32 v33, v39  }
0x117: {  	v60 =	vmin.f32 v30, v39;
	v61 =	vmin.f32 v22, v39;
	v23 =	vadd.f32 $0.0e+00, v56  }
0x118: {  	v20 =	vld [tilespmem:$0xC0];
	v62 =	vmin.f32 v18, v39;
	v63 =	vmin.f32 v21, v39;
	vm4 =	vmand vm4, vm5  }
0x119: {  	vm5 =	vne.s32 v1, v17;
	v40 =	vnsel vm4, $0x0, v23;
	vm4 =	veq.s32 v31, v34  }
0x11a: {  	v44 =	vmin.f32 v24, v39;
	v56 =	vmin.f32 v26, v39;
	v23 =	vld [tilespmem:$0xD0];
	vm4 =	vmand vm5, vm4  }
0x11b: {  	vm5 =	veq.s32 v19, v34;
	v46 =	vnsel vm4, $0x0, v25;
	vm4 =	veq.s32 v28, v34;
	v25 =	vld [tilespmem:$0xE0]  }
0x11c: {  	vm5 =	vmand vm6, vm5;
	vm6 =	vne.s32 v1, v14;
	vm4 =	vmand vm7, vm4  }
0x11d: {  	v27 =	vld [tilespmem:$0xF0];
	v40 =	vadd.f32 v46, v40;
	v47 =	vnsel vm4, $0x0, v29;
	vm4 =	veq.s32 v20, v34  }
0x11e: {  	v54 =	vld.idx.msk [tilespmem:v5+s26+$0x0], $0xffff;
	v48 =	vnsel vm5, $0x0, v36;
	vm5 =	vne.s32 v1, v13;
	vm4 =	vmand vm6, vm4  }
0x11f: {  	v42 =	vld.idx.msk [tilespmem:v4+s16+$0x0], $0xffff;
	v40 =	vadd.f32 v47, v40;
	v45 =	vnsel vm4, $0x0, v57;
	vm4 =	veq.s32 v23, v34  }
0x120: {  	vm7 =	vne.s32 v1, v12;
	v29 =	vld [tilespmem:$0x1F0];
	vm6 =	veq.s32 v25, v34;
	vm4 =	vmand vm5, vm4  }
0x121: {  	vm5 =	vne.s32 v4, v16;
	v40 =	vadd.f32 v48, v40;
	vm6 =	vmand vm7, vm6  }
0x122: {  	vm7 =	vne.s32 v1, v11;
	v43 =	vnsel vm4, $0x0, v58;
	vm4 =	veq.s32 v27, v34  }
0x123: {  	v34 =	vadd.f32 $0.0e+00, v59;
	v58 =	vmin.f32 v33, v54;
	v59 =	vmin.f32 v30, v54  }
0x124: {  	v41 =	vnsel vm6, $0x0, v37;
	vm6 =	vne.s32 v4, v0;
	vm4 =	vmand vm7, vm4  }
0x125: {  	v35 =	vmin.f32 v29, v35;
	vm7 =	veq.s32 v32, v42;
	v57 =	vmin.f32 v29, v39  }
0x126: {  	v39 =	vadd.f32 $0.0e+00, v58;
	v40 =	vadd.f32 v45, v40;
	v35 =	vnsel vm4, $0x0, v35  }
0x127: {  	vm4 =	vne.s32 v4, v17;
	vm6 =	vmand vm6, vm7;
	vm7 =	veq.s32 v28, v42  }
0x128: {  	v49 =	vnsel vm6, $0x0, v34;
	vm6 =	veq.s32 v31, v42;
	vm5 =	vmand vm5, vm7  }
0x129: {  	vm7 =	vne.s32 v4, v15;
	v40 =	vadd.f32 v43, v40;
	vm4 =	vmand vm4, vm6  }
0x12a: {  	vm6 =	vne.s32 v4, v13;
	v50 =	vnsel vm4, $0x0, v60;
	vm4 =	veq.s32 v19, v42  }
0x12b: {  	v51 =	vnsel vm5, $0x0, v61;
	vm5 =	vne.s32 v4, v14;
	vm4 =	vmand vm7, vm4  }
0x12c: {  	vm7 =	veq.s32 v23, v42;
	v52 =	vnsel vm4, $0x0, v62;
	vm4 =	veq.s32 v20, v42  }
0x12d: {  	v53 =	vld.idx.msk [tilespmem:v5+s16+$0x0], $0xffff;
	v61 =	vmin.f32 v18, v54;
	vm6 =	vmand vm6, vm7;
	vm5 =	vmand vm5, vm4  }
0x12e: {  	vm7 =	vne.s32 v4, v12;
	v38 =	vnsel vm5, $0x0, v63;
	vm5 =	veq.s32 v25, v42  }
0x12f: {  	v60 =	vmin.f32 v22, v54;
	v49 =	vadd.f32 v49, v50;
	vm5 =	vmand vm7, vm5  }
0x130: {  	vm7 =	vne.s32 v4, v11;
	v37 =	vnsel vm5, $0x0, v56;
	vm5 =	veq.s32 v27, v42  }
0x131: {  	v62 =	vmin.f32 v26, v54;
	v36 =	vnsel vm6, $0x0, v44;
	vm5 =	vmand vm7, vm5  }
0x132: {  	vm7 =	vne.s32 v5, v0;
	v34 =	vnsel vm5, $0x0, v57;
	vm5 =	veq.s32 v32, v53  }
0x133: {  	vm6 =	vne.s32 v5, v17;
	vm5 =	vmand vm7, vm5;
	vm7 =	veq.s32 v31, v53  }
0x134: {  	vm4 =	vne.s32 v5, v15;
	v42 =	vmin.f32 v24, v54;
	vm6 =	vmand vm6, vm7  }
0x135: {  	vm7 =	vne.s32 v5, v16;
	v55 =	vnsel vm5, $0x0, v39;
	vm5 =	veq.s32 v28, v53  }
0x136: {  	v39 =	vmin.f32 v21, v54;
	v56 =	vnsel vm6, $0x0, v59;
	vm5 =	vmand vm7, vm5  }
0x137: {  	vm6 =	veq.s32 v19, v53;
	vm7 =	vne.s32 v5, v14;
	v57 =	vnsel vm5, $0x0, v60  }
0x138: {  	v59 =	vld.idx.msk [tilespmem:v6+s26+$0x0], $0xffff;
	vm4 =	vmand vm4, vm6;
	vm5 =	veq.s32 v20, v53;
	vm6 =	veq.s32 v23, v53  }
0x139: {  	v60 =	vld.idx.msk [tilespmem:v6+s16+$0x0], $0xffff;
	v58 =	vnsel vm4, $0x0, v61;
	vm4 =	vmand vm7, vm5;
	vm3 =	vmand vm3, vm6  }
0x13a: {  	vm5 =	vne.s32 v5, v12;
	v44 =	vnsel vm3, $0x0, v42;
	vm3 =	veq.s32 v25, v53  }
0x13b: {  	v61 =	vnsel vm4, $0x0, v39;
	vm4 =	vne.s32 v6, v0;
	vm3 =	vmand vm5, vm3  }
0x13c: {  	v0 =	vld [tilespmem:$0x1FFF0];
	vm5 =	vne.s32 v5, v11;
	v42 =	vnsel vm3, $0x0, v62;
	vm3 =	veq.s32 v27, v53  }
0x13d: {  	v63 =	vmin.f32 v29, v54;
	v62 =	vmin.f32 v33, v59;
	vm3 =	vmand vm5, vm3  }
0x13e: {  	v53 =	vadd.f32 $0.0e+00, v62;
	v39 =	vnsel vm3, $0x0, v63;
	vm3 =	veq.s32 v32, v60  }
0x13f: {  	v41 =	vadd.f32 v41, v40;
	v43 =	vadd.f32 v49, v51;
	vm3 =	vmand vm4, vm3  }
0x140: {  	vm4 =	vne.s32 v6, v17;
	v46 =	vnsel vm3, $0x0, v53;
	vm3 =	veq.s32 v31, v60  }
0x141: {  	v43 =	vadd.f32 v43, v52;
	v63 =	vmin.f32 v30, v59;
	vm3 =	vmand vm4, vm3  }
0x142: {  	vm4 =	vne.s32 v6, v16;
	v47 =	vnsel vm3, $0x0, v63;
	vm3 =	veq.s32 v28, v60  }
0x143: {  	v54 =	vmin.f32 v24, v59;
	v62 =	vmin.f32 v22, v59;
	vm3 =	vmand vm4, vm3  }
0x144: {  	v50 =	vld.idx.msk [tilespmem:v0+s26+$0x0], $0xffff;
	vm4 =	vne.s32 v6, v15;
	v48 =	vnsel vm3, $0x0, v62;
	vm3 =	veq.s32 v19, v60  }
0x145: {  	vm5 =	vne.s32 v6, v14;
	v63 =	vmin.f32 v18, v59;
	vm3 =	vmand vm4, vm3  }
0x146: {  	v62 =	vmin.f32 v21, v59;
	vm4 =	veq.s32 v20, v60;
	v53 =	vnsel vm3, $0x0, v63  }
0x147: {  	vm3 =	vne.s32 v6, v12;
	vm4 =	vmand vm5, vm4;
	vm5 =	vne.s32 v6, v13  }
0x148: {  	v63 =	vmin.f32 v26, v59;
	v59 =	vmin.f32 v29, v59;
	v45 =	vnsel vm4, $0x0, v62;
	v62 =	vld.idx.msk [tilespmem:v0+s16+$0x0], $0xffff  }
0x149: {  	vm4 =	veq.s32 v23, v60;
	v3 =	vmin.f32 v21, v50;
	v0 =	vmin.f32 v24, v50  }
0x14a: {  	v7 =	vmin.f32 v26, v50;
	vm4 =	vmand vm5, vm4;
	vm5 =	veq.s32 v25, v60  }
0x14b: {  	v54 =	vnsel vm4, $0x0, v54;
	vm3 =	vmand vm3, vm5;
	vm4 =	vne.s32 v6, v11  }
0x14c: {  	v49 =	vnsel vm3, $0x0, v63;
	vm3 =	veq.s32 v27, v60;
	v63 =	vmin.f32 v33, v50  }
0x14d: {  	vm3 =	vmand vm4, vm3;
	v60 =	vadd.f32 $0.0e+00, v63;
	vm4 =	veq.s32 v32, v62  }
0x14e: {  	v40 =	vnsel vm3, $0x0, v59;
	vm3 =	vmand vm2, vm4;
	vm4 =	veq.s32 v31, v62  }
0x14f: {  	v51 =	vnsel vm3, $0x0, v60;
	vm3 =	vmand vm1, vm4;
	vm4 =	veq.s32 v28, v62  }
0x150: {  	v63 =	vmin.f32 v30, v50;
	v60 =	vmin.f32 v22, v50;
	vm4 =	vmand vm15, vm4  }
0x151: {  	v52 =	vnsel vm3, $0x0, v63;
	vm3 =	veq.s32 v19, v62;
	v63 =	vld.idx.msk [tilespmem:v8+s26+$0x0], $0xffff;
	v59 =	vnsel vm4, $0x0, v60  }
0x152: {  	v2 =	vld.idx.msk [tilespmem:v8+s16+$0x0], $0xffff;
	vm3 =	vmand vm14, vm3;
	v60 =	vmin.f32 v18, v50;
	vm4 =	veq.s32 v20, v62  }
0x153: {  	v60 =	vnsel vm3, $0x0, v60;
	vm3 =	vmand vm13, vm4;
	vm4 =	veq.s32 v23, v62  }
0x154: {  	vm4 =	vmand vm12, vm4;
	v3 =	vnsel vm3, $0x0, v3;
	vm3 =	veq.s32 v25, v62  }
0x155: {  	v50 =	vmin.f32 v29, v50;
	v0 =	vnsel vm4, $0x0, v0;
	vm3 =	vmand vm11, vm3  }
0x156: {  	vm4 =	veq.s32 v27, v62;
	v7 =	vnsel vm3, $0x0, v7;
	v62 =	vmin.f32 v33, v63  }
0x157: {  	vm3 =	vmand vm10, vm4;
	vm4 =	veq.s32 v32, v2;
	v62 =	vadd.f32 $0.0e+00, v62  }
0x158: {  	v35 =	vadd.f32 v35, v41;
	v50 =	vnsel vm3, $0x0, v50;
	vm3 =	vmand vm9, vm4  }
0x159: {  	v38 =	vadd.f32 v43, v38;
	v41 =	vnsel vm3, $0x0, v62;
	vm3 =	veq.s32 v31, v2  }
0x15a: {  	v62 =	vmin.f32 v30, v63;
	vm3 =	vmand vm8, vm3  }
0x15b: {  	v36 =	vadd.f32 v38, v36;
	v38 =	vnsel vm3, $0x0, v62;
	v62 =	vld [tilespmem:$0x1FFE0];
	_ =	sdelay $0x1  }
0x15c: {  	v43 =	vadd.f32 v55, v56;
	_ =	sdelay $0x1  }
0x15d: {  	v43 =	vadd.f32 v43, v57  }
0x15e: {  	vm3 =	veq.s32 v28, v2;
	vm4 =	vnez.u8 v62  }
0x15f: {  	v43 =	vadd.f32 v43, v58;
	v58 =	vld [tilespmem:$0x1FFD0];
	v57 =	vmin.f32 v22, v63;
	vm3 =	vmand vm4, vm3  }
0x160: {  	v36 =	vadd.f32 v36, v37;
	v37 =	vnsel vm3, $0x0, v57;
	v57 =	vld [tilespmem:$0x1FFC0];
	_ =	sdelay $0x2  }
0x161: {  	v43 =	vadd.f32 v43, v61;
	v61 =	vld [tilespmem:$0x1FFB0]  }
0x162: {  	v46 =	vadd.f32 v46, v47;
	vm4 =	vnez.u8 v58;
	vm3 =	veq.s32 v19, v2  }
0x163: {  	v62 =	vmin.f32 v18, v63;
	vm3 =	vmand vm4, vm3;
	vm4 =	vnez.u8 v57;
	v57 =	vld [tilespmem:$0x1FFA0]  }
0x164: {  	v47 =	vnsel vm3, $0x0, v62;
	vm3 =	veq.s32 v20, v2  }
0x165: {  	v46 =	vadd.f32 v46, v48;
	v58 =	vmin.f32 v21, v63;
	vm3 =	vmand vm4, vm3  }
0x166: {  	vm4 =	vnez.u8 v61;
	v48 =	vnsel vm3, $0x0, v58;
	vm3 =	veq.s32 v23, v2  }
0x167: {  	v43 =	vadd.f32 v43, v44;
	v62 =	vmin.f32 v24, v63;
	vm3 =	vmand vm4, vm3  }
0x168: {  	v44 =	vnsel vm3, $0x0, v62;
	vm3 =	veq.s32 v25, v2;
	vm4 =	vnez.u8 v57  }
0x169: {  	v55 =	vld.idx.msk [tilespmem:v9+s26+$0x0], $0xffff;
	v58 =	vmin.f32 v26, v63;
	vm3 =	vmand vm4, vm3  }
0x16a: {  	v42 =	vadd.f32 v43, v42;
	v43 =	vnsel vm3, $0x0, v58;
	vm3 =	veq.s32 v27, v2;
	v2 =	vld [tilespmem:$0x1FF90]  }
0x16b: {  	v56 =	vld.idx.msk [tilespmem:v9+s16+$0x0], $0xffff;
	v46 =	vadd.f32 v46, v53  }
0x16c: {  	v62 =	vld [tilespmem:$0x1FF80]  }
0x16d: {  	v34 =	vadd.f32 v36, v34;
	v45 =	vadd.f32 v46, v45  }
0x16e: {  	v36 =	vadd.f32 v42, v39;
	v53 =	vadd.f32 v51, v52;
	v61 =	vmin.f32 v33, v55  }
0x16f: {  	vm4 =	vnez.u8 v2;
	v2 =	vmin.f32 v29, v63;
	v63 =	vadd.f32 v45, v54;
	v54 =	vld [tilespmem:$0x1FF70]  }
0x170: {  	v46 =	vadd.f32 $0.0e+00, v61;
	v58 =	vld [tilespmem:$0x1FF60];
	v45 =	vadd.f32 v53, v59;
	vm3 =	vmand vm4, vm3  }
0x171: {  	vm4 =	vnez.u8 v62;
	v2 =	vnsel vm3, $0x0, v2;
	vm3 =	veq.s32 v32, v56  }
0x172: {  	v52 =	vmin.f32 v29, v55;
	v45 =	vadd.f32 v45, v60;
	v60 =	vld [tilespmem:$0x1FF50];
	vm3 =	vmand vm4, vm3  }
0x173: {  	v38 =	vadd.f32 v41, v38;
	v57 =	vmin.f32 v30, v55;
	v42 =	vnsel vm3, $0x0, v46  }
0x174: {  	vm3 =	veq.s32 v31, v56;
	v3 =	vadd.f32 v45, v3;
	vm4 =	vnez.u8 v54  }
0x175: {  	v39 =	vadd.f32 v63, v49;
	v63 =	vld [tilespmem:$0x1FF40];
	vm3 =	vmand vm4, vm3;
	vm4 =	vnez.u8 v58  }
0x176: {  	v0 =	vadd.f32 v3, v0;
	v46 =	vnsel vm3, $0x0, v57;
	vm3 =	veq.s32 v28, v56  }
0x177: {  	v59 =	vmin.f32 v22, v55;
	v3 =	vld [tilespmem:$0x1FF30];
	vm3 =	vmand vm4, vm3;
	vm4 =	vnez.u8 v60  }
0x178: {  	v0 =	vadd.f32 v0, v7;
	v7 =	vld [tilespmem:$0x1FF20];
	v41 =	vnsel vm3, $0x0, v59;
	vm3 =	veq.s32 v19, v56  }
0x179: {  	v37 =	vadd.f32 v38, v37;
	v61 =	vmin.f32 v18, v55;
	vm3 =	vmand vm4, vm3  }
0x17a: {  	vm4 =	vnez.u8 v63;
	v62 =	vnsel vm3, $0x0, v61;
	vm3 =	veq.s32 v20, v56  }
0x17b: {  	v51 =	vld [tilespmem:$0x1FF10];
	v37 =	vadd.f32 v37, v47;
	v49 =	vmin.f32 v21, v55;
	vm3 =	vmand vm4, vm3  }
0x17c: {  	v47 =	vld.idx.msk [tilespmem:v10+s26+$0x0], $0xffff;
	vm4 =	vnez.u8 v3;
	v45 =	vnsel vm3, $0x0, v49;
	vm3 =	veq.s32 v23, v56  }
0x17d: {  	v3 =	vmin.f32 v24, v55;
	v49 =	vld.idx.msk [tilespmem:v10+s16+$0x0], $0xffff;
	vm3 =	vmand vm4, vm3;
	vm4 =	vnez.u8 v7  }
0x17e: {  	v7 =	vmin.f32 v26, v55;
	v55 =	vld [tilespmem:$0x1FF00];
	v3 =	vnsel vm3, $0x0, v3;
	vm3 =	veq.s32 v25, v56  }
0x17f: {  	vm3 =	vmand vm4, vm3  }
0x180: {  	v37 =	vadd.f32 v37, v48;
	v7 =	vnsel vm3, $0x0, v7;
	vm3 =	veq.s32 v27, v56;
	v56 =	vld [tilespmem:$0x1FEF0]  }
0x181: {  	v33 =	vmin.f32 v33, v47;
	vm4 =	vnez.u8 v51  }
0x182: {  	v37 =	vadd.f32 v37, v44;
	v53 =	vadd.f32 $0.0e+00, v33;
	v59 =	vld [tilespmem:$0x1FEE0];
	vm3 =	vmand vm4, vm3  }
0x183: {  	v44 =	vnsel vm3, $0x0, v52;
	vm3 =	veq.s32 v32, v49;
	vm4 =	vnez.u8 v55  }
0x184: {  	v61 =	vld [tilespmem:$0x1FED0];
	vm3 =	vmand vm4, vm3  }
0x185: {  	v32 =	vnsel vm3, $0x0, v53;
	vm3 =	veq.s32 v31, v49;
	vm4 =	vnez.u8 v56  }
0x186: {  	v30 =	vmin.f32 v30, v47;
	vm3 =	vmand vm4, vm3  }
0x187: {  	vm4 =	vnez.u8 v59;
	v30 =	vnsel vm3, $0x0, v30;
	vm3 =	veq.s32 v28, v49  }
0x188: {  	v22 =	vmin.f32 v22, v47;
	v58 =	vadd.f32 v32, v30;
	vm3 =	vmand vm4, vm3  }
0x189: {  	vm4 =	vnez.u8 v61;
	v22 =	vnsel vm3, $0x0, v22;
	vm3 =	veq.s32 v19, v49  }
0x18a: {  	v18 =	vmin.f32 v18, v47;
	v19 =	vadd.f32 v58, v22;
	vm3 =	vmand vm4, vm3  }
0x18b: {  	v18 =	vnsel vm3, $0x0, v18  }
0x18c: {  	v18 =	vadd.f32 v19, v18;
	v19 =	vld [tilespmem:$0x1FEC0];
	_ =	sdelay $0x4  }
0x18d: {  	vm3 =	veq.s32 v20, v49;
	vm4 =	vnez.u8 v19  }
0x18e: {  	v19 =	vmin.f32 v21, v47;
	vm3 =	vmand vm4, vm3  }
0x18f: {  	v19 =	vnsel vm3, $0x0, v19  }
0x190: {  	v18 =	vadd.f32 v18, v19;
	v19 =	vld [tilespmem:$0x1FEB0];
	_ =	sdelay $0x4  }
0x191: {  	v57 =	vadd.f32 v42, v46;
	vm3 =	veq.s32 v23, v49;
	vm4 =	vnez.u8 v19  }
0x192: {  	v19 =	vmin.f32 v24, v47;
	vm3 =	vmand vm4, vm3  }
0x193: {  	v60 =	vadd.f32 v57, v41;
	v19 =	vnsel vm3, $0x0, v19  }
0x194: {  	v18 =	vadd.f32 v18, v19;
	v19 =	vld [tilespmem:$0x1FEA0]  }
0x195: {  	v62 =	vadd.f32 v60, v62;
	_ =	sdelay $0x1  }
0x196: {  	v63 =	vadd.f32 v62, v45;
	_ =	sdelay $0x1  }
0x197: {  	v3 =	vadd.f32 v63, v3;
	vm3 =	veq.s32 v25, v49;
	vm4 =	vnez.u8 v19  }
0x198: {  	v19 =	vmin.f32 v26, v47;
	vm3 =	vmand vm4, vm3  }
0x199: {  	v3 =	vadd.f32 v3, v7;
	v7 =	vnsel vm3, $0x0, v19;
	v19 =	vld [tilespmem:$0x1FE90]  }
0x19a: {  	(xrf2) =	vadd.scan.msk.f32 $0xffff, v35  }
0x19b: {  	(xrf2) =	vadd.scan.msk.f32 $0xffff, v34;
	v37 =	vadd.f32 v37, v43;
	v54 =	vadd.f32 v39, v40  }
0x19c: {  	(xrf2) =	vadd.scan.msk.f32 $0xffff, v36  }
0x19d: {  	v2 =	vadd.f32 v37, v2;
	(xrf2) =	vadd.scan.msk.f32 $0xffff, v54  }
0x19e: {  	v0 =	vadd.f32 v0, v50;
	vm3 =	veq.s32 v27, v49;
	vm4 =	vnez.u8 v19  }
0x19f: {  	v7 =	vadd.f32 v18, v7;
	v18 =	vmin.f32 v29, v47;
	vm3 =	vmand vm4, vm3  }
0x1a0: {  	(xrf2) =	vadd.scan.msk.f32 $0xffff, v0;
	v0 =	vadd.f32 v3, v44;
	v3 =	vnsel vm3, $0x0, v18  }
0x1a1: {  	(xrf2) =	vadd.scan.msk.f32 $0xffff, v2;
	v2 =	vadd.f32 v7, v3  }
0x1a2: {  	(xrf2) =	vadd.scan.msk.f32 $0xffff, v0  }
0x1a3: {  	(xrf2) =	vadd.scan.msk.f32 $0xffff, v2  }
0x1a4: {  	v0, _, _ =	vpop (xrf2)  }
0x1a5: {  	v2, _, _ =	vpop (xrf2)  }
0x1a6: {  	v3, _, _ =	vpop (xrf2);
	v2 =	vbroadcast v2, $0xF  }
0x1a7: {  	v0 =	vbroadcast v0, $0xF;
	v7, _, _ =	vpop (xrf2);
	v3 =	vbroadcast v3, $0xF  }
0x1a8: {  	vm3 =	vmmov $0x1;
	v7 =	vbroadcast v7, $0xF  }
0x1a9: {  	v0 =	vnsel vm3, $0x0, v0;
	vm3 =	vcmask $0x320  }
0x1aa: {  	v0 =	vsel vm3, v0, v2;
	vm3 =	vcmask $0x720;
	v2, _, _ =	vpop (xrf2)  }
0x1ab: {  	v0 =	vsel vm3, v0, v3;
	vm3 =	vcmask $0xB20;
	v3, _, _ =	vpop (xrf2);
	v2 =	vbroadcast v2, $0xF  }
0x1ac: {  	v0 =	vsel vm3, v0, v7;
	vm3 =	vcmask $0xF20;
	v7, _, _ =	vpop (xrf2);
	v3 =	vbroadcast v3, $0xF  }
0x1ad: {  	v0 =	vsel vm3, v0, v2;
	v2 =	vbroadcast v7, $0xF;
	v7, _, _ =	vpop (xrf2);
	vm3 =	vcmask $0x1320  }
0x1ae: {  	v0 =	vsel vm3, v0, v3;
	v3 =	vbroadcast v7, $0xF;
	vm3 =	vcmask $0x1720  }
0x1af: {  	v0 =	vsel vm3, v0, v2;
	vm3 =	vcmask $0x1B20  }
0x1b0: {  	v0 =	vsel vm3, v0, v3  }
.Ltmp3:
0x1b1: {  	[tilespmem:$0x3100] =	vst v0;
	(pc) =	sbr.rel .LBB2_4-.Ltmp3, $4  }
0x1b2: {  	[hbm4b:s14+s7] =	stream.linear.scatter [tilespmem:s28], [sflag:$0x5], $0x8, $0x38;
	[tilespmem:$0x3188] =	vst v63  }
0x1b3: {  	_ =	swait.ge [sflag:s6], $0x8  }
0x1b4: {  	[sflag:s6] =	ssyncset.done $0x0  }
0x1b5: {  	[sflag:s6] =	ssyncadd.s32 $0xFFFFFFF8  }
.LBB2_5:
0x1b6: {  	_ =	sfence.sel $0x180000  }
0x1b7: {  	[bflag:$0x0] =	sbarrier.arrive $0xFFFF  }
0x1b8: {  	_ =	strace $0x90000047  }
0x1b9: {  	s0 =	stileid.u32;
	[bflag:$0x2] =	sbarrier.arrive $0xFFFF  }
0x1ba: {  	p0 =	sne.s32 s0, $0x0;
	s0 =	rddreg [dreg:$0x8]  }
0x1bb: {  	s0 =	sadd.s32 @!p0 $0x100000, s0  }
0x1bc: {  	[sflag:s0] =	ssyncadd.tile.s32 @!p0 $0x1;
	_ =	shalt  }
.Lfunc_end2:
_tile_overlayer_lowered:
.L_overlay_start_2:
0x1bd: {  	(tag) =	ssettag $0x2  }
0x1be: {  	s0 =	rddreg [dreg:$0x0];
	s2 =	stileid.u32  }
0x1bf: {  	s1 =	rddreg [dreg:$0x1];
	p0 =	sne.s32 s2, $0x0  }
0x1c0: {  	s3 =	rddreg [dreg:$0x2];
	[bflag:$0x3] =	sbarrier.arrive $0xFFFF;
	s2 =	simm.s32 @!p0 $0x1C05  }
0x1c1: {  	[timem:s3], [sflag:s2] =	dma.local @!p0 [hbm:s0], s1  }
0x1c2: {  	s0 =	simm.s32 @!p0 $0x5  }
0x1c3: {  	_ =	swait.ge @!p0 [sflag:s0], s1  }
0x1c4: {  	s1 =	ssub.s32 @!p0 $0x0, s1;
	[sflag:s0] =	ssyncset.done @!p0 $0x0  }
0x1c5: {  	[sflag:s0] =	ssyncadd.s32 @!p0 s1  }
0x1c6: {  	[bflag:$0x3] =	sbarrier.arrive $0xFFFF  }
0x1c7: {  	_ =	shalt  }

</sc_bundles>
